<compile_context>
chip_gen: v7x
topology: tpu7x:2x2x1
jax: 0.10.2.dev20260603
libtpu: 0.0.44.dev20260713+nightly
codegen_flags: <defaults>
</compile_context>

<pallas_src>
import functools
import jax
import jax.numpy as jnp
from jax import lax
from jax.experimental import pallas as pl
from jax.experimental.pallas import tpu as pltpu
from jax.experimental.pallas import tpu_sc as plsc

_K = 8192
_D = 768
_B = 4096
_ETA = 0.05
_EB = 2048
_MB = 2048
_NE = _B // _EB
_NM = _K // _MB
_STEPS = _NE + _NM

_NW = 16
_CH = _K // _NW
_NV = _CH // 16
_BIG = 2 ** 30


def _stream_body(eng_ref, m_ref,
                 mnew_ref, pmax_ref, pidx_ref, emean_ref,
                 eacc_ref, en_ref):
    i = pl.program_id(0)

    @pl.when(i == 0)
    def _():
        eacc_ref[...] = jnp.sum(eng_ref[...], axis=0, keepdims=True)

    @pl.when(jnp.logical_and(i > 0, i < _NE))
    def _():
        eacc_ref[...] += jnp.sum(eng_ref[...], axis=0, keepdims=True)

    @pl.when(i == _NE)
    def _():
        e = eacc_ref[...] / _B
        en_ref[...] = e / (jnp.sqrt(jnp.sum(e * e)) + 1e-6)

    @pl.when(i >= _NE)
    def _():
        c = i - _NE
        chunk = m_ref[...]
        mnew_ref[...] = chunk

        dot = jnp.dot(chunk, en_ref[...].reshape(_D, 1),
                      preferred_element_type=jnp.float32)
        nsq = jnp.sum(chunk * chunk, axis=1, keepdims=True)
        simc = dot * lax.rsqrt(jnp.maximum(nsq, 1e-24))

        lmax = jnp.max(simc)
        ii = lax.broadcasted_iota(jnp.int32, (_MB, 1), 0)
        lidx = jnp.min(jnp.where(simc == lmax, ii, _K)) + c * _MB
        pmax_ref[c] = lmax
        pidx_ref[c] = lidx

    @pl.when(i == _STEPS - 1)
    def _():
        emean_ref[...] = eacc_ref[...] / _B


def _sc_tail_body(pmax_hbm, pidx_hbm, usage_hbm, age_hbm,
                    idx_hbm, unew_hbm, anew_hbm,
                    u_v, a_v, tmpf_v, tmpi_v):
    w = lax.axis_index("s")

    pltpu.sync_copy(usage_hbm, u_v)
    pltpu.sync_copy(age_hbm, a_v)
    pltpu.sync_copy(pmax_hbm, tmpf_v)
    pltpu.sync_copy(pidx_hbm, tmpi_v)

    lane = lax.broadcasted_iota(jnp.int32, (16,), 0)

    def body(j, carry):
        worst, widx = carry
        u16 = u_v[pl.ds(j * 16, 16)]
        a16 = a_v[pl.ds(j * 16, 16)]
        sc = u16 - 0.01 * a16
        gi = lane + j * 16
        mw = sc < worst
        return jnp.where(mw, sc, worst), jnp.where(mw, gi, widx)

    worst, widx = lax.fori_loop(
        0, _K // 16, body,
        (jnp.full((16,), jnp.inf, jnp.float32),
         jnp.full((16,), _BIG, jnp.int32)))

    fmin = worst[0]
    fb = widx[0]
    for l in range(1, 16):
        bet = jnp.logical_or(
            worst[l] < fmin,
            jnp.logical_and(worst[l] == fmin, widx[l] < fb))
        fmin = jnp.where(bet, worst[l], fmin)
        fb = jnp.where(bet, widx[l], fb)

    pm = tmpf_v[...]
    pi = tmpi_v[...]
    gmax = pm[0]
    gidx = pi[0]
    for c in range(1, 4):
        better = pm[c] > gmax
        gmax = jnp.where(better, pm[c], gmax)
        gidx = jnp.where(better, pi[c], gidx)

    idx = jnp.where(gmax < 0.3, fb, gidx)
    idxv = jnp.full((16,), idx, jnp.int32)
    tmpi_v[...] = idxv
    pltpu.sync_copy(tmpi_v, idx_hbm)

    base = w * _CH
    for j in range(_NV):
        gi = lane + base + j * 16
        hot = (gi == idxv)
        u16 = u_v[pl.ds(base + j * 16, 16)]
        a16 = a_v[pl.ds(base + j * 16, 16)]
        u_v[pl.ds(base + j * 16, 16)] = \
            (u16 + jnp.where(hot, 1.0, 0.0)) * 0.999
        a_v[pl.ds(base + j * 16, 16)] = jnp.where(hot, 0.0, a16 + 1.0)

    pltpu.sync_copy(u_v.at[pl.ds(base, _CH)], unew_hbm.at[pl.ds(base, _CH)])
    pltpu.sync_copy(a_v.at[pl.ds(base, _CH)], anew_hbm.at[pl.ds(base, _CH)])


def _make_sc_tail():
    mesh = plsc.VectorSubcoreMesh(core_axis_name="c", subcore_axis_name="s",
                                  num_cores=1)
    return pl.kernel(
        _sc_tail_body,
        mesh=mesh,
        out_type=[
            jax.ShapeDtypeStruct((16,), jnp.int32),
            jax.ShapeDtypeStruct((_K,), jnp.float32),
            jax.ShapeDtypeStruct((_K,), jnp.float32),
        ],
        scratch_types=[
            pltpu.VMEM((_K,), jnp.float32),
            pltpu.VMEM((_K,), jnp.float32),
            pltpu.VMEM((16,), jnp.float32),
            pltpu.VMEM((16,), jnp.int32),
        ],
    )


def _fixup_body(idx_sref, mblk_ref, e_ref, out_ref):
    r = lax.rem(idx_sref[0], 8)
    out_ref[...] = mblk_ref[...]
    out_ref[pl.ds(r, 1), :] = ((1.0 - _ETA) * mblk_ref[pl.ds(r, 1), :]
                               + _ETA * e_ref[...])


def kernel(M, usage, age, engram):
    m_copy, pmax, pidx, e_mean = pl.pallas_call(
        _stream_body,
        grid=(_STEPS,),
        in_specs=[
            pl.BlockSpec((_EB, _D), lambda i: (jnp.minimum(i, _NE - 1), 0)),
            pl.BlockSpec((_MB, _D), lambda i: (jnp.maximum(i - _NE, 0), 0)),
        ],
        out_specs=[
            pl.BlockSpec((_MB, _D), lambda i: (jnp.maximum(i - _NE, 0), 0)),
            pl.BlockSpec(memory_space=pltpu.SMEM),
            pl.BlockSpec(memory_space=pltpu.SMEM),
            pl.BlockSpec((1, _D), lambda i: (0, 0)),
        ],
        out_shape=[
            jax.ShapeDtypeStruct((_K, _D), jnp.float32),
            jax.ShapeDtypeStruct((16,), jnp.float32),
            jax.ShapeDtypeStruct((16,), jnp.int32),
            jax.ShapeDtypeStruct((1, _D), jnp.float32),
        ],
        scratch_shapes=[
            pltpu.VMEM((1, _D), jnp.float32),
            pltpu.VMEM((1, _D), jnp.float32),
        ],
    )(engram, M)

    idx, u_new, a_new = _make_sc_tail()(pmax, pidx, usage, age)

    m_new = pl.pallas_call(
        _fixup_body,
        grid_spec=pltpu.PrefetchScalarGridSpec(
            num_scalar_prefetch=1,
            grid=(1,),
            in_specs=[
                pl.BlockSpec((8, _D), lambda i, idx_s: (idx_s[0] // 8, 0)),
                pl.BlockSpec((1, _D), lambda i, idx_s: (0, 0)),
            ],
            out_specs=pl.BlockSpec((8, _D), lambda i, idx_s: (idx_s[0] // 8, 0)),
        ),
        out_shape=jax.ShapeDtypeStruct((_K, _D), jnp.float32),
        input_output_aliases={1: 0},
    )(idx, m_copy, e_mean)

    return m_new, u_new, a_new

# --- scband reference (transcript-rebuilt; emitter-appended) ---
"""Pipeline reference for scband-hebbian-memory-31645319037106 (READ-ONLY COPY).

The authoritative reference and input builder live on the scoring server;
editing this copy changes nothing except your own understanding.
"""

import jax, jax.numpy as jnp
import numpy as np

K = 8192
D = 768
ETA = 0.05
B = 4096

def _normalize_rows(x, eps=1e-12):
    n = jnp.linalg.norm(x, axis=-1, keepdims=True)
    return x / jnp.maximum(n, eps)

def setup_inputs(seed: int = 0) -> dict:
    key = jax.random.key(seed)
    k1, k2 = jax.random.split(key)
    M = jax.random.normal(k1, (K, D), dtype=jnp.float32) * 0.02
    usage = jnp.zeros((K,), dtype=jnp.float32)
    age = jnp.zeros((K,), dtype=jnp.float32)
    engram = jax.random.normal(k2, (B, D), dtype=jnp.float32)
    return {"M": M, "usage": usage, "age": age, "engram": engram}

def reference(M, usage, age, engram):
    # HebbianMemory.write: nearest-code search + Hebbian EMA slot update (torch.no_grad path)
    e = jax.lax.stop_gradient(engram)  # engram.detach()
    if e.ndim > 1:
        e = e.mean(axis=0)
    e = e.reshape(-1)[:D]
    e_norm = e / (jnp.linalg.norm(e) + 1e-6)
    M_norm = _normalize_rows(M)                      # F.normalize(self.M, dim=1)
    sim = M_norm @ e_norm                            # (K,)
    best_sim = jnp.max(sim)
    best_idx = jnp.argmax(sim)
    score = usage - 0.01 * age
    fallback_idx = jnp.argmin(score)
    idx = jnp.where(best_sim < 0.3, fallback_idx, best_idx)
    eta = ETA
    M_new = M.at[idx].set((1.0 - eta) * M[idx] + eta * e)
    usage_new = usage.at[idx].add(1.0) * 0.999       # usage[idx]+=1 then usage*=0.999
    age_new = (age + 1.0).at[idx].set(0.0)           # age+=1 then age[idx]=0
    return M_new, usage_new, age_new

if __name__ == "__main__":
    import jax
    _d = setup_inputs()
    print(jax.jit(kernel)(*tuple(_d.values())))

</pallas_src>

<mosaic_0001>
#map = affine_map<(d0, d1) -> (0)>
module attributes {stable_mosaic.version = 14 : i64} {
  func.func @_sc_tail_body(%arg0: i32, %arg1: i32, %arg2: memref<16xf32, #tpu.memory_space<hbm>>, %arg3: memref<16xi32, #tpu.memory_space<hbm>>, %arg4: memref<8192xf32, #tpu.memory_space<hbm>>, %arg5: memref<8192xf32, #tpu.memory_space<hbm>>, %arg6: memref<16xi32, #tpu.memory_space<hbm>>, %arg7: memref<8192xf32, #tpu.memory_space<hbm>>, %arg8: memref<8192xf32, #tpu.memory_space<hbm>>, %arg9: memref<8192xf32, #tpu.memory_space<vmem>>, %arg10: memref<8192xf32, #tpu.memory_space<vmem>>, %arg11: memref<16xf32, #tpu.memory_space<vmem>>, %arg12: memref<16xi32, #tpu.memory_space<vmem>>) attributes {dimension_semantics = [#tpu.dimension_semantics<core_parallel>, #tpu.dimension_semantics<subcore_parallel>], iteration_bounds = array<i64: 1, 16>, scalar_prefetch = 0 : i64, scratch_operands = 4 : i64, tpu.core_type = #tpu.core_type<sc_vector_subcore>, window_params = [{transform_indices = #map}, {transform_indices = #map}, {transform_indices = #map}, {transform_indices = #map}, {transform_indices = #map}, {transform_indices = #map}, {transform_indices = #map}]} {
    "tpu.region"() ({
      %run_scoped3A = tpu.sem_alloc : memref<!tpu.dma_semaphore, #tpu.memory_space<semaphore_mem>>
      tpu.enqueue_dma source(%arg4 : memref<8192xf32, #tpu.memory_space<hbm>>) target(%arg9 : memref<8192xf32, #tpu.memory_space<vmem>>) target_semaphore(%run_scoped3A : memref<!tpu.dma_semaphore, #tpu.memory_space<semaphore_mem>>)
      tpu.wait_dma2 semaphore(%run_scoped3A : memref<!tpu.dma_semaphore, #tpu.memory_space<semaphore_mem>>) src(%arg4 : memref<8192xf32, #tpu.memory_space<hbm>>) dst(%arg9 : memref<8192xf32, #tpu.memory_space<vmem>>)
      tpu.yield
    }) : () -> ()
    "tpu.region"() ({
      %run_scoped3A = tpu.sem_alloc : memref<!tpu.dma_semaphore, #tpu.memory_space<semaphore_mem>>
      tpu.enqueue_dma source(%arg5 : memref<8192xf32, #tpu.memory_space<hbm>>) target(%arg10 : memref<8192xf32, #tpu.memory_space<vmem>>) target_semaphore(%run_scoped3A : memref<!tpu.dma_semaphore, #tpu.memory_space<semaphore_mem>>)
      tpu.wait_dma2 semaphore(%run_scoped3A : memref<!tpu.dma_semaphore, #tpu.memory_space<semaphore_mem>>) src(%arg5 : memref<8192xf32, #tpu.memory_space<hbm>>) dst(%arg10 : memref<8192xf32, #tpu.memory_space<vmem>>)
      tpu.yield
    }) : () -> ()
    "tpu.region"() ({
      %run_scoped3A = tpu.sem_alloc : memref<!tpu.dma_semaphore, #tpu.memory_space<semaphore_mem>>
      tpu.enqueue_dma source(%arg2 : memref<16xf32, #tpu.memory_space<hbm>>) target(%arg11 : memref<16xf32, #tpu.memory_space<vmem>>) target_semaphore(%run_scoped3A : memref<!tpu.dma_semaphore, #tpu.memory_space<semaphore_mem>>)
      tpu.wait_dma2 semaphore(%run_scoped3A : memref<!tpu.dma_semaphore, #tpu.memory_space<semaphore_mem>>) src(%arg2 : memref<16xf32, #tpu.memory_space<hbm>>) dst(%arg11 : memref<16xf32, #tpu.memory_space<vmem>>)
      tpu.yield
    }) : () -> ()
    "tpu.region"() ({
      %run_scoped3A = tpu.sem_alloc : memref<!tpu.dma_semaphore, #tpu.memory_space<semaphore_mem>>
      tpu.enqueue_dma source(%arg3 : memref<16xi32, #tpu.memory_space<hbm>>) target(%arg12 : memref<16xi32, #tpu.memory_space<vmem>>) target_semaphore(%run_scoped3A : memref<!tpu.dma_semaphore, #tpu.memory_space<semaphore_mem>>)
      tpu.wait_dma2 semaphore(%run_scoped3A : memref<!tpu.dma_semaphore, #tpu.memory_space<semaphore_mem>>) src(%arg3 : memref<16xi32, #tpu.memory_space<hbm>>) dst(%arg12 : memref<16xi32, #tpu.memory_space<vmem>>)
      tpu.yield
    }) : () -> ()
    %iota3A = tpu.iota {dimensions = array<i32: 0>} : vector<16xi32>
    %broadcast_in_dim3A = arith.constant 0x7F800000 : f32
    %broadcast_in_dim3A_0 = vector.broadcast %broadcast_in_dim3A : f32 to vector<16xf32>
    %broadcast_in_dim3A_1 = arith.constant 1073741824 : i32
    %broadcast_in_dim3A_2 = vector.broadcast %broadcast_in_dim3A_1 : i32 to vector<16xi32>
    %scan3A = arith.constant 0 : i32
    %scan3A_3 = arith.constant 512 : i32
    %scan3A_4 = arith.addi %scan3A, %scan3A_3 : i32
    %scan3A_5 = arith.constant 1 : i32
    %scan3A_6:2 = scf.for %scan3A_1677 = %scan3A to %scan3A_4 step %scan3A_5 iter_args(%scan3A_1678 = %broadcast_in_dim3A_0, %scan3A_1679 = %broadcast_in_dim3A_2) -> (vector<16xf32>, vector<16xi32>)  : i32 {
      %mul3A_1680 = arith.constant 16 : i32
      %mul3A_1681 = arith.muli %scan3A_1677, %mul3A_1680 : i32
      %get3A_1682 = arith.index_cast %mul3A_1681 : i32 to index
      %get3A_1683 = tpu.vector_load %arg9[%get3A_1682] {strides = array<i32>} : memref<8192xf32, #tpu.memory_space<vmem>>, vector<16xf32>,
      %get3A_1684 = vector.shape_cast %get3A_1683 : vector<16xf32> to vector<16xf32>
      %mul3A_1685 = arith.constant 16 : i32
      %mul3A_1686 = arith.muli %scan3A_1677, %mul3A_1685 : i32
      %get3A_1687 = arith.index_cast %mul3A_1686 : i32 to index
      %get3A_1688 = tpu.vector_load %arg10[%get3A_1687] {strides = array<i32>} : memref<8192xf32, #tpu.memory_space<vmem>>, vector<16xf32>,
      %get3A_1689 = vector.shape_cast %get3A_1688 : vector<16xf32> to vector<16xf32>
      %mul3A_1690 = arith.constant 0.00999999977 : f32
      %mul3A_1691 = vector.broadcast %mul3A_1690 : f32 to vector<16xf32>
      %mul3A_1692 = arith.mulf %mul3A_1691, %get3A_1689 : vector<16xf32>
      %sub3A = arith.subf %get3A_1684, %mul3A_1692 : vector<16xf32>
      %mul3A_1693 = arith.constant 16 : i32
      %mul3A_1694 = arith.muli %scan3A_1677, %mul3A_1693 : i32
      %add3A_1695 = vector.broadcast %mul3A_1694 : i32 to vector<16xi32>
      %add3A_1696 = arith.addi %iota3A, %add3A_1695 : vector<16xi32>
      %lt3A_1697 = arith.cmpf olt, %sub3A, %scan3A_1678 : vector<16xf32>
      %select_n3A_1698 = arith.select %lt3A_1697, %sub3A, %scan3A_1678 : vector<16xi1>, vector<16xf32>
      %select_n3A_1699 = arith.select %lt3A_1697, %add3A_1696, %scan3A_1679 : vector<16xi1>, vector<16xi32>
      scf.yield %select_n3A_1698, %select_n3A_1699 : vector<16xf32>, vector<16xi32>
    }
    %scan3A_7 = arith.constant 512 : i32
    %slice3A = vector.extract_strided_slice %scan3A_6#0 {offsets = [0], sizes = [1], strides = [1]} : vector<16xf32> to vector<1xf32>
    %squeeze3A = vector.extract %slice3A[0] : f32 from vector<1xf32>
    %slice3A_8 = vector.extract_strided_slice %scan3A_6#1 {offsets = [0], sizes = [1], strides = [1]} : vector<16xi32> to vector<1xi32>
    %squeeze3A_9 = vector.extract %slice3A_8[0] : i32 from vector<1xi32>
    %slice3A_10 = vector.extract_strided_slice %scan3A_6#0 {offsets = [1], sizes = [1], strides = [1]} : vector<16xf32> to vector<1xf32>
    %squeeze3A_11 = vector.extract %slice3A_10[0] : f32 from vector<1xf32>
    %lt3A = arith.cmpf olt, %squeeze3A_11, %squeeze3A : f32
    %slice3A_12 = vector.extract_strided_slice %scan3A_6#0 {offsets = [1], sizes = [1], strides = [1]} : vector<16xf32> to vector<1xf32>
    %squeeze3A_13 = vector.extract %slice3A_12[0] : f32 from vector<1xf32>
    %eq3A = arith.cmpf oeq, %squeeze3A_13, %squeeze3A : f32
    %slice3A_14 = vector.extract_strided_slice %scan3A_6#1 {offsets = [1], sizes = [1], strides = [1]} : vector<16xi32> to vector<1xi32>
    %squeeze3A_15 = vector.extract %slice3A_14[0] : i32 from vector<1xi32>
    %lt3A_16 = arith.cmpi slt, %squeeze3A_15, %squeeze3A_9 : i32
    %and3A = arith.andi %eq3A, %lt3A_16 : i1
    %or3A = arith.ori %lt3A, %and3A : i1
    %slice3A_17 = vector.extract_strided_slice %scan3A_6#0 {offsets = [1], sizes = [1], strides = [1]} : vector<16xf32> to vector<1xf32>
    %squeeze3A_18 = vector.extract %slice3A_17[0] : f32 from vector<1xf32>
    %select_n3A = arith.select %or3A, %squeeze3A_18, %squeeze3A : f32
    %slice3A_19 = vector.extract_strided_slice %scan3A_6#1 {offsets = [1], sizes = [1], strides = [1]} : vector<16xi32> to vector<1xi32>
    %squeeze3A_20 = vector.extract %slice3A_19[0] : i32 from vector<1xi32>
    %select_n3A_21 = arith.select %or3A, %squeeze3A_20, %squeeze3A_9 : i32
    %slice3A_22 = vector.extract_strided_slice %scan3A_6#0 {offsets = [2], sizes = [1], strides = [1]} : vector<16xf32> to vector<1xf32>
    %squeeze3A_23 = vector.extract %slice3A_22[0] : f32 from vector<1xf32>
    %lt3A_24 = arith.cmpf olt, %squeeze3A_23, %select_n3A : f32
    %slice3A_25 = vector.extract_strided_slice %scan3A_6#0 {offsets = [2], sizes = [1], strides = [1]} : vector<16xf32> to vector<1xf32>
    %squeeze3A_26 = vector.extract %slice3A_25[0] : f32 from vector<1xf32>
    %eq3A_27 = arith.cmpf oeq, %squeeze3A_26, %select_n3A : f32
    %slice3A_28 = vector.extract_strided_slice %scan3A_6#1 {offsets = [2], sizes = [1], strides = [1]} : vector<16xi32> to vector<1xi32>
    %squeeze3A_29 = vector.extract %slice3A_28[0] : i32 from vector<1xi32>
    %lt3A_30 = arith.cmpi slt, %squeeze3A_29, %select_n3A_21 : i32
    %and3A_31 = arith.andi %eq3A_27, %lt3A_30 : i1
    %or3A_32 = arith.ori %lt3A_24, %and3A_31 : i1
    %slice3A_33 = vector.extract_strided_slice %scan3A_6#0 {offsets = [2], sizes = [1], strides = [1]} : vector<16xf32> to vector<1xf32>
    %squeeze3A_34 = vector.extract %slice3A_33[0] : f32 from vector<1xf32>
    %select_n3A_35 = arith.select %or3A_32, %squeeze3A_34, %select_n3A : f32
    %slice3A_36 = vector.extract_strided_slice %scan3A_6#1 {offsets = [2], sizes = [1], strides = [1]} : vector<16xi32> to vector<1xi32>
    %squeeze3A_37 = vector.extract %slice3A_36[0] : i32 from vector<1xi32>
    %select_n3A_38 = arith.select %or3A_32, %squeeze3A_37, %select_n3A_21 : i32
    %slice3A_39 = vector.extract_strided_slice %scan3A_6#0 {offsets = [3], sizes = [1], strides = [1]} : vector<16xf32> to vector<1xf32>
    %squeeze3A_40 = vector.extract %slice3A_39[0] : f32 from vector<1xf32>
    %lt3A_41 = arith.cmpf olt, %squeeze3A_40, %select_n3A_35 : f32
    %slice3A_42 = vector.extract_strided_slice %scan3A_6#0 {offsets = [3], sizes = [1], strides = [1]} : vector<16xf32> to vector<1xf32>
    %squeeze3A_43 = vector.extract %slice3A_42[0] : f32 from vector<1xf32>
    %eq3A_44 = arith.cmpf oeq, %squeeze3A_43, %select_n3A_35 : f32
    %slice3A_45 = vector.extract_strided_slice %scan3A_6#1 {offsets = [3], sizes = [1], strides = [1]} : vector<16xi32> to vector<1xi32>
    %squeeze3A_46 = vector.extract %slice3A_45[0] : i32 from vector<1xi32>
    %lt3A_47 = arith.cmpi slt, %squeeze3A_46, %select_n3A_38 : i32
    %and3A_48 = arith.andi %eq3A_44, %lt3A_47 : i1
    %or3A_49 = arith.ori %lt3A_41, %and3A_48 : i1
    %slice3A_50 = vector.extract_strided_slice %scan3A_6#0 {offsets = [3], sizes = [1], strides = [1]} : vector<16xf32> to vector<1xf32>
    %squeeze3A_51 = vector.extract %slice3A_50[0] : f32 from vector<1xf32>
    %select_n3A_52 = arith.select %or3A_49, %squeeze3A_51, %select_n3A_35 : f32
    %slice3A_53 = vector.extract_strided_slice %scan3A_6#1 {offsets = [3], sizes = [1], strides = [1]} : vector<16xi32> to vector<1xi32>
    %squeeze3A_54 = vector.extract %slice3A_53[0] : i32 from vector<1xi32>
    %select_n3A_55 = arith.select %or3A_49, %squeeze3A_54, %select_n3A_38 : i32
    %slice3A_56 = vector.extract_strided_slice %scan3A_6#0 {offsets = [4], sizes = [1], strides = [1]} : vector<16xf32> to vector<1xf32>
    %squeeze3A_57 = vector.extract %slice3A_56[0] : f32 from vector<1xf32>
    %lt3A_58 = arith.cmpf olt, %squeeze3A_57, %select_n3A_52 : f32
    %slice3A_59 = vector.extract_strided_slice %scan3A_6#0 {offsets = [4], sizes = [1], strides = [1]} : vector<16xf32> to vector<1xf32>
    %squeeze3A_60 = vector.extract %slice3A_59[0] : f32 from vector<1xf32>
    %eq3A_61 = arith.cmpf oeq, %squeeze3A_60, %select_n3A_52 : f32
    %slice3A_62 = vector.extract_strided_slice %scan3A_6#1 {offsets = [4], sizes = [1], strides = [1]} : vector<16xi32> to vector<1xi32>
    %squeeze3A_63 = vector.extract %slice3A_62[0] : i32 from vector<1xi32>
    %lt3A_64 = arith.cmpi slt, %squeeze3A_63, %select_n3A_55 : i32
    %and3A_65 = arith.andi %eq3A_61, %lt3A_64 : i1
    %or3A_66 = arith.ori %lt3A_58, %and3A_65 : i1
    %slice3A_67 = vector.extract_strided_slice %scan3A_6#0 {offsets = [4], sizes = [1], strides = [1]} : vector<16xf32> to vector<1xf32>
    %squeeze3A_68 = vector.extract %slice3A_67[0] : f32 from vector<1xf32>
    %select_n3A_69 = arith.select %or3A_66, %squeeze3A_68, %select_n3A_52 : f32
    %slice3A_70 = vector.extract_strided_slice %scan3A_6#1 {offsets = [4], sizes = [1], strides = [1]} : vector<16xi32> to vector<1xi32>
    %squeeze3A_71 = vector.extract %slice3A_70[0] : i32 from vector<1xi32>
    %select_n3A_72 = arith.select %or3A_66, %squeeze3A_71, %select_n3A_55 : i32
    %slice3A_73 = vector.extract_strided_slice %scan3A_6#0 {offsets = [5], sizes = [1], strides = [1]} : vector<16xf32> to vector<1xf32>
    %squeeze3A_74 = vector.extract %slice3A_73[0] : f32 from vector<1xf32>
    %lt3A_75 = arith.cmpf olt, %squeeze3A_74, %select_n3A_69 : f32
    %slice3A_76 = vector.extract_strided_slice %scan3A_6#0 {offsets = [5], sizes = [1], strides = [1]} : vector<16xf32> to vector<1xf32>
    %squeeze3A_77 = vector.extract %slice3A_76[0] : f32 from vector<1xf32>
    %eq3A_78 = arith.cmpf oeq, %squeeze3A_77, %select_n3A_69 : f32
    %slice3A_79 = vector.extract_strided_slice %scan3A_6#1 {offsets = [5], sizes = [1], strides = [1]} : vector<16xi32> to vector<1xi32>
    %squeeze3A_80 = vector.extract %slice3A_79[0] : i32 from vector<1xi32>
    %lt3A_81 = arith.cmpi slt, %squeeze3A_80, %select_n3A_72 : i32
    %and3A_82 = arith.andi %eq3A_78, %lt3A_81 : i1
    %or3A_83 = arith.ori %lt3A_75, %and3A_82 : i1
    %slice3A_84 = vector.extract_strided_slice %scan3A_6#0 {offsets = [5], sizes = [1], strides = [1]} : vector<16xf32> to vector<1xf32>
    %squeeze3A_85 = vector.extract %slice3A_84[0] : f32 from vector<1xf32>
    %select_n3A_86 = arith.select %or3A_83, %squeeze3A_85, %select_n3A_69 : f32
    %slice3A_87 = vector.extract_strided_slice %scan3A_6#1 {offsets = [5], sizes = [1], strides = [1]} : vector<16xi32> to vector<1xi32>
    %squeeze3A_88 = vector.extract %slice3A_87[0] : i32 from vector<1xi32>
    %select_n3A_89 = arith.select %or3A_83, %squeeze3A_88, %select_n3A_72 : i32
    %slice3A_90 = vector.extract_strided_slice %scan3A_6#0 {offsets = [6], sizes = [1], strides = [1]} : vector<16xf32> to vector<1xf32>
    %squeeze3A_91 = vector.extract %slice3A_90[0] : f32 from vector<1xf32>
    %lt3A_92 = arith.cmpf olt, %squeeze3A_91, %select_n3A_86 : f32
    %slice3A_93 = vector.extract_strided_slice %scan3A_6#0 {offsets = [6], sizes = [1], strides = [1]} : vector<16xf32> to vector<1xf32>
    %squeeze3A_94 = vector.extract %slice3A_93[0] : f32 from vector<1xf32>
    %eq3A_95 = arith.cmpf oeq, %squeeze3A_94, %select_n3A_86 : f32
    %slice3A_96 = vector.extract_strided_slice %scan3A_6#1 {offsets = [6], sizes = [1], strides = [1]} : vector<16xi32> to vector<1xi32>
    %squeeze3A_97 = vector.extract %slice3A_96[0] : i32 from vector<1xi32>
    %lt3A_98 = arith.cmpi slt, %squeeze3A_97, %select_n3A_89 : i32
    %and3A_99 = arith.andi %eq3A_95, %lt3A_98 : i1
    %or3A_100 = arith.ori %lt3A_92, %and3A_99 : i1
    %slice3A_101 = vector.extract_strided_slice %scan3A_6#0 {offsets = [6], sizes = [1], strides = [1]} : vector<16xf32> to vector<1xf32>
    %squeeze3A_102 = vector.extract %slice3A_101[0] : f32 from vector<1xf32>
    %select_n3A_103 = arith.select %or3A_100, %squeeze3A_102, %select_n3A_86 : f32
    %slice3A_104 = vector.extract_strided_slice %scan3A_6#1 {offsets = [6], sizes = [1], strides = [1]} : vector<16xi32> to vector<1xi32>
    %squeeze3A_105 = vector.extract %slice3A_104[0] : i32 from vector<1xi32>
    %select_n3A_106 = arith.select %or3A_100, %squeeze3A_105, %select_n3A_89 : i32
    %slice3A_107 = vector.extract_strided_slice %scan3A_6#0 {offsets = [7], sizes = [1], strides = [1]} : vector<16xf32> to vector<1xf32>
    %squeeze3A_108 = vector.extract %slice3A_107[0] : f32 from vector<1xf32>
    %lt3A_109 = arith.cmpf olt, %squeeze3A_108, %select_n3A_103 : f32
    %slice3A_110 = vector.extract_strided_slice %scan3A_6#0 {offsets = [7], sizes = [1], strides = [1]} : vector<16xf32> to vector<1xf32>
    %squeeze3A_111 = vector.extract %slice3A_110[0] : f32 from vector<1xf32>
    %eq3A_112 = arith.cmpf oeq, %squeeze3A_111, %select_n3A_103 : f32
    %slice3A_113 = vector.extract_strided_slice %scan3A_6#1 {offsets = [7], sizes = [1], strides = [1]} : vector<16xi32> to vector<1xi32>
    %squeeze3A_114 = vector.extract %slice3A_113[0] : i32 from vector<1xi32>
    %lt3A_115 = arith.cmpi slt, %squeeze3A_114, %select_n3A_106 : i32
    %and3A_116 = arith.andi %eq3A_112, %lt3A_115 : i1
    %or3A_117 = arith.ori %lt3A_109, %and3A_116 : i1
    %slice3A_118 = vector.extract_strided_slice %scan3A_6#0 {offsets = [7], sizes = [1], strides = [1]} : vector<16xf32> to vector<1xf32>
    %squeeze3A_119 = vector.extract %slice3A_118[0] : f32 from vector<1xf32>
    %select_n3A_120 = arith.select %or3A_117, %squeeze3A_119, %select_n3A_103 : f32
    %slice3A_121 = vector.extract_strided_slice %scan3A_6#1 {offsets = [7], sizes = [1], strides = [1]} : vector<16xi32> to vector<1xi32>
    %squeeze3A_122 = vector.extract %slice3A_121[0] : i32 from vector<1xi32>
    %select_n3A_123 = arith.select %or3A_117, %squeeze3A_122, %select_n3A_106 : i32
    %slice3A_124 = vector.extract_strided_slice %scan3A_6#0 {offsets = [8], sizes = [1], strides = [1]} : vector<16xf32> to vector<1xf32>
    %squeeze3A_125 = vector.extract %slice3A_124[0] : f32 from vector<1xf32>
    %lt3A_126 = arith.cmpf olt, %squeeze3A_125, %select_n3A_120 : f32
    %slice3A_127 = vector.extract_strided_slice %scan3A_6#0 {offsets = [8], sizes = [1], strides = [1]} : vector<16xf32> to vector<1xf32>
    %squeeze3A_128 = vector.extract %slice3A_127[0] : f32 from vector<1xf32>
    %eq3A_129 = arith.cmpf oeq, %squeeze3A_128, %select_n3A_120 : f32
    %slice3A_130 = vector.extract_strided_slice %scan3A_6#1 {offsets = [8], sizes = [1], strides = [1]} : vector<16xi32> to vector<1xi32>
    %squeeze3A_131 = vector.extract %slice3A_130[0] : i32 from vector<1xi32>
    %lt3A_132 = arith.cmpi slt, %squeeze3A_131, %select_n3A_123 : i32
    %and3A_133 = arith.andi %eq3A_129, %lt3A_132 : i1
    %or3A_134 = arith.ori %lt3A_126, %and3A_133 : i1
    %slice3A_135 = vector.extract_strided_slice %scan3A_6#0 {offsets = [8], sizes = [1], strides = [1]} : vector<16xf32> to vector<1xf32>
    %squeeze3A_136 = vector.extract %slice3A_135[0] : f32 from vector<1xf32>
    %select_n3A_137 = arith.select %or3A_134, %squeeze3A_136, %select_n3A_120 : f32
    %slice3A_138 = vector.extract_strided_slice %scan3A_6#1 {offsets = [8], sizes = [1], strides = [1]} : vector<16xi32> to vector<1xi32>
    %squeeze3A_139 = vector.extract %slice3A_138[0] : i32 from vector<1xi32>
    %select_n3A_140 = arith.select %or3A_134, %squeeze3A_139, %select_n3A_123 : i32
    %slice3A_141 = vector.extract_strided_slice %scan3A_6#0 {offsets = [9], sizes = [1], strides = [1]} : vector<16xf32> to vector<1xf32>
    %squeeze3A_142 = vector.extract %slice3A_141[0] : f32 from vector<1xf32>
    %lt3A_143 = arith.cmpf olt, %squeeze3A_142, %select_n3A_137 : f32
    %slice3A_144 = vector.extract_strided_slice %scan3A_6#0 {offsets = [9], sizes = [1], strides = [1]} : vector<16xf32> to vector<1xf32>
    %squeeze3A_145 = vector.extract %slice3A_144[0] : f32 from vector<1xf32>
    %eq3A_146 = arith.cmpf oeq, %squeeze3A_145, %select_n3A_137 : f32
    %slice3A_147 = vector.extract_strided_slice %scan3A_6#1 {offsets = [9], sizes = [1], strides = [1]} : vector<16xi32> to vector<1xi32>
    %squeeze3A_148 = vector.extract %slice3A_147[0] : i32 from vector<1xi32>
    %lt3A_149 = arith.cmpi slt, %squeeze3A_148, %select_n3A_140 : i32
    %and3A_150 = arith.andi %eq3A_146, %lt3A_149 : i1
    %or3A_151 = arith.ori %lt3A_143, %and3A_150 : i1
    %slice3A_152 = vector.extract_strided_slice %scan3A_6#0 {offsets = [9], sizes = [1], strides = [1]} : vector<16xf32> to vector<1xf32>
    %squeeze3A_153 = vector.extract %slice3A_152[0] : f32 from vector<1xf32>
    %select_n3A_154 = arith.select %or3A_151, %squeeze3A_153, %select_n3A_137 : f32
    %slice3A_155 = vector.extract_strided_slice %scan3A_6#1 {offsets = [9], sizes = [1], strides = [1]} : vector<16xi32> to vector<1xi32>
    %squeeze3A_156 = vector.extract %slice3A_155[0] : i32 from vector<1xi32>
    %select_n3A_157 = arith.select %or3A_151, %squeeze3A_156, %select_n3A_140 : i32
    %slice3A_158 = vector.extract_strided_slice %scan3A_6#0 {offsets = [10], sizes = [1], strides = [1]} : vector<16xf32> to vector<1xf32>
    %squeeze3A_159 = vector.extract %slice3A_158[0] : f32 from vector<1xf32>
    %lt3A_160 = arith.cmpf olt, %squeeze3A_159, %select_n3A_154 : f32
    %slice3A_161 = vector.extract_strided_slice %scan3A_6#0 {offsets = [10], sizes = [1], strides = [1]} : vector<16xf32> to vector<1xf32>
    %squeeze3A_162 = vector.extract %slice3A_161[0] : f32 from vector<1xf32>
    %eq3A_163 = arith.cmpf oeq, %squeeze3A_162, %select_n3A_154 : f32
    %slice3A_164 = vector.extract_strided_slice %scan3A_6#1 {offsets = [10], sizes = [1], strides = [1]} : vector<16xi32> to vector<1xi32>
    %squeeze3A_165 = vector.extract %slice3A_164[0] : i32 from vector<1xi32>
    %lt3A_166 = arith.cmpi slt, %squeeze3A_165, %select_n3A_157 : i32
    %and3A_167 = arith.andi %eq3A_163, %lt3A_166 : i1
    %or3A_168 = arith.ori %lt3A_160, %and3A_167 : i1
    %slice3A_169 = vector.extract_strided_slice %scan3A_6#0 {offsets = [10], sizes = [1], strides = [1]} : vector<16xf32> to vector<1xf32>
    %squeeze3A_170 = vector.extract %slice3A_169[0] : f32 from vector<1xf32>
    %select_n3A_171 = arith.select %or3A_168, %squeeze3A_170, %select_n3A_154 : f32
    %slice3A_172 = vector.extract_strided_slice %scan3A_6#1 {offsets = [10], sizes = [1], strides = [1]} : vector<16xi32> to vector<1xi32>
    %squeeze3A_173 = vector.extract %slice3A_172[0] : i32 from vector<1xi32>
    %select_n3A_174 = arith.select %or3A_168, %squeeze3A_173, %select_n3A_157 : i32
    %slice3A_175 = vector.extract_strided_slice %scan3A_6#0 {offsets = [11], sizes = [1], strides = [1]} : vector<16xf32> to vector<1xf32>
    %squeeze3A_176 = vector.extract %slice3A_175[0] : f32 from vector<1xf32>
    %lt3A_177 = arith.cmpf olt, %squeeze3A_176, %select_n3A_171 : f32
    %slice3A_178 = vector.extract_strided_slice %scan3A_6#0 {offsets = [11], sizes = [1], strides = [1]} : vector<16xf32> to vector<1xf32>
    %squeeze3A_179 = vector.extract %slice3A_178[0] : f32 from vector<1xf32>
    %eq3A_180 = arith.cmpf oeq, %squeeze3A_179, %select_n3A_171 : f32
    %slice3A_181 = vector.extract_strided_slice %scan3A_6#1 {offsets = [11], sizes = [1], strides = [1]} : vector<16xi32> to vector<1xi32>
    %squeeze3A_182 = vector.extract %slice3A_181[0] : i32 from vector<1xi32>
    %lt3A_183 = arith.cmpi slt, %squeeze3A_182, %select_n3A_174 : i32
    %and3A_184 = arith.andi %eq3A_180, %lt3A_183 : i1
    %or3A_185 = arith.ori %lt3A_177, %and3A_184 : i1
    %slice3A_186 = vector.extract_strided_slice %scan3A_6#0 {offsets = [11], sizes = [1], strides = [1]} : vector<16xf32> to vector<1xf32>
    %squeeze3A_187 = vector.extract %slice3A_186[0] : f32 from vector<1xf32>
    %select_n3A_188 = arith.select %or3A_185, %squeeze3A_187, %select_n3A_171 : f32
    %slice3A_189 = vector.extract_strided_slice %scan3A_6#1 {offsets = [11], sizes = [1], strides = [1]} : vector<16xi32> to vector<1xi32>
    %squeeze3A_190 = vector.extract %slice3A_189[0] : i32 from vector<1xi32>
    %select_n3A_191 = arith.select %or3A_185, %squeeze3A_190, %select_n3A_174 : i32
    %slice3A_192 = vector.extract_strided_slice %scan3A_6#0 {offsets = [12], sizes = [1], strides = [1]} : vector<16xf32> to vector<1xf32>
    %squeeze3A_193 = vector.extract %slice3A_192[0] : f32 from vector<1xf32>
    %lt3A_194 = arith.cmpf olt, %squeeze3A_193, %select_n3A_188 : f32
    %slice3A_195 = vector.extract_strided_slice %scan3A_6#0 {offsets = [12], sizes = [1], strides = [1]} : vector<16xf32> to vector<1xf32>
    %squeeze3A_196 = vector.extract %slice3A_195[0] : f32 from vector<1xf32>
    %eq3A_197 = arith.cmpf oeq, %squeeze3A_196, %select_n3A_188 : f32
    %slice3A_198 = vector.extract_strided_slice %scan3A_6#1 {offsets = [12], sizes = [1], strides = [1]} : vector<16xi32> to vector<1xi32>
    %squeeze3A_199 = vector.extract %slice3A_198[0] : i32 from vector<1xi32>
    %lt3A_200 = arith.cmpi slt, %squeeze3A_199, %select_n3A_191 : i32
    %and3A_201 = arith.andi %eq3A_197, %lt3A_200 : i1
    %or3A_202 = arith.ori %lt3A_194, %and3A_201 : i1
    %slice3A_203 = vector.extract_strided_slice %scan3A_6#0 {offsets = [12], sizes = [1], strides = [1]} : vector<16xf32> to vector<1xf32>
    %squeeze3A_204 = vector.extract %slice3A_203[0] : f32 from vector<1xf32>
    %select_n3A_205 = arith.select %or3A_202, %squeeze3A_204, %select_n3A_188 : f32
    %slice3A_206 = vector.extract_strided_slice %scan3A_6#1 {offsets = [12], sizes = [1], strides = [1]} : vector<16xi32> to vector<1xi32>
    %squeeze3A_207 = vector.extract %slice3A_206[0] : i32 from vector<1xi32>
    %select_n3A_208 = arith.select %or3A_202, %squeeze3A_207, %select_n3A_191 : i32
    %slice3A_209 = vector.extract_strided_slice %scan3A_6#0 {offsets = [13], sizes = [1], strides = [1]} : vector<16xf32> to vector<1xf32>
    %squeeze3A_210 = vector.extract %slice3A_209[0] : f32 from vector<1xf32>
    %lt3A_211 = arith.cmpf olt, %squeeze3A_210, %select_n3A_205 : f32
    %slice3A_212 = vector.extract_strided_slice %scan3A_6#0 {offsets = [13], sizes = [1], strides = [1]} : vector<16xf32> to vector<1xf32>
    %squeeze3A_213 = vector.extract %slice3A_212[0] : f32 from vector<1xf32>
    %eq3A_214 = arith.cmpf oeq, %squeeze3A_213, %select_n3A_205 : f32
    %slice3A_215 = vector.extract_strided_slice %scan3A_6#1 {offsets = [13], sizes = [1], strides = [1]} : vector<16xi32> to vector<1xi32>
    %squeeze3A_216 = vector.extract %slice3A_215[0] : i32 from vector<1xi32>
    %lt3A_217 = arith.cmpi slt, %squeeze3A_216, %select_n3A_208 : i32
    %and3A_218 = arith.andi %eq3A_214, %lt3A_217 : i1
    %or3A_219 = arith.ori %lt3A_211, %and3A_218 : i1
    %slice3A_220 = vector.extract_strided_slice %scan3A_6#0 {offsets = [13], sizes = [1], strides = [1]} : vector<16xf32> to vector<1xf32>
    %squeeze3A_221 = vector.extract %slice3A_220[0] : f32 from vector<1xf32>
    %select_n3A_222 = arith.select %or3A_219, %squeeze3A_221, %select_n3A_205 : f32
    %slice3A_223 = vector.extract_strided_slice %scan3A_6#1 {offsets = [13], sizes = [1], strides = [1]} : vector<16xi32> to vector<1xi32>
    %squeeze3A_224 = vector.extract %slice3A_223[0] : i32 from vector<1xi32>
    %select_n3A_225 = arith.select %or3A_219, %squeeze3A_224, %select_n3A_208 : i32
    %slice3A_226 = vector.extract_strided_slice %scan3A_6#0 {offsets = [14], sizes = [1], strides = [1]} : vector<16xf32> to vector<1xf32>
    %squeeze3A_227 = vector.extract %slice3A_226[0] : f32 from vector<1xf32>
    %lt3A_228 = arith.cmpf olt, %squeeze3A_227, %select_n3A_222 : f32
    %slice3A_229 = vector.extract_strided_slice %scan3A_6#0 {offsets = [14], sizes = [1], strides = [1]} : vector<16xf32> to vector<1xf32>
    %squeeze3A_230 = vector.extract %slice3A_229[0] : f32 from vector<1xf32>
    %eq3A_231 = arith.cmpf oeq, %squeeze3A_230, %select_n3A_222 : f32
    %slice3A_232 = vector.extract_strided_slice %scan3A_6#1 {offsets = [14], sizes = [1], strides = [1]} : vector<16xi32> to vector<1xi32>
    %squeeze3A_233 = vector.extract %slice3A_232[0] : i32 from vector<1xi32>
    %lt3A_234 = arith.cmpi slt, %squeeze3A_233, %select_n3A_225 : i32
    %and3A_235 = arith.andi %eq3A_231, %lt3A_234 : i1
    %or3A_236 = arith.ori %lt3A_228, %and3A_235 : i1
    %slice3A_237 = vector.extract_strided_slice %scan3A_6#0 {offsets = [14], sizes = [1], strides = [1]} : vector<16xf32> to vector<1xf32>
    %squeeze3A_238 = vector.extract %slice3A_237[0] : f32 from vector<1xf32>
    %select_n3A_239 = arith.select %or3A_236, %squeeze3A_238, %select_n3A_222 : f32
    %slice3A_240 = vector.extract_strided_slice %scan3A_6#1 {offsets = [14], sizes = [1], strides = [1]} : vector<16xi32> to vector<1xi32>
    %squeeze3A_241 = vector.extract %slice3A_240[0] : i32 from vector<1xi32>
    %select_n3A_242 = arith.select %or3A_236, %squeeze3A_241, %select_n3A_225 : i32
    %slice3A_243 = vector.extract_strided_slice %scan3A_6#0 {offsets = [15], sizes = [1], strides = [1]} : vector<16xf32> to vector<1xf32>
    %squeeze3A_244 = vector.extract %slice3A_243[0] : f32 from vector<1xf32>
    %lt3A_245 = arith.cmpf olt, %squeeze3A_244, %select_n3A_239 : f32
    %slice3A_246 = vector.extract_strided_slice %scan3A_6#0 {offsets = [15], sizes = [1], strides = [1]} : vector<16xf32> to vector<1xf32>
    %squeeze3A_247 = vector.extract %slice3A_246[0] : f32 from vector<1xf32>
    %eq3A_248 = arith.cmpf oeq, %squeeze3A_247, %select_n3A_239 : f32
    %slice3A_249 = vector.extract_strided_slice %scan3A_6#1 {offsets = [15], sizes = [1], strides = [1]} : vector<16xi32> to vector<1xi32>
    %squeeze3A_250 = vector.extract %slice3A_249[0] : i32 from vector<1xi32>
    %lt3A_251 = arith.cmpi slt, %squeeze3A_250, %select_n3A_242 : i32
    %and3A_252 = arith.andi %eq3A_248, %lt3A_251 : i1
    %or3A_253 = arith.ori %lt3A_245, %and3A_252 : i1
    %slice3A_254 = vector.extract_strided_slice %scan3A_6#0 {offsets = [15], sizes = [1], strides = [1]} : vector<16xf32> to vector<1xf32>
    %squeeze3A_255 = vector.extract %slice3A_254[0] : f32 from vector<1xf32>
    %select_n3A_256 = arith.select %or3A_253, %squeeze3A_255, %select_n3A_239 : f32
    %slice3A_257 = vector.extract_strided_slice %scan3A_6#1 {offsets = [15], sizes = [1], strides = [1]} : vector<16xi32> to vector<1xi32>
    %squeeze3A_258 = vector.extract %slice3A_257[0] : i32 from vector<1xi32>
    %select_n3A_259 = arith.select %or3A_253, %squeeze3A_258, %select_n3A_242 : i32
    %get3A = arith.constant 0 : index
    %get3A_260 = tpu.vector_load %arg11[%get3A] {strides = array<i32>} : memref<16xf32, #tpu.memory_space<vmem>>, vector<16xf32>,
    %get3A_261 = vector.shape_cast %get3A_260 : vector<16xf32> to vector<16xf32>
    %get3A_262 = arith.constant 0 : index
    %get3A_263 = tpu.vector_load %arg12[%get3A_262] {strides = array<i32>} : memref<16xi32, #tpu.memory_space<vmem>>, vector<16xi32>,
    %get3A_264 = vector.shape_cast %get3A_263 : vector<16xi32> to vector<16xi32>
    %slice3A_265 = vector.extract_strided_slice %get3A_261 {offsets = [0], sizes = [1], strides = [1]} : vector<16xf32> to vector<1xf32>
    %squeeze3A_266 = vector.extract %slice3A_265[0] : f32 from vector<1xf32>
    %slice3A_267 = vector.extract_strided_slice %get3A_264 {offsets = [0], sizes = [1], strides = [1]} : vector<16xi32> to vector<1xi32>
    %squeeze3A_268 = vector.extract %slice3A_267[0] : i32 from vector<1xi32>
    %slice3A_269 = vector.extract_strided_slice %get3A_261 {offsets = [1], sizes = [1], strides = [1]} : vector<16xf32> to vector<1xf32>
    %squeeze3A_270 = vector.extract %slice3A_269[0] : f32 from vector<1xf32>
    %gt3A = arith.cmpf ogt, %squeeze3A_270, %squeeze3A_266 : f32
    %slice3A_271 = vector.extract_strided_slice %get3A_261 {offsets = [1], sizes = [1], strides = [1]} : vector<16xf32> to vector<1xf32>
    %squeeze3A_272 = vector.extract %slice3A_271[0] : f32 from vector<1xf32>
    %select_n3A_273 = arith.select %gt3A, %squeeze3A_272, %squeeze3A_266 : f32
    %slice3A_274 = vector.extract_strided_slice %get3A_264 {offsets = [1], sizes = [1], strides = [1]} : vector<16xi32> to vector<1xi32>
    %squeeze3A_275 = vector.extract %slice3A_274[0] : i32 from vector<1xi32>
    %select_n3A_276 = arith.select %gt3A, %squeeze3A_275, %squeeze3A_268 : i32
    %slice3A_277 = vector.extract_strided_slice %get3A_261 {offsets = [2], sizes = [1], strides = [1]} : vector<16xf32> to vector<1xf32>
    %squeeze3A_278 = vector.extract %slice3A_277[0] : f32 from vector<1xf32>
    %gt3A_279 = arith.cmpf ogt, %squeeze3A_278, %select_n3A_273 : f32
    %slice3A_280 = vector.extract_strided_slice %get3A_261 {offsets = [2], sizes = [1], strides = [1]} : vector<16xf32> to vector<1xf32>
    %squeeze3A_281 = vector.extract %slice3A_280[0] : f32 from vector<1xf32>
    %select_n3A_282 = arith.select %gt3A_279, %squeeze3A_281, %select_n3A_273 : f32
    %slice3A_283 = vector.extract_strided_slice %get3A_264 {offsets = [2], sizes = [1], strides = [1]} : vector<16xi32> to vector<1xi32>
    %squeeze3A_284 = vector.extract %slice3A_283[0] : i32 from vector<1xi32>
    %select_n3A_285 = arith.select %gt3A_279, %squeeze3A_284, %select_n3A_276 : i32
    %slice3A_286 = vector.extract_strided_slice %get3A_261 {offsets = [3], sizes = [1], strides = [1]} : vector<16xf32> to vector<1xf32>
    %squeeze3A_287 = vector.extract %slice3A_286[0] : f32 from vector<1xf32>
    %gt3A_288 = arith.cmpf ogt, %squeeze3A_287, %select_n3A_282 : f32
    %slice3A_289 = vector.extract_strided_slice %get3A_261 {offsets = [3], sizes = [1], strides = [1]} : vector<16xf32> to vector<1xf32>
    %squeeze3A_290 = vector.extract %slice3A_289[0] : f32 from vector<1xf32>
    %select_n3A_291 = arith.select %gt3A_288, %squeeze3A_290, %select_n3A_282 : f32
    %slice3A_292 = vector.extract_strided_slice %get3A_264 {offsets = [3], sizes = [1], strides = [1]} : vector<16xi32> to vector<1xi32>
    %squeeze3A_293 = vector.extract %slice3A_292[0] : i32 from vector<1xi32>
    %select_n3A_294 = arith.select %gt3A_288, %squeeze3A_293, %select_n3A_285 : i32
    %lt3A_295 = arith.constant 3.000000e-01 : f32
    %lt3A_296 = arith.cmpf olt, %select_n3A_291, %lt3A_295 : f32
    %select_n3A_297 = arith.select %lt3A_296, %select_n3A_259, %select_n3A_294 : i32
    %broadcast_in_dim3A_298 = vector.broadcast %select_n3A_297 : i32 to vector<16xi32>
    %swap3A = arith.constant 0 : index
    %swap3A_299 = tpu.vector_load %arg12[%swap3A] {strides = array<i32>} : memref<16xi32, #tpu.memory_space<vmem>>, vector<16xi32>,
    %swap3A_300 = vector.shape_cast %swap3A_299 : vector<16xi32> to vector<16xi32>
    %swap3A_301 = vector.shape_cast %broadcast_in_dim3A_298 : vector<16xi32> to vector<16xi32>
    tpu.vector_store %arg12[%swap3A], %swap3A_301 {strides = array<i32>} : memref<16xi32, #tpu.memory_space<vmem>>, vector<16xi32>,
    "tpu.region"() ({
      %run_scoped3A = tpu.sem_alloc : memref<!tpu.dma_semaphore, #tpu.memory_space<semaphore_mem>>
      tpu.enqueue_dma source(%arg12 : memref<16xi32, #tpu.memory_space<vmem>>) target(%arg6 : memref<16xi32, #tpu.memory_space<hbm>>) target_semaphore(%run_scoped3A : memref<!tpu.dma_semaphore, #tpu.memory_space<semaphore_mem>>)
      tpu.wait_dma2 semaphore(%run_scoped3A : memref<!tpu.dma_semaphore, #tpu.memory_space<semaphore_mem>>) src(%arg12 : memref<16xi32, #tpu.memory_space<vmem>>) dst(%arg6 : memref<16xi32, #tpu.memory_space<hbm>>)
      tpu.yield
    }) : () -> ()
    %mul3A = arith.constant 512 : i32
    %mul3A_302 = arith.muli %arg1, %mul3A : i32
    %add3A = vector.broadcast %mul3A_302 : i32 to vector<16xi32>
    %add3A_303 = arith.addi %iota3A, %add3A : vector<16xi32>
    %add3A_304 = arith.constant 0 : i32
    %add3A_305 = vector.broadcast %add3A_304 : i32 to vector<16xi32>
    %add3A_306 = arith.addi %add3A_303, %add3A_305 : vector<16xi32>
    %eq3A_307 = arith.cmpi eq, %add3A_306, %broadcast_in_dim3A_298 : vector<16xi32>
    %add3A_308 = arith.constant 0 : i32
    %add3A_309 = arith.addi %mul3A_302, %add3A_308 : i32
    %get3A_310 = arith.index_cast %add3A_309 : i32 to index
    %get3A_311 = tpu.vector_load %arg9[%get3A_310] {strides = array<i32>} : memref<8192xf32, #tpu.memory_space<vmem>>, vector<16xf32>,
    %get3A_312 = vector.shape_cast %get3A_311 : vector<16xf32> to vector<16xf32>
    %add3A_313 = arith.constant 0 : i32
    %add3A_314 = arith.addi %mul3A_302, %add3A_313 : i32
    %get3A_315 = arith.index_cast %add3A_314 : i32 to index
    %get3A_316 = tpu.vector_load %arg10[%get3A_315] {strides = array<i32>} : memref<8192xf32, #tpu.memory_space<vmem>>, vector<16xf32>,
    %get3A_317 = vector.shape_cast %get3A_316 : vector<16xf32> to vector<16xf32>
    %jit3A = arith.constant 1.000000e+00 : f32
    %jit3A_318 = arith.constant 0.000000e+00 : f32
    %broadcast_in_dim3A_319 = vector.broadcast %jit3A : f32 to vector<16xf32>
    %broadcast_in_dim3A_320 = vector.broadcast %jit3A_318 : f32 to vector<16xf32>
    %select_n3A_321 = arith.select %eq3A_307, %broadcast_in_dim3A_319, %broadcast_in_dim3A_320 : vector<16xi1>, vector<16xf32>
    %add3A_322 = arith.addf %get3A_312, %select_n3A_321 : vector<16xf32>
    %mul3A_323 = arith.constant 9.990000e-01 : f32
    %mul3A_324 = vector.broadcast %mul3A_323 : f32 to vector<16xf32>
    %mul3A_325 = arith.mulf %add3A_322, %mul3A_324 : vector<16xf32>
    %add3A_326 = arith.constant 0 : i32
    %add3A_327 = arith.addi %mul3A_302, %add3A_326 : i32
    %swap3A_328 = arith.index_cast %add3A_327 : i32 to index
    %swap3A_329 = tpu.vector_load %arg9[%swap3A_328] {strides = array<i32>} : memref<8192xf32, #tpu.memory_space<vmem>>, vector<16xf32>,
    %swap3A_330 = vector.shape_cast %swap3A_329 : vector<16xf32> to vector<16xf32>
    %swap3A_331 = vector.shape_cast %mul3A_325 : vector<16xf32> to vector<16xf32>
    tpu.vector_store %arg9[%swap3A_328], %swap3A_331 {strides = array<i32>} : memref<8192xf32, #tpu.memory_space<vmem>>, vector<16xf32>,
    %add3A_332 = arith.constant 1.000000e+00 : f32
    %add3A_333 = vector.broadcast %add3A_332 : f32 to vector<16xf32>
    %add3A_334 = arith.addf %get3A_317, %add3A_333 : vector<16xf32>
    %jit3A_335 = arith.constant 0.000000e+00 : f32
    %broadcast_in_dim3A_336 = vector.broadcast %jit3A_335 : f32 to vector<16xf32>
    %select_n3A_337 = arith.select %eq3A_307, %broadcast_in_dim3A_336, %add3A_334 : vector<16xi1>, vector<16xf32>
    %add3A_338 = arith.constant 0 : i32
    %add3A_339 = arith.addi %mul3A_302, %add3A_338 : i32
    %swap3A_340 = arith.index_cast %add3A_339 : i32 to index
    %swap3A_341 = tpu.vector_load %arg10[%swap3A_340] {strides = array<i32>} : memref<8192xf32, #tpu.memory_space<vmem>>, vector<16xf32>,
    %swap3A_342 = vector.shape_cast %swap3A_341 : vector<16xf32> to vector<16xf32>
    %swap3A_343 = vector.shape_cast %select_n3A_337 : vector<16xf32> to vector<16xf32>
    tpu.vector_store %arg10[%swap3A_340], %swap3A_343 {strides = array<i32>} : memref<8192xf32, #tpu.memory_space<vmem>>, vector<16xf32>,
    %add3A_344 = vector.broadcast %mul3A_302 : i32 to vector<16xi32>
    %add3A_345 = arith.addi %iota3A, %add3A_344 : vector<16xi32>
    %add3A_346 = arith.constant 16 : i32
    %add3A_347 = vector.broadcast %add3A_346 : i32 to vector<16xi32>
    %add3A_348 = arith.addi %add3A_345, %add3A_347 : vector<16xi32>
    %eq3A_349 = arith.cmpi eq, %add3A_348, %broadcast_in_dim3A_298 : vector<16xi32>
    %add3A_350 = arith.constant 16 : i32
    %add3A_351 = arith.addi %mul3A_302, %add3A_350 : i32
    %get3A_352 = arith.index_cast %add3A_351 : i32 to index
    %get3A_353 = tpu.vector_load %arg9[%get3A_352] {strides = array<i32>} : memref<8192xf32, #tpu.memory_space<vmem>>, vector<16xf32>,
    %get3A_354 = vector.shape_cast %get3A_353 : vector<16xf32> to vector<16xf32>
    %add3A_355 = arith.constant 16 : i32
    %add3A_356 = arith.addi %mul3A_302, %add3A_355 : i32
    %get3A_357 = arith.index_cast %add3A_356 : i32 to index
    %get3A_358 = tpu.vector_load %arg10[%get3A_357] {strides = array<i32>} : memref<8192xf32, #tpu.memory_space<vmem>>, vector<16xf32>,
    %get3A_359 = vector.shape_cast %get3A_358 : vector<16xf32> to vector<16xf32>
    %jit3A_360 = arith.constant 1.000000e+00 : f32
    %jit3A_361 = arith.constant 0.000000e+00 : f32
    %broadcast_in_dim3A_362 = vector.broadcast %jit3A_360 : f32 to vector<16xf32>
    %broadcast_in_dim3A_363 = vector.broadcast %jit3A_361 : f32 to vector<16xf32>
    %select_n3A_364 = arith.select %eq3A_349, %broadcast_in_dim3A_362, %broadcast_in_dim3A_363 : vector<16xi1>, vector<16xf32>
    %add3A_365 = arith.addf %get3A_354, %select_n3A_364 : vector<16xf32>
    %mul3A_366 = arith.constant 9.990000e-01 : f32
    %mul3A_367 = vector.broadcast %mul3A_366 : f32 to vector<16xf32>
    %mul3A_368 = arith.mulf %add3A_365, %mul3A_367 : vector<16xf32>
    %add3A_369 = arith.constant 16 : i32
    %add3A_370 = arith.addi %mul3A_302, %add3A_369 : i32
    %swap3A_371 = arith.index_cast %add3A_370 : i32 to index
    %swap3A_372 = tpu.vector_load %arg9[%swap3A_371] {strides = array<i32>} : memref<8192xf32, #tpu.memory_space<vmem>>, vector<16xf32>,
    %swap3A_373 = vector.shape_cast %swap3A_372 : vector<16xf32> to vector<16xf32>
    %swap3A_374 = vector.shape_cast %mul3A_368 : vector<16xf32> to vector<16xf32>
    tpu.vector_store %arg9[%swap3A_371], %swap3A_374 {strides = array<i32>} : memref<8192xf32, #tpu.memory_space<vmem>>, vector<16xf32>,
    %add3A_375 = arith.constant 1.000000e+00 : f32
    %add3A_376 = vector.broadcast %add3A_375 : f32 to vector<16xf32>
    %add3A_377 = arith.addf %get3A_359, %add3A_376 : vector<16xf32>
    %jit3A_378 = arith.constant 0.000000e+00 : f32
    %broadcast_in_dim3A_379 = vector.broadcast %jit3A_378 : f32 to vector<16xf32>
    %select_n3A_380 = arith.select %eq3A_349, %broadcast_in_dim3A_379, %add3A_377 : vector<16xi1>, vector<16xf32>
    %add3A_381 = arith.constant 16 : i32
    %add3A_382 = arith.addi %mul3A_302, %add3A_381 : i32
    %swap3A_383 = arith.index_cast %add3A_382 : i32 to index
    %swap3A_384 = tpu.vector_load %arg10[%swap3A_383] {strides = array<i32>} : memref<8192xf32, #tpu.memory_space<vmem>>, vector<16xf32>,
    %swap3A_385 = vector.shape_cast %swap3A_384 : vector<16xf32> to vector<16xf32>
    %swap3A_386 = vector.shape_cast %select_n3A_380 : vector<16xf32> to vector<16xf32>
    tpu.vector_store %arg10[%swap3A_383], %swap3A_386 {strides = array<i32>} : memref<8192xf32, #tpu.memory_space<vmem>>, vector<16xf32>,
    %add3A_387 = vector.broadcast %mul3A_302 : i32 to vector<16xi32>
    %add3A_388 = arith.addi %iota3A, %add3A_387 : vector<16xi32>
    %add3A_389 = arith.constant 32 : i32
    %add3A_390 = vector.broadcast %add3A_389 : i32 to vector<16xi32>
    %add3A_391 = arith.addi %add3A_388, %add3A_390 : vector<16xi32>
    %eq3A_392 = arith.cmpi eq, %add3A_391, %broadcast_in_dim3A_298 : vector<16xi32>
    %add3A_393 = arith.constant 32 : i32
    %add3A_394 = arith.addi %mul3A_302, %add3A_393 : i32
    %get3A_395 = arith.index_cast %add3A_394 : i32 to index
    %get3A_396 = tpu.vector_load %arg9[%get3A_395] {strides = array<i32>} : memref<8192xf32, #tpu.memory_space<vmem>>, vector<16xf32>,
    %get3A_397 = vector.shape_cast %get3A_396 : vector<16xf32> to vector<16xf32>
    %add3A_398 = arith.constant 32 : i32
    %add3A_399 = arith.addi %mul3A_302, %add3A_398 : i32
    %get3A_400 = arith.index_cast %add3A_399 : i32 to index
    %get3A_401 = tpu.vector_load %arg10[%get3A_400] {strides = array<i32>} : memref<8192xf32, #tpu.memory_space<vmem>>, vector<16xf32>,
    %get3A_402 = vector.shape_cast %get3A_401 : vector<16xf32> to vector<16xf32>
    %jit3A_403 = arith.constant 1.000000e+00 : f32
    %jit3A_404 = arith.constant 0.000000e+00 : f32
    %broadcast_in_dim3A_405 = vector.broadcast %jit3A_403 : f32 to vector<16xf32>
    %broadcast_in_dim3A_406 = vector.broadcast %jit3A_404 : f32 to vector<16xf32>
    %select_n3A_407 = arith.select %eq3A_392, %broadcast_in_dim3A_405, %broadcast_in_dim3A_406 : vector<16xi1>, vector<16xf32>
    %add3A_408 = arith.addf %get3A_397, %select_n3A_407 : vector<16xf32>
    %mul3A_409 = arith.constant 9.990000e-01 : f32
    %mul3A_410 = vector.broadcast %mul3A_409 : f32 to vector<16xf32>
    %mul3A_411 = arith.mulf %add3A_408, %mul3A_410 : vector<16xf32>
    %add3A_412 = arith.constant 32 : i32
    %add3A_413 = arith.addi %mul3A_302, %add3A_412 : i32
    %swap3A_414 = arith.index_cast %add3A_413 : i32 to index
    %swap3A_415 = tpu.vector_load %arg9[%swap3A_414] {strides = array<i32>} : memref<8192xf32, #tpu.memory_space<vmem>>, vector<16xf32>,
    %swap3A_416 = vector.shape_cast %swap3A_415 : vector<16xf32> to vector<16xf32>
    %swap3A_417 = vector.shape_cast %mul3A_411 : vector<16xf32> to vector<16xf32>
    tpu.vector_store %arg9[%swap3A_414], %swap3A_417 {strides = array<i32>} : memref<8192xf32, #tpu.memory_space<vmem>>, vector<16xf32>,
    %add3A_418 = arith.constant 1.000000e+00 : f32
    %add3A_419 = vector.broadcast %add3A_418 : f32 to vector<16xf32>
    %add3A_420 = arith.addf %get3A_402, %add3A_419 : vector<16xf32>
    %jit3A_421 = arith.constant 0.000000e+00 : f32
    %broadcast_in_dim3A_422 = vector.broadcast %jit3A_421 : f32 to vector<16xf32>
    %select_n3A_423 = arith.select %eq3A_392, %broadcast_in_dim3A_422, %add3A_420 : vector<16xi1>, vector<16xf32>
    %add3A_424 = arith.constant 32 : i32
    %add3A_425 = arith.addi %mul3A_302, %add3A_424 : i32
    %swap3A_426 = arith.index_cast %add3A_425 : i32 to index
    %swap3A_427 = tpu.vector_load %arg10[%swap3A_426] {strides = array<i32>} : memref<8192xf32, #tpu.memory_space<vmem>>, vector<16xf32>,
    %swap3A_428 = vector.shape_cast %swap3A_427 : vector<16xf32> to vector<16xf32>
    %swap3A_429 = vector.shape_cast %select_n3A_423 : vector<16xf32> to vector<16xf32>
    tpu.vector_store %arg10[%swap3A_426], %swap3A_429 {strides = array<i32>} : memref<8192xf32, #tpu.memory_space<vmem>>, vector<16xf32>,
    %add3A_430 = vector.broadcast %mul3A_302 : i32 to vector<16xi32>
    %add3A_431 = arith.addi %iota3A, %add3A_430 : vector<16xi32>
    %add3A_432 = arith.constant 48 : i32
    %add3A_433 = vector.broadcast %add3A_432 : i32 to vector<16xi32>
    %add3A_434 = arith.addi %add3A_431, %add3A_433 : vector<16xi32>
    %eq3A_435 = arith.cmpi eq, %add3A_434, %broadcast_in_dim3A_298 : vector<16xi32>
    %add3A_436 = arith.constant 48 : i32
    %add3A_437 = arith.addi %mul3A_302, %add3A_436 : i32
    %get3A_438 = arith.index_cast %add3A_437 : i32 to index
    %get3A_439 = tpu.vector_load %arg9[%get3A_438] {strides = array<i32>} : memref<8192xf32, #tpu.memory_space<vmem>>, vector<16xf32>,
    %get3A_440 = vector.shape_cast %get3A_439 : vector<16xf32> to vector<16xf32>
    %add3A_441 = arith.constant 48 : i32
    %add3A_442 = arith.addi %mul3A_302, %add3A_441 : i32
    %get3A_443 = arith.index_cast %add3A_442 : i32 to index
    %get3A_444 = tpu.vector_load %arg10[%get3A_443] {strides = array<i32>} : memref<8192xf32, #tpu.memory_space<vmem>>, vector<16xf32>,
    %get3A_445 = vector.shape_cast %get3A_444 : vector<16xf32> to vector<16xf32>
    %jit3A_446 = arith.constant 1.000000e+00 : f32
    %jit3A_447 = arith.constant 0.000000e+00 : f32
    %broadcast_in_dim3A_448 = vector.broadcast %jit3A_446 : f32 to vector<16xf32>
    %broadcast_in_dim3A_449 = vector.broadcast %jit3A_447 : f32 to vector<16xf32>
    %select_n3A_450 = arith.select %eq3A_435, %broadcast_in_dim3A_448, %broadcast_in_dim3A_449 : vector<16xi1>, vector<16xf32>
    %add3A_451 = arith.addf %get3A_440, %select_n3A_450 : vector<16xf32>
    %mul3A_452 = arith.constant 9.990000e-01 : f32
    %mul3A_453 = vector.broadcast %mul3A_452 : f32 to vector<16xf32>
    %mul3A_454 = arith.mulf %add3A_451, %mul3A_453 : vector<16xf32>
    %add3A_455 = arith.constant 48 : i32
    %add3A_456 = arith.addi %mul3A_302, %add3A_455 : i32
    %swap3A_457 = arith.index_cast %add3A_456 : i32 to index
    %swap3A_458 = tpu.vector_load %arg9[%swap3A_457] {strides = array<i32>} : memref<8192xf32, #tpu.memory_space<vmem>>, vector<16xf32>,
    %swap3A_459 = vector.shape_cast %swap3A_458 : vector<16xf32> to vector<16xf32>
    %swap3A_460 = vector.shape_cast %mul3A_454 : vector<16xf32> to vector<16xf32>
    tpu.vector_store %arg9[%swap3A_457], %swap3A_460 {strides = array<i32>} : memref<8192xf32, #tpu.memory_space<vmem>>, vector<16xf32>,
    %add3A_461 = arith.constant 1.000000e+00 : f32
    %add3A_462 = vector.broadcast %add3A_461 : f32 to vector<16xf32>
    %add3A_463 = arith.addf %get3A_445, %add3A_462 : vector<16xf32>
    %jit3A_464 = arith.constant 0.000000e+00 : f32
    %broadcast_in_dim3A_465 = vector.broadcast %jit3A_464 : f32 to vector<16xf32>
    %select_n3A_466 = arith.select %eq3A_435, %broadcast_in_dim3A_465, %add3A_463 : vector<16xi1>, vector<16xf32>
    %add3A_467 = arith.constant 48 : i32
    %add3A_468 = arith.addi %mul3A_302, %add3A_467 : i32
    %swap3A_469 = arith.index_cast %add3A_468 : i32 to index
    %swap3A_470 = tpu.vector_load %arg10[%swap3A_469] {strides = array<i32>} : memref<8192xf32, #tpu.memory_space<vmem>>, vector<16xf32>,
    %swap3A_471 = vector.shape_cast %swap3A_470 : vector<16xf32> to vector<16xf32>
    %swap3A_472 = vector.shape_cast %select_n3A_466 : vector<16xf32> to vector<16xf32>
    tpu.vector_store %arg10[%swap3A_469], %swap3A_472 {strides = array<i32>} : memref<8192xf32, #tpu.memory_space<vmem>>, vector<16xf32>,
    %add3A_473 = vector.broadcast %mul3A_302 : i32 to vector<16xi32>
    %add3A_474 = arith.addi %iota3A, %add3A_473 : vector<16xi32>
    %add3A_475 = arith.constant 64 : i32
    %add3A_476 = vector.broadcast %add3A_475 : i32 to vector<16xi32>
    %add3A_477 = arith.addi %add3A_474, %add3A_476 : vector<16xi32>
    %eq3A_478 = arith.cmpi eq, %add3A_477, %broadcast_in_dim3A_298 : vector<16xi32>
    %add3A_479 = arith.constant 64 : i32
    %add3A_480 = arith.addi %mul3A_302, %add3A_479 : i32
    %get3A_481 = arith.index_cast %add3A_480 : i32 to index
    %get3A_482 = tpu.vector_load %arg9[%get3A_481] {strides = array<i32>} : memref<8192xf32, #tpu.memory_space<vmem>>, vector<16xf32>,
    %get3A_483 = vector.shape_cast %get3A_482 : vector<16xf32> to vector<16xf32>
    %add3A_484 = arith.constant 64 : i32
    %add3A_485 = arith.addi %mul3A_302, %add3A_484 : i32
    %get3A_486 = arith.index_cast %add3A_485 : i32 to index
    %get3A_487 = tpu.vector_load %arg10[%get3A_486] {strides = array<i32>} : memref<8192xf32, #tpu.memory_space<vmem>>, vector<16xf32>,
    %get3A_488 = vector.shape_cast %get3A_487 : vector<16xf32> to vector<16xf32>
    %jit3A_489 = arith.constant 1.000000e+00 : f32
    %jit3A_490 = arith.constant 0.000000e+00 : f32
    %broadcast_in_dim3A_491 = vector.broadcast %jit3A_489 : f32 to vector<16xf32>
    %broadcast_in_dim3A_492 = vector.broadcast %jit3A_490 : f32 to vector<16xf32>
    %select_n3A_493 = arith.select %eq3A_478, %broadcast_in_dim3A_491, %broadcast_in_dim3A_492 : vector<16xi1>, vector<16xf32>
    %add3A_494 = arith.addf %get3A_483, %select_n3A_493 : vector<16xf32>
    %mul3A_495 = arith.constant 9.990000e-01 : f32
    %mul3A_496 = vector.broadcast %mul3A_495 : f32 to vector<16xf32>
    %mul3A_497 = arith.mulf %add3A_494, %mul3A_496 : vector<16xf32>
    %add3A_498 = arith.constant 64 : i32
    %add3A_499 = arith.addi %mul3A_302, %add3A_498 : i32
    %swap3A_500 = arith.index_cast %add3A_499 : i32 to index
    %swap3A_501 = tpu.vector_load %arg9[%swap3A_500] {strides = array<i32>} : memref<8192xf32, #tpu.memory_space<vmem>>, vector<16xf32>,
    %swap3A_502 = vector.shape_cast %swap3A_501 : vector<16xf32> to vector<16xf32>
    %swap3A_503 = vector.shape_cast %mul3A_497 : vector<16xf32> to vector<16xf32>
    tpu.vector_store %arg9[%swap3A_500], %swap3A_503 {strides = array<i32>} : memref<8192xf32, #tpu.memory_space<vmem>>, vector<16xf32>,
    %add3A_504 = arith.constant 1.000000e+00 : f32
    %add3A_505 = vector.broadcast %add3A_504 : f32 to vector<16xf32>
    %add3A_506 = arith.addf %get3A_488, %add3A_505 : vector<16xf32>
    %jit3A_507 = arith.constant 0.000000e+00 : f32
    %broadcast_in_dim3A_508 = vector.broadcast %jit3A_507 : f32 to vector<16xf32>
    %select_n3A_509 = arith.select %eq3A_478, %broadcast_in_dim3A_508, %add3A_506 : vector<16xi1>, vector<16xf32>
    %add3A_510 = arith.constant 64 : i32
    %add3A_511 = arith.addi %mul3A_302, %add3A_510 : i32
    %swap3A_512 = arith.index_cast %add3A_511 : i32 to index
    %swap3A_513 = tpu.vector_load %arg10[%swap3A_512] {strides = array<i32>} : memref<8192xf32, #tpu.memory_space<vmem>>, vector<16xf32>,
    %swap3A_514 = vector.shape_cast %swap3A_513 : vector<16xf32> to vector<16xf32>
    %swap3A_515 = vector.shape_cast %select_n3A_509 : vector<16xf32> to vector<16xf32>
    tpu.vector_store %arg10[%swap3A_512], %swap3A_515 {strides = array<i32>} : memref<8192xf32, #tpu.memory_space<vmem>>, vector<16xf32>,
    %add3A_516 = vector.broadcast %mul3A_302 : i32 to vector<16xi32>
    %add3A_517 = arith.addi %iota3A, %add3A_516 : vector<16xi32>
    %add3A_518 = arith.constant 80 : i32
    %add3A_519 = vector.broadcast %add3A_518 : i32 to vector<16xi32>
    %add3A_520 = arith.addi %add3A_517, %add3A_519 : vector<16xi32>
    %eq3A_521 = arith.cmpi eq, %add3A_520, %broadcast_in_dim3A_298 : vector<16xi32>
    %add3A_522 = arith.constant 80 : i32
    %add3A_523 = arith.addi %mul3A_302, %add3A_522 : i32
    %get3A_524 = arith.index_cast %add3A_523 : i32 to index
    %get3A_525 = tpu.vector_load %arg9[%get3A_524] {strides = array<i32>} : memref<8192xf32, #tpu.memory_space<vmem>>, vector<16xf32>,
    %get3A_526 = vector.shape_cast %get3A_525 : vector<16xf32> to vector<16xf32>
    %add3A_527 = arith.constant 80 : i32
    %add3A_528 = arith.addi %mul3A_302, %add3A_527 : i32
    %get3A_529 = arith.index_cast %add3A_528 : i32 to index
    %get3A_530 = tpu.vector_load %arg10[%get3A_529] {strides = array<i32>} : memref<8192xf32, #tpu.memory_space<vmem>>, vector<16xf32>,
    %get3A_531 = vector.shape_cast %get3A_530 : vector<16xf32> to vector<16xf32>
    %jit3A_532 = arith.constant 1.000000e+00 : f32
    %jit3A_533 = arith.constant 0.000000e+00 : f32
    %broadcast_in_dim3A_534 = vector.broadcast %jit3A_532 : f32 to vector<16xf32>
    %broadcast_in_dim3A_535 = vector.broadcast %jit3A_533 : f32 to vector<16xf32>
    %select_n3A_536 = arith.select %eq3A_521, %broadcast_in_dim3A_534, %broadcast_in_dim3A_535 : vector<16xi1>, vector<16xf32>
    %add3A_537 = arith.addf %get3A_526, %select_n3A_536 : vector<16xf32>
    %mul3A_538 = arith.constant 9.990000e-01 : f32
    %mul3A_539 = vector.broadcast %mul3A_538 : f32 to vector<16xf32>
    %mul3A_540 = arith.mulf %add3A_537, %mul3A_539 : vector<16xf32>
    %add3A_541 = arith.constant 80 : i32
    %add3A_542 = arith.addi %mul3A_302, %add3A_541 : i32
    %swap3A_543 = arith.index_cast %add3A_542 : i32 to index
    %swap3A_544 = tpu.vector_load %arg9[%swap3A_543] {strides = array<i32>} : memref<8192xf32, #tpu.memory_space<vmem>>, vector<16xf32>,
    %swap3A_545 = vector.shape_cast %swap3A_544 : vector<16xf32> to vector<16xf32>
    %swap3A_546 = vector.shape_cast %mul3A_540 : vector<16xf32> to vector<16xf32>
    tpu.vector_store %arg9[%swap3A_543], %swap3A_546 {strides = array<i32>} : memref<8192xf32, #tpu.memory_space<vmem>>, vector<16xf32>,
    %add3A_547 = arith.constant 1.000000e+00 : f32
    %add3A_548 = vector.broadcast %add3A_547 : f32 to vector<16xf32>
    %add3A_549 = arith.addf %get3A_531, %add3A_548 : vector<16xf32>
    %jit3A_550 = arith.constant 0.000000e+00 : f32
    %broadcast_in_dim3A_551 = vector.broadcast %jit3A_550 : f32 to vector<16xf32>
    %select_n3A_552 = arith.select %eq3A_521, %broadcast_in_dim3A_551, %add3A_549 : vector<16xi1>, vector<16xf32>
    %add3A_553 = arith.constant 80 : i32
    %add3A_554 = arith.addi %mul3A_302, %add3A_553 : i32
    %swap3A_555 = arith.index_cast %add3A_554 : i32 to index
    %swap3A_556 = tpu.vector_load %arg10[%swap3A_555] {strides = array<i32>} : memref<8192xf32, #tpu.memory_space<vmem>>, vector<16xf32>,
    %swap3A_557 = vector.shape_cast %swap3A_556 : vector<16xf32> to vector<16xf32>
    %swap3A_558 = vector.shape_cast %select_n3A_552 : vector<16xf32> to vector<16xf32>
    tpu.vector_store %arg10[%swap3A_555], %swap3A_558 {strides = array<i32>} : memref<8192xf32, #tpu.memory_space<vmem>>, vector<16xf32>,
    %add3A_559 = vector.broadcast %mul3A_302 : i32 to vector<16xi32>
    %add3A_560 = arith.addi %iota3A, %add3A_559 : vector<16xi32>
    %add3A_561 = arith.constant 96 : i32
    %add3A_562 = vector.broadcast %add3A_561 : i32 to vector<16xi32>
    %add3A_563 = arith.addi %add3A_560, %add3A_562 : vector<16xi32>
    %eq3A_564 = arith.cmpi eq, %add3A_563, %broadcast_in_dim3A_298 : vector<16xi32>
    %add3A_565 = arith.constant 96 : i32
    %add3A_566 = arith.addi %mul3A_302, %add3A_565 : i32
    %get3A_567 = arith.index_cast %add3A_566 : i32 to index
    %get3A_568 = tpu.vector_load %arg9[%get3A_567] {strides = array<i32>} : memref<8192xf32, #tpu.memory_space<vmem>>, vector<16xf32>,
    %get3A_569 = vector.shape_cast %get3A_568 : vector<16xf32> to vector<16xf32>
    %add3A_570 = arith.constant 96 : i32
    %add3A_571 = arith.addi %mul3A_302, %add3A_570 : i32
    %get3A_572 = arith.index_cast %add3A_571 : i32 to index
    %get3A_573 = tpu.vector_load %arg10[%get3A_572] {strides = array<i32>} : memref<8192xf32, #tpu.memory_space<vmem>>, vector<16xf32>,
    %get3A_574 = vector.shape_cast %get3A_573 : vector<16xf32> to vector<16xf32>
    %jit3A_575 = arith.constant 1.000000e+00 : f32
    %jit3A_576 = arith.constant 0.000000e+00 : f32
    %broadcast_in_dim3A_577 = vector.broadcast %jit3A_575 : f32 to vector<16xf32>
    %broadcast_in_dim3A_578 = vector.broadcast %jit3A_576 : f32 to vector<16xf32>
    %select_n3A_579 = arith.select %eq3A_564, %broadcast_in_dim3A_577, %broadcast_in_dim3A_578 : vector<16xi1>, vector<16xf32>
    %add3A_580 = arith.addf %get3A_569, %select_n3A_579 : vector<16xf32>
    %mul3A_581 = arith.constant 9.990000e-01 : f32
    %mul3A_582 = vector.broadcast %mul3A_581 : f32 to vector<16xf32>
    %mul3A_583 = arith.mulf %add3A_580, %mul3A_582 : vector<16xf32>
    %add3A_584 = arith.constant 96 : i32
    %add3A_585 = arith.addi %mul3A_302, %add3A_584 : i32
    %swap3A_586 = arith.index_cast %add3A_585 : i32 to index
    %swap3A_587 = tpu.vector_load %arg9[%swap3A_586] {strides = array<i32>} : memref<8192xf32, #tpu.memory_space<vmem>>, vector<16xf32>,
    %swap3A_588 = vector.shape_cast %swap3A_587 : vector<16xf32> to vector<16xf32>
    %swap3A_589 = vector.shape_cast %mul3A_583 : vector<16xf32> to vector<16xf32>
    tpu.vector_store %arg9[%swap3A_586], %swap3A_589 {strides = array<i32>} : memref<8192xf32, #tpu.memory_space<vmem>>, vector<16xf32>,
    %add3A_590 = arith.constant 1.000000e+00 : f32
    %add3A_591 = vector.broadcast %add3A_590 : f32 to vector<16xf32>
    %add3A_592 = arith.addf %get3A_574, %add3A_591 : vector<16xf32>
    %jit3A_593 = arith.constant 0.000000e+00 : f32
    %broadcast_in_dim3A_594 = vector.broadcast %jit3A_593 : f32 to vector<16xf32>
    %select_n3A_595 = arith.select %eq3A_564, %broadcast_in_dim3A_594, %add3A_592 : vector<16xi1>, vector<16xf32>
    %add3A_596 = arith.constant 96 : i32
    %add3A_597 = arith.addi %mul3A_302, %add3A_596 : i32
    %swap3A_598 = arith.index_cast %add3A_597 : i32 to index
    %swap3A_599 = tpu.vector_load %arg10[%swap3A_598] {strides = array<i32>} : memref<8192xf32, #tpu.memory_space<vmem>>, vector<16xf32>,
    %swap3A_600 = vector.shape_cast %swap3A_599 : vector<16xf32> to vector<16xf32>
    %swap3A_601 = vector.shape_cast %select_n3A_595 : vector<16xf32> to vector<16xf32>
    tpu.vector_store %arg10[%swap3A_598], %swap3A_601 {strides = array<i32>} : memref<8192xf32, #tpu.memory_space<vmem>>, vector<16xf32>,
    %add3A_602 = vector.broadcast %mul3A_302 : i32 to vector<16xi32>
    %add3A_603 = arith.addi %iota3A, %add3A_602 : vector<16xi32>
    %add3A_604 = arith.constant 112 : i32
    %add3A_605 = vector.broadcast %add3A_604 : i32 to vector<16xi32>
    %add3A_606 = arith.addi %add3A_603, %add3A_605 : vector<16xi32>
    %eq3A_607 = arith.cmpi eq, %add3A_606, %broadcast_in_dim3A_298 : vector<16xi32>
    %add3A_608 = arith.constant 112 : i32
    %add3A_609 = arith.addi %mul3A_302, %add3A_608 : i32
    %get3A_610 = arith.index_cast %add3A_609 : i32 to index
    %get3A_611 = tpu.vector_load %arg9[%get3A_610] {strides = array<i32>} : memref<8192xf32, #tpu.memory_space<vmem>>, vector<16xf32>,
    %get3A_612 = vector.shape_cast %get3A_611 : vector<16xf32> to vector<16xf32>
    %add3A_613 = arith.constant 112 : i32
    %add3A_614 = arith.addi %mul3A_302, %add3A_613 : i32
    %get3A_615 = arith.index_cast %add3A_614 : i32 to index
    %get3A_616 = tpu.vector_load %arg10[%get3A_615] {strides = array<i32>} : memref<8192xf32, #tpu.memory_space<vmem>>, vector<16xf32>,
    %get3A_617 = vector.shape_cast %get3A_616 : vector<16xf32> to vector<16xf32>
    %jit3A_618 = arith.constant 1.000000e+00 : f32
    %jit3A_619 = arith.constant 0.000000e+00 : f32
    %broadcast_in_dim3A_620 = vector.broadcast %jit3A_618 : f32 to vector<16xf32>
    %broadcast_in_dim3A_621 = vector.broadcast %jit3A_619 : f32 to vector<16xf32>
    %select_n3A_622 = arith.select %eq3A_607, %broadcast_in_dim3A_620, %broadcast_in_dim3A_621 : vector<16xi1>, vector<16xf32>
    %add3A_623 = arith.addf %get3A_612, %select_n3A_622 : vector<16xf32>
    %mul3A_624 = arith.constant 9.990000e-01 : f32
    %mul3A_625 = vector.broadcast %mul3A_624 : f32 to vector<16xf32>
    %mul3A_626 = arith.mulf %add3A_623, %mul3A_625 : vector<16xf32>
    %add3A_627 = arith.constant 112 : i32
    %add3A_628 = arith.addi %mul3A_302, %add3A_627 : i32
    %swap3A_629 = arith.index_cast %add3A_628 : i32 to index
    %swap3A_630 = tpu.vector_load %arg9[%swap3A_629] {strides = array<i32>} : memref<8192xf32, #tpu.memory_space<vmem>>, vector<16xf32>,
    %swap3A_631 = vector.shape_cast %swap3A_630 : vector<16xf32> to vector<16xf32>
    %swap3A_632 = vector.shape_cast %mul3A_626 : vector<16xf32> to vector<16xf32>
    tpu.vector_store %arg9[%swap3A_629], %swap3A_632 {strides = array<i32>} : memref<8192xf32, #tpu.memory_space<vmem>>, vector<16xf32>,
    %add3A_633 = arith.constant 1.000000e+00 : f32
    %add3A_634 = vector.broadcast %add3A_633 : f32 to vector<16xf32>
    %add3A_635 = arith.addf %get3A_617, %add3A_634 : vector<16xf32>
    %jit3A_636 = arith.constant 0.000000e+00 : f32
    %broadcast_in_dim3A_637 = vector.broadcast %jit3A_636 : f32 to vector<16xf32>
    %select_n3A_638 = arith.select %eq3A_607, %broadcast_in_dim3A_637, %add3A_635 : vector<16xi1>, vector<16xf32>
    %add3A_639 = arith.constant 112 : i32
    %add3A_640 = arith.addi %mul3A_302, %add3A_639 : i32
    %swap3A_641 = arith.index_cast %add3A_640 : i32 to index
    %swap3A_642 = tpu.vector_load %arg10[%swap3A_641] {strides = array<i32>} : memref<8192xf32, #tpu.memory_space<vmem>>, vector<16xf32>,
    %swap3A_643 = vector.shape_cast %swap3A_642 : vector<16xf32> to vector<16xf32>
    %swap3A_644 = vector.shape_cast %select_n3A_638 : vector<16xf32> to vector<16xf32>
    tpu.vector_store %arg10[%swap3A_641], %swap3A_644 {strides = array<i32>} : memref<8192xf32, #tpu.memory_space<vmem>>, vector<16xf32>,
    %add3A_645 = vector.broadcast %mul3A_302 : i32 to vector<16xi32>
    %add3A_646 = arith.addi %iota3A, %add3A_645 : vector<16xi32>
    %add3A_647 = arith.constant 128 : i32
    %add3A_648 = vector.broadcast %add3A_647 : i32 to vector<16xi32>
    %add3A_649 = arith.addi %add3A_646, %add3A_648 : vector<16xi32>
    %eq3A_650 = arith.cmpi eq, %add3A_649, %broadcast_in_dim3A_298 : vector<16xi32>
    %add3A_651 = arith.constant 128 : i32
    %add3A_652 = arith.addi %mul3A_302, %add3A_651 : i32
    %get3A_653 = arith.index_cast %add3A_652 : i32 to index
    %get3A_654 = tpu.vector_load %arg9[%get3A_653] {strides = array<i32>} : memref<8192xf32, #tpu.memory_space<vmem>>, vector<16xf32>,
    %get3A_655 = vector.shape_cast %get3A_654 : vector<16xf32> to vector<16xf32>
    %add3A_656 = arith.constant 128 : i32
    %add3A_657 = arith.addi %mul3A_302, %add3A_656 : i32
    %get3A_658 = arith.index_cast %add3A_657 : i32 to index
    %get3A_659 = tpu.vector_load %arg10[%get3A_658] {strides = array<i32>} : memref<8192xf32, #tpu.memory_space<vmem>>, vector<16xf32>,
    %get3A_660 = vector.shape_cast %get3A_659 : vector<16xf32> to vector<16xf32>
    %jit3A_661 = arith.constant 1.000000e+00 : f32
    %jit3A_662 = arith.constant 0.000000e+00 : f32
    %broadcast_in_dim3A_663 = vector.broadcast %jit3A_661 : f32 to vector<16xf32>
    %broadcast_in_dim3A_664 = vector.broadcast %jit3A_662 : f32 to vector<16xf32>
    %select_n3A_665 = arith.select %eq3A_650, %broadcast_in_dim3A_663, %broadcast_in_dim3A_664 : vector<16xi1>, vector<16xf32>
    %add3A_666 = arith.addf %get3A_655, %select_n3A_665 : vector<16xf32>
    %mul3A_667 = arith.constant 9.990000e-01 : f32
    %mul3A_668 = vector.broadcast %mul3A_667 : f32 to vector<16xf32>
    %mul3A_669 = arith.mulf %add3A_666, %mul3A_668 : vector<16xf32>
    %add3A_670 = arith.constant 128 : i32
    %add3A_671 = arith.addi %mul3A_302, %add3A_670 : i32
    %swap3A_672 = arith.index_cast %add3A_671 : i32 to index
    %swap3A_673 = tpu.vector_load %arg9[%swap3A_672] {strides = array<i32>} : memref<8192xf32, #tpu.memory_space<vmem>>, vector<16xf32>,
    %swap3A_674 = vector.shape_cast %swap3A_673 : vector<16xf32> to vector<16xf32>
    %swap3A_675 = vector.shape_cast %mul3A_669 : vector<16xf32> to vector<16xf32>
    tpu.vector_store %arg9[%swap3A_672], %swap3A_675 {strides = array<i32>} : memref<8192xf32, #tpu.memory_space<vmem>>, vector<16xf32>,
    %add3A_676 = arith.constant 1.000000e+00 : f32
    %add3A_677 = vector.broadcast %add3A_676 : f32 to vector<16xf32>
    %add3A_678 = arith.addf %get3A_660, %add3A_677 : vector<16xf32>
    %jit3A_679 = arith.constant 0.000000e+00 : f32
    %broadcast_in_dim3A_680 = vector.broadcast %jit3A_679 : f32 to vector<16xf32>
    %select_n3A_681 = arith.select %eq3A_650, %broadcast_in_dim3A_680, %add3A_678 : vector<16xi1>, vector<16xf32>
    %add3A_682 = arith.constant 128 : i32
    %add3A_683 = arith.addi %mul3A_302, %add3A_682 : i32
    %swap3A_684 = arith.index_cast %add3A_683 : i32 to index
    %swap3A_685 = tpu.vector_load %arg10[%swap3A_684] {strides = array<i32>} : memref<8192xf32, #tpu.memory_space<vmem>>, vector<16xf32>,
    %swap3A_686 = vector.shape_cast %swap3A_685 : vector<16xf32> to vector<16xf32>
    %swap3A_687 = vector.shape_cast %select_n3A_681 : vector<16xf32> to vector<16xf32>
    tpu.vector_store %arg10[%swap3A_684], %swap3A_687 {strides = array<i32>} : memref<8192xf32, #tpu.memory_space<vmem>>, vector<16xf32>,
    %add3A_688 = vector.broadcast %mul3A_302 : i32 to vector<16xi32>
    %add3A_689 = arith.addi %iota3A, %add3A_688 : vector<16xi32>
    %add3A_690 = arith.constant 144 : i32
    %add3A_691 = vector.broadcast %add3A_690 : i32 to vector<16xi32>
    %add3A_692 = arith.addi %add3A_689, %add3A_691 : vector<16xi32>
    %eq3A_693 = arith.cmpi eq, %add3A_692, %broadcast_in_dim3A_298 : vector<16xi32>
    %add3A_694 = arith.constant 144 : i32
    %add3A_695 = arith.addi %mul3A_302, %add3A_694 : i32
    %get3A_696 = arith.index_cast %add3A_695 : i32 to index
    %get3A_697 = tpu.vector_load %arg9[%get3A_696] {strides = array<i32>} : memref<8192xf32, #tpu.memory_space<vmem>>, vector<16xf32>,
    %get3A_698 = vector.shape_cast %get3A_697 : vector<16xf32> to vector<16xf32>
    %add3A_699 = arith.constant 144 : i32
    %add3A_700 = arith.addi %mul3A_302, %add3A_699 : i32
    %get3A_701 = arith.index_cast %add3A_700 : i32 to index
    %get3A_702 = tpu.vector_load %arg10[%get3A_701] {strides = array<i32>} : memref<8192xf32, #tpu.memory_space<vmem>>, vector<16xf32>,
    %get3A_703 = vector.shape_cast %get3A_702 : vector<16xf32> to vector<16xf32>
    %jit3A_704 = arith.constant 1.000000e+00 : f32
    %jit3A_705 = arith.constant 0.000000e+00 : f32
    %broadcast_in_dim3A_706 = vector.broadcast %jit3A_704 : f32 to vector<16xf32>
    %broadcast_in_dim3A_707 = vector.broadcast %jit3A_705 : f32 to vector<16xf32>
    %select_n3A_708 = arith.select %eq3A_693, %broadcast_in_dim3A_706, %broadcast_in_dim3A_707 : vector<16xi1>, vector<16xf32>
    %add3A_709 = arith.addf %get3A_698, %select_n3A_708 : vector<16xf32>
    %mul3A_710 = arith.constant 9.990000e-01 : f32
    %mul3A_711 = vector.broadcast %mul3A_710 : f32 to vector<16xf32>
    %mul3A_712 = arith.mulf %add3A_709, %mul3A_711 : vector<16xf32>
    %add3A_713 = arith.constant 144 : i32
    %add3A_714 = arith.addi %mul3A_302, %add3A_713 : i32
    %swap3A_715 = arith.index_cast %add3A_714 : i32 to index
    %swap3A_716 = tpu.vector_load %arg9[%swap3A_715] {strides = array<i32>} : memref<8192xf32, #tpu.memory_space<vmem>>, vector<16xf32>,
    %swap3A_717 = vector.shape_cast %swap3A_716 : vector<16xf32> to vector<16xf32>
    %swap3A_718 = vector.shape_cast %mul3A_712 : vector<16xf32> to vector<16xf32>
    tpu.vector_store %arg9[%swap3A_715], %swap3A_718 {strides = array<i32>} : memref<8192xf32, #tpu.memory_space<vmem>>, vector<16xf32>,
    %add3A_719 = arith.constant 1.000000e+00 : f32
    %add3A_720 = vector.broadcast %add3A_719 : f32 to vector<16xf32>
    %add3A_721 = arith.addf %get3A_703, %add3A_720 : vector<16xf32>
    %jit3A_722 = arith.constant 0.000000e+00 : f32
    %broadcast_in_dim3A_723 = vector.broadcast %jit3A_722 : f32 to vector<16xf32>
    %select_n3A_724 = arith.select %eq3A_693, %broadcast_in_dim3A_723, %add3A_721 : vector<16xi1>, vector<16xf32>
    %add3A_725 = arith.constant 144 : i32
    %add3A_726 = arith.addi %mul3A_302, %add3A_725 : i32
    %swap3A_727 = arith.index_cast %add3A_726 : i32 to index
    %swap3A_728 = tpu.vector_load %arg10[%swap3A_727] {strides = array<i32>} : memref<8192xf32, #tpu.memory_space<vmem>>, vector<16xf32>,
    %swap3A_729 = vector.shape_cast %swap3A_728 : vector<16xf32> to vector<16xf32>
    %swap3A_730 = vector.shape_cast %select_n3A_724 : vector<16xf32> to vector<16xf32>
    tpu.vector_store %arg10[%swap3A_727], %swap3A_730 {strides = array<i32>} : memref<8192xf32, #tpu.memory_space<vmem>>, vector<16xf32>,
    %add3A_731 = vector.broadcast %mul3A_302 : i32 to vector<16xi32>
    %add3A_732 = arith.addi %iota3A, %add3A_731 : vector<16xi32>
    %add3A_733 = arith.constant 160 : i32
    %add3A_734 = vector.broadcast %add3A_733 : i32 to vector<16xi32>
    %add3A_735 = arith.addi %add3A_732, %add3A_734 : vector<16xi32>
    %eq3A_736 = arith.cmpi eq, %add3A_735, %broadcast_in_dim3A_298 : vector<16xi32>
    %add3A_737 = arith.constant 160 : i32
    %add3A_738 = arith.addi %mul3A_302, %add3A_737 : i32
    %get3A_739 = arith.index_cast %add3A_738 : i32 to index
    %get3A_740 = tpu.vector_load %arg9[%get3A_739] {strides = array<i32>} : memref<8192xf32, #tpu.memory_space<vmem>>, vector<16xf32>,
    %get3A_741 = vector.shape_cast %get3A_740 : vector<16xf32> to vector<16xf32>
    %add3A_742 = arith.constant 160 : i32
    %add3A_743 = arith.addi %mul3A_302, %add3A_742 : i32
    %get3A_744 = arith.index_cast %add3A_743 : i32 to index
    %get3A_745 = tpu.vector_load %arg10[%get3A_744] {strides = array<i32>} : memref<8192xf32, #tpu.memory_space<vmem>>, vector<16xf32>,
    %get3A_746 = vector.shape_cast %get3A_745 : vector<16xf32> to vector<16xf32>
    %jit3A_747 = arith.constant 1.000000e+00 : f32
    %jit3A_748 = arith.constant 0.000000e+00 : f32
    %broadcast_in_dim3A_749 = vector.broadcast %jit3A_747 : f32 to vector<16xf32>
    %broadcast_in_dim3A_750 = vector.broadcast %jit3A_748 : f32 to vector<16xf32>
    %select_n3A_751 = arith.select %eq3A_736, %broadcast_in_dim3A_749, %broadcast_in_dim3A_750 : vector<16xi1>, vector<16xf32>
    %add3A_752 = arith.addf %get3A_741, %select_n3A_751 : vector<16xf32>
    %mul3A_753 = arith.constant 9.990000e-01 : f32
    %mul3A_754 = vector.broadcast %mul3A_753 : f32 to vector<16xf32>
    %mul3A_755 = arith.mulf %add3A_752, %mul3A_754 : vector<16xf32>
    %add3A_756 = arith.constant 160 : i32
    %add3A_757 = arith.addi %mul3A_302, %add3A_756 : i32
    %swap3A_758 = arith.index_cast %add3A_757 : i32 to index
    %swap3A_759 = tpu.vector_load %arg9[%swap3A_758] {strides = array<i32>} : memref<8192xf32, #tpu.memory_space<vmem>>, vector<16xf32>,
    %swap3A_760 = vector.shape_cast %swap3A_759 : vector<16xf32> to vector<16xf32>
    %swap3A_761 = vector.shape_cast %mul3A_755 : vector<16xf32> to vector<16xf32>
    tpu.vector_store %arg9[%swap3A_758], %swap3A_761 {strides = array<i32>} : memref<8192xf32, #tpu.memory_space<vmem>>, vector<16xf32>,
    %add3A_762 = arith.constant 1.000000e+00 : f32
    %add3A_763 = vector.broadcast %add3A_762 : f32 to vector<16xf32>
    %add3A_764 = arith.addf %get3A_746, %add3A_763 : vector<16xf32>
    %jit3A_765 = arith.constant 0.000000e+00 : f32
    %broadcast_in_dim3A_766 = vector.broadcast %jit3A_765 : f32 to vector<16xf32>
    %select_n3A_767 = arith.select %eq3A_736, %broadcast_in_dim3A_766, %add3A_764 : vector<16xi1>, vector<16xf32>
    %add3A_768 = arith.constant 160 : i32
    %add3A_769 = arith.addi %mul3A_302, %add3A_768 : i32
    %swap3A_770 = arith.index_cast %add3A_769 : i32 to index
    %swap3A_771 = tpu.vector_load %arg10[%swap3A_770] {strides = array<i32>} : memref<8192xf32, #tpu.memory_space<vmem>>, vector<16xf32>,
    %swap3A_772 = vector.shape_cast %swap3A_771 : vector<16xf32> to vector<16xf32>
    %swap3A_773 = vector.shape_cast %select_n3A_767 : vector<16xf32> to vector<16xf32>
    tpu.vector_store %arg10[%swap3A_770], %swap3A_773 {strides = array<i32>} : memref<8192xf32, #tpu.memory_space<vmem>>, vector<16xf32>,
    %add3A_774 = vector.broadcast %mul3A_302 : i32 to vector<16xi32>
    %add3A_775 = arith.addi %iota3A, %add3A_774 : vector<16xi32>
    %add3A_776 = arith.constant 176 : i32
    %add3A_777 = vector.broadcast %add3A_776 : i32 to vector<16xi32>
    %add3A_778 = arith.addi %add3A_775, %add3A_777 : vector<16xi32>
    %eq3A_779 = arith.cmpi eq, %add3A_778, %broadcast_in_dim3A_298 : vector<16xi32>
    %add3A_780 = arith.constant 176 : i32
    %add3A_781 = arith.addi %mul3A_302, %add3A_780 : i32
    %get3A_782 = arith.index_cast %add3A_781 : i32 to index
    %get3A_783 = tpu.vector_load %arg9[%get3A_782] {strides = array<i32>} : memref<8192xf32, #tpu.memory_space<vmem>>, vector<16xf32>,
    %get3A_784 = vector.shape_cast %get3A_783 : vector<16xf32> to vector<16xf32>
    %add3A_785 = arith.constant 176 : i32
    %add3A_786 = arith.addi %mul3A_302, %add3A_785 : i32
    %get3A_787 = arith.index_cast %add3A_786 : i32 to index
    %get3A_788 = tpu.vector_load %arg10[%get3A_787] {strides = array<i32>} : memref<8192xf32, #tpu.memory_space<vmem>>, vector<16xf32>,
    %get3A_789 = vector.shape_cast %get3A_788 : vector<16xf32> to vector<16xf32>
    %jit3A_790 = arith.constant 1.000000e+00 : f32
    %jit3A_791 = arith.constant 0.000000e+00 : f32
    %broadcast_in_dim3A_792 = vector.broadcast %jit3A_790 : f32 to vector<16xf32>
    %broadcast_in_dim3A_793 = vector.broadcast %jit3A_791 : f32 to vector<16xf32>
    %select_n3A_794 = arith.select %eq3A_779, %broadcast_in_dim3A_792, %broadcast_in_dim3A_793 : vector<16xi1>, vector<16xf32>
    %add3A_795 = arith.addf %get3A_784, %select_n3A_794 : vector<16xf32>
    %mul3A_796 = arith.constant 9.990000e-01 : f32
    %mul3A_797 = vector.broadcast %mul3A_796 : f32 to vector<16xf32>
    %mul3A_798 = arith.mulf %add3A_795, %mul3A_797 : vector<16xf32>
    %add3A_799 = arith.constant 176 : i32
    %add3A_800 = arith.addi %mul3A_302, %add3A_799 : i32
    %swap3A_801 = arith.index_cast %add3A_800 : i32 to index
    %swap3A_802 = tpu.vector_load %arg9[%swap3A_801] {strides = array<i32>} : memref<8192xf32, #tpu.memory_space<vmem>>, vector<16xf32>,
    %swap3A_803 = vector.shape_cast %swap3A_802 : vector<16xf32> to vector<16xf32>
    %swap3A_804 = vector.shape_cast %mul3A_798 : vector<16xf32> to vector<16xf32>
    tpu.vector_store %arg9[%swap3A_801], %swap3A_804 {strides = array<i32>} : memref<8192xf32, #tpu.memory_space<vmem>>, vector<16xf32>,
    %add3A_805 = arith.constant 1.000000e+00 : f32
    %add3A_806 = vector.broadcast %add3A_805 : f32 to vector<16xf32>
    %add3A_807 = arith.addf %get3A_789, %add3A_806 : vector<16xf32>
    %jit3A_808 = arith.constant 0.000000e+00 : f32
    %broadcast_in_dim3A_809 = vector.broadcast %jit3A_808 : f32 to vector<16xf32>
    %select_n3A_810 = arith.select %eq3A_779, %broadcast_in_dim3A_809, %add3A_807 : vector<16xi1>, vector<16xf32>
    %add3A_811 = arith.constant 176 : i32
    %add3A_812 = arith.addi %mul3A_302, %add3A_811 : i32
    %swap3A_813 = arith.index_cast %add3A_812 : i32 to index
    %swap3A_814 = tpu.vector_load %arg10[%swap3A_813] {strides = array<i32>} : memref<8192xf32, #tpu.memory_space<vmem>>, vector<16xf32>,
    %swap3A_815 = vector.shape_cast %swap3A_814 : vector<16xf32> to vector<16xf32>
    %swap3A_816 = vector.shape_cast %select_n3A_810 : vector<16xf32> to vector<16xf32>
    tpu.vector_store %arg10[%swap3A_813], %swap3A_816 {strides = array<i32>} : memref<8192xf32, #tpu.memory_space<vmem>>, vector<16xf32>,
    %add3A_817 = vector.broadcast %mul3A_302 : i32 to vector<16xi32>
    %add3A_818 = arith.addi %iota3A, %add3A_817 : vector<16xi32>
    %add3A_819 = arith.constant 192 : i32
    %add3A_820 = vector.broadcast %add3A_819 : i32 to vector<16xi32>
    %add3A_821 = arith.addi %add3A_818, %add3A_820 : vector<16xi32>
    %eq3A_822 = arith.cmpi eq, %add3A_821, %broadcast_in_dim3A_298 : vector<16xi32>
    %add3A_823 = arith.constant 192 : i32
    %add3A_824 = arith.addi %mul3A_302, %add3A_823 : i32
    %get3A_825 = arith.index_cast %add3A_824 : i32 to index
    %get3A_826 = tpu.vector_load %arg9[%get3A_825] {strides = array<i32>} : memref<8192xf32, #tpu.memory_space<vmem>>, vector<16xf32>,
    %get3A_827 = vector.shape_cast %get3A_826 : vector<16xf32> to vector<16xf32>
    %add3A_828 = arith.constant 192 : i32
    %add3A_829 = arith.addi %mul3A_302, %add3A_828 : i32
    %get3A_830 = arith.index_cast %add3A_829 : i32 to index
    %get3A_831 = tpu.vector_load %arg10[%get3A_830] {strides = array<i32>} : memref<8192xf32, #tpu.memory_space<vmem>>, vector<16xf32>,
    %get3A_832 = vector.shape_cast %get3A_831 : vector<16xf32> to vector<16xf32>
    %jit3A_833 = arith.constant 1.000000e+00 : f32
    %jit3A_834 = arith.constant 0.000000e+00 : f32
    %broadcast_in_dim3A_835 = vector.broadcast %jit3A_833 : f32 to vector<16xf32>
    %broadcast_in_dim3A_836 = vector.broadcast %jit3A_834 : f32 to vector<16xf32>
    %select_n3A_837 = arith.select %eq3A_822, %broadcast_in_dim3A_835, %broadcast_in_dim3A_836 : vector<16xi1>, vector<16xf32>
    %add3A_838 = arith.addf %get3A_827, %select_n3A_837 : vector<16xf32>
    %mul3A_839 = arith.constant 9.990000e-01 : f32
    %mul3A_840 = vector.broadcast %mul3A_839 : f32 to vector<16xf32>
    %mul3A_841 = arith.mulf %add3A_838, %mul3A_840 : vector<16xf32>
    %add3A_842 = arith.constant 192 : i32
    %add3A_843 = arith.addi %mul3A_302, %add3A_842 : i32
    %swap3A_844 = arith.index_cast %add3A_843 : i32 to index
    %swap3A_845 = tpu.vector_load %arg9[%swap3A_844] {strides = array<i32>} : memref<8192xf32, #tpu.memory_space<vmem>>, vector<16xf32>,
    %swap3A_846 = vector.shape_cast %swap3A_845 : vector<16xf32> to vector<16xf32>
    %swap3A_847 = vector.shape_cast %mul3A_841 : vector<16xf32> to vector<16xf32>
    tpu.vector_store %arg9[%swap3A_844], %swap3A_847 {strides = array<i32>} : memref<8192xf32, #tpu.memory_space<vmem>>, vector<16xf32>,
    %add3A_848 = arith.constant 1.000000e+00 : f32
    %add3A_849 = vector.broadcast %add3A_848 : f32 to vector<16xf32>
    %add3A_850 = arith.addf %get3A_832, %add3A_849 : vector<16xf32>
    %jit3A_851 = arith.constant 0.000000e+00 : f32
    %broadcast_in_dim3A_852 = vector.broadcast %jit3A_851 : f32 to vector<16xf32>
    %select_n3A_853 = arith.select %eq3A_822, %broadcast_in_dim3A_852, %add3A_850 : vector<16xi1>, vector<16xf32>
    %add3A_854 = arith.constant 192 : i32
    %add3A_855 = arith.addi %mul3A_302, %add3A_854 : i32
    %swap3A_856 = arith.index_cast %add3A_855 : i32 to index
    %swap3A_857 = tpu.vector_load %arg10[%swap3A_856] {strides = array<i32>} : memref<8192xf32, #tpu.memory_space<vmem>>, vector<16xf32>,
    %swap3A_858 = vector.shape_cast %swap3A_857 : vector<16xf32> to vector<16xf32>
    %swap3A_859 = vector.shape_cast %select_n3A_853 : vector<16xf32> to vector<16xf32>
    tpu.vector_store %arg10[%swap3A_856], %swap3A_859 {strides = array<i32>} : memref<8192xf32, #tpu.memory_space<vmem>>, vector<16xf32>,
    %add3A_860 = vector.broadcast %mul3A_302 : i32 to vector<16xi32>
    %add3A_861 = arith.addi %iota3A, %add3A_860 : vector<16xi32>
    %add3A_862 = arith.constant 208 : i32
    %add3A_863 = vector.broadcast %add3A_862 : i32 to vector<16xi32>
    %add3A_864 = arith.addi %add3A_861, %add3A_863 : vector<16xi32>
    %eq3A_865 = arith.cmpi eq, %add3A_864, %broadcast_in_dim3A_298 : vector<16xi32>
    %add3A_866 = arith.constant 208 : i32
    %add3A_867 = arith.addi %mul3A_302, %add3A_866 : i32
    %get3A_868 = arith.index_cast %add3A_867 : i32 to index
    %get3A_869 = tpu.vector_load %arg9[%get3A_868] {strides = array<i32>} : memref<8192xf32, #tpu.memory_space<vmem>>, vector<16xf32>,
    %get3A_870 = vector.shape_cast %get3A_869 : vector<16xf32> to vector<16xf32>
    %add3A_871 = arith.constant 208 : i32
    %add3A_872 = arith.addi %mul3A_302, %add3A_871 : i32
    %get3A_873 = arith.index_cast %add3A_872 : i32 to index
    %get3A_874 = tpu.vector_load %arg10[%get3A_873] {strides = array<i32>} : memref<8192xf32, #tpu.memory_space<vmem>>, vector<16xf32>,
    %get3A_875 = vector.shape_cast %get3A_874 : vector<16xf32> to vector<16xf32>
    %jit3A_876 = arith.constant 1.000000e+00 : f32
    %jit3A_877 = arith.constant 0.000000e+00 : f32
    %broadcast_in_dim3A_878 = vector.broadcast %jit3A_876 : f32 to vector<16xf32>
    %broadcast_in_dim3A_879 = vector.broadcast %jit3A_877 : f32 to vector<16xf32>
    %select_n3A_880 = arith.select %eq3A_865, %broadcast_in_dim3A_878, %broadcast_in_dim3A_879 : vector<16xi1>, vector<16xf32>
    %add3A_881 = arith.addf %get3A_870, %select_n3A_880 : vector<16xf32>
    %mul3A_882 = arith.constant 9.990000e-01 : f32
    %mul3A_883 = vector.broadcast %mul3A_882 : f32 to vector<16xf32>
    %mul3A_884 = arith.mulf %add3A_881, %mul3A_883 : vector<16xf32>
    %add3A_885 = arith.constant 208 : i32
    %add3A_886 = arith.addi %mul3A_302, %add3A_885 : i32
    %swap3A_887 = arith.index_cast %add3A_886 : i32 to index
    %swap3A_888 = tpu.vector_load %arg9[%swap3A_887] {strides = array<i32>} : memref<8192xf32, #tpu.memory_space<vmem>>, vector<16xf32>,
    %swap3A_889 = vector.shape_cast %swap3A_888 : vector<16xf32> to vector<16xf32>
    %swap3A_890 = vector.shape_cast %mul3A_884 : vector<16xf32> to vector<16xf32>
    tpu.vector_store %arg9[%swap3A_887], %swap3A_890 {strides = array<i32>} : memref<8192xf32, #tpu.memory_space<vmem>>, vector<16xf32>,
    %add3A_891 = arith.constant 1.000000e+00 : f32
    %add3A_892 = vector.broadcast %add3A_891 : f32 to vector<16xf32>
    %add3A_893 = arith.addf %get3A_875, %add3A_892 : vector<16xf32>
    %jit3A_894 = arith.constant 0.000000e+00 : f32
    %broadcast_in_dim3A_895 = vector.broadcast %jit3A_894 : f32 to vector<16xf32>
    %select_n3A_896 = arith.select %eq3A_865, %broadcast_in_dim3A_895, %add3A_893 : vector<16xi1>, vector<16xf32>
    %add3A_897 = arith.constant 208 : i32
    %add3A_898 = arith.addi %mul3A_302, %add3A_897 : i32
    %swap3A_899 = arith.index_cast %add3A_898 : i32 to index
    %swap3A_900 = tpu.vector_load %arg10[%swap3A_899] {strides = array<i32>} : memref<8192xf32, #tpu.memory_space<vmem>>, vector<16xf32>,
    %swap3A_901 = vector.shape_cast %swap3A_900 : vector<16xf32> to vector<16xf32>
    %swap3A_902 = vector.shape_cast %select_n3A_896 : vector<16xf32> to vector<16xf32>
    tpu.vector_store %arg10[%swap3A_899], %swap3A_902 {strides = array<i32>} : memref<8192xf32, #tpu.memory_space<vmem>>, vector<16xf32>,
    %add3A_903 = vector.broadcast %mul3A_302 : i32 to vector<16xi32>
    %add3A_904 = arith.addi %iota3A, %add3A_903 : vector<16xi32>
    %add3A_905 = arith.constant 224 : i32
    %add3A_906 = vector.broadcast %add3A_905 : i32 to vector<16xi32>
    %add3A_907 = arith.addi %add3A_904, %add3A_906 : vector<16xi32>
    %eq3A_908 = arith.cmpi eq, %add3A_907, %broadcast_in_dim3A_298 : vector<16xi32>
    %add3A_909 = arith.constant 224 : i32
    %add3A_910 = arith.addi %mul3A_302, %add3A_909 : i32
    %get3A_911 = arith.index_cast %add3A_910 : i32 to index
    %get3A_912 = tpu.vector_load %arg9[%get3A_911] {strides = array<i32>} : memref<8192xf32, #tpu.memory_space<vmem>>, vector<16xf32>,
    %get3A_913 = vector.shape_cast %get3A_912 : vector<16xf32> to vector<16xf32>
    %add3A_914 = arith.constant 224 : i32
    %add3A_915 = arith.addi %mul3A_302, %add3A_914 : i32
    %get3A_916 = arith.index_cast %add3A_915 : i32 to index
    %get3A_917 = tpu.vector_load %arg10[%get3A_916] {strides = array<i32>} : memref<8192xf32, #tpu.memory_space<vmem>>, vector<16xf32>,
    %get3A_918 = vector.shape_cast %get3A_917 : vector<16xf32> to vector<16xf32>
    %jit3A_919 = arith.constant 1.000000e+00 : f32
    %jit3A_920 = arith.constant 0.000000e+00 : f32
    %broadcast_in_dim3A_921 = vector.broadcast %jit3A_919 : f32 to vector<16xf32>
    %broadcast_in_dim3A_922 = vector.broadcast %jit3A_920 : f32 to vector<16xf32>
    %select_n3A_923 = arith.select %eq3A_908, %broadcast_in_dim3A_921, %broadcast_in_dim3A_922 : vector<16xi1>, vector<16xf32>
    %add3A_924 = arith.addf %get3A_913, %select_n3A_923 : vector<16xf32>
    %mul3A_925 = arith.constant 9.990000e-01 : f32
    %mul3A_926 = vector.broadcast %mul3A_925 : f32 to vector<16xf32>
    %mul3A_927 = arith.mulf %add3A_924, %mul3A_926 : vector<16xf32>
    %add3A_928 = arith.constant 224 : i32
    %add3A_929 = arith.addi %mul3A_302, %add3A_928 : i32
    %swap3A_930 = arith.index_cast %add3A_929 : i32 to index
    %swap3A_931 = tpu.vector_load %arg9[%swap3A_930] {strides = array<i32>} : memref<8192xf32, #tpu.memory_space<vmem>>, vector<16xf32>,
    %swap3A_932 = vector.shape_cast %swap3A_931 : vector<16xf32> to vector<16xf32>
    %swap3A_933 = vector.shape_cast %mul3A_927 : vector<16xf32> to vector<16xf32>
    tpu.vector_store %arg9[%swap3A_930], %swap3A_933 {strides = array<i32>} : memref<8192xf32, #tpu.memory_space<vmem>>, vector<16xf32>,
    %add3A_934 = arith.constant 1.000000e+00 : f32
    %add3A_935 = vector.broadcast %add3A_934 : f32 to vector<16xf32>
    %add3A_936 = arith.addf %get3A_918, %add3A_935 : vector<16xf32>
    %jit3A_937 = arith.constant 0.000000e+00 : f32
    %broadcast_in_dim3A_938 = vector.broadcast %jit3A_937 : f32 to vector<16xf32>
    %select_n3A_939 = arith.select %eq3A_908, %broadcast_in_dim3A_938, %add3A_936 : vector<16xi1>, vector<16xf32>
    %add3A_940 = arith.constant 224 : i32
    %add3A_941 = arith.addi %mul3A_302, %add3A_940 : i32
    %swap3A_942 = arith.index_cast %add3A_941 : i32 to index
    %swap3A_943 = tpu.vector_load %arg10[%swap3A_942] {strides = array<i32>} : memref<8192xf32, #tpu.memory_space<vmem>>, vector<16xf32>,
    %swap3A_944 = vector.shape_cast %swap3A_943 : vector<16xf32> to vector<16xf32>
    %swap3A_945 = vector.shape_cast %select_n3A_939 : vector<16xf32> to vector<16xf32>
    tpu.vector_store %arg10[%swap3A_942], %swap3A_945 {strides = array<i32>} : memref<8192xf32, #tpu.memory_space<vmem>>, vector<16xf32>,
    %add3A_946 = vector.broadcast %mul3A_302 : i32 to vector<16xi32>
    %add3A_947 = arith.addi %iota3A, %add3A_946 : vector<16xi32>
    %add3A_948 = arith.constant 240 : i32
    %add3A_949 = vector.broadcast %add3A_948 : i32 to vector<16xi32>
    %add3A_950 = arith.addi %add3A_947, %add3A_949 : vector<16xi32>
    %eq3A_951 = arith.cmpi eq, %add3A_950, %broadcast_in_dim3A_298 : vector<16xi32>
    %add3A_952 = arith.constant 240 : i32
    %add3A_953 = arith.addi %mul3A_302, %add3A_952 : i32
    %get3A_954 = arith.index_cast %add3A_953 : i32 to index
    %get3A_955 = tpu.vector_load %arg9[%get3A_954] {strides = array<i32>} : memref<8192xf32, #tpu.memory_space<vmem>>, vector<16xf32>,
    %get3A_956 = vector.shape_cast %get3A_955 : vector<16xf32> to vector<16xf32>
    %add3A_957 = arith.constant 240 : i32
    %add3A_958 = arith.addi %mul3A_302, %add3A_957 : i32
    %get3A_959 = arith.index_cast %add3A_958 : i32 to index
    %get3A_960 = tpu.vector_load %arg10[%get3A_959] {strides = array<i32>} : memref<8192xf32, #tpu.memory_space<vmem>>, vector<16xf32>,
    %get3A_961 = vector.shape_cast %get3A_960 : vector<16xf32> to vector<16xf32>
    %jit3A_962 = arith.constant 1.000000e+00 : f32
    %jit3A_963 = arith.constant 0.000000e+00 : f32
    %broadcast_in_dim3A_964 = vector.broadcast %jit3A_962 : f32 to vector<16xf32>
    %broadcast_in_dim3A_965 = vector.broadcast %jit3A_963 : f32 to vector<16xf32>
    %select_n3A_966 = arith.select %eq3A_951, %broadcast_in_dim3A_964, %broadcast_in_dim3A_965 : vector<16xi1>, vector<16xf32>
    %add3A_967 = arith.addf %get3A_956, %select_n3A_966 : vector<16xf32>
    %mul3A_968 = arith.constant 9.990000e-01 : f32
    %mul3A_969 = vector.broadcast %mul3A_968 : f32 to vector<16xf32>
    %mul3A_970 = arith.mulf %add3A_967, %mul3A_969 : vector<16xf32>
    %add3A_971 = arith.constant 240 : i32
    %add3A_972 = arith.addi %mul3A_302, %add3A_971 : i32
    %swap3A_973 = arith.index_cast %add3A_972 : i32 to index
    %swap3A_974 = tpu.vector_load %arg9[%swap3A_973] {strides = array<i32>} : memref<8192xf32, #tpu.memory_space<vmem>>, vector<16xf32>,
    %swap3A_975 = vector.shape_cast %swap3A_974 : vector<16xf32> to vector<16xf32>
    %swap3A_976 = vector.shape_cast %mul3A_970 : vector<16xf32> to vector<16xf32>
    tpu.vector_store %arg9[%swap3A_973], %swap3A_976 {strides = array<i32>} : memref<8192xf32, #tpu.memory_space<vmem>>, vector<16xf32>,
    %add3A_977 = arith.constant 1.000000e+00 : f32
    %add3A_978 = vector.broadcast %add3A_977 : f32 to vector<16xf32>
    %add3A_979 = arith.addf %get3A_961, %add3A_978 : vector<16xf32>
    %jit3A_980 = arith.constant 0.000000e+00 : f32
    %broadcast_in_dim3A_981 = vector.broadcast %jit3A_980 : f32 to vector<16xf32>
    %select_n3A_982 = arith.select %eq3A_951, %broadcast_in_dim3A_981, %add3A_979 : vector<16xi1>, vector<16xf32>
    %add3A_983 = arith.constant 240 : i32
    %add3A_984 = arith.addi %mul3A_302, %add3A_983 : i32
    %swap3A_985 = arith.index_cast %add3A_984 : i32 to index
    %swap3A_986 = tpu.vector_load %arg10[%swap3A_985] {strides = array<i32>} : memref<8192xf32, #tpu.memory_space<vmem>>, vector<16xf32>,
    %swap3A_987 = vector.shape_cast %swap3A_986 : vector<16xf32> to vector<16xf32>
    %swap3A_988 = vector.shape_cast %select_n3A_982 : vector<16xf32> to vector<16xf32>
    tpu.vector_store %arg10[%swap3A_985], %swap3A_988 {strides = array<i32>} : memref<8192xf32, #tpu.memory_space<vmem>>, vector<16xf32>,
    %add3A_989 = vector.broadcast %mul3A_302 : i32 to vector<16xi32>
    %add3A_990 = arith.addi %iota3A, %add3A_989 : vector<16xi32>
    %add3A_991 = arith.constant 256 : i32
    %add3A_992 = vector.broadcast %add3A_991 : i32 to vector<16xi32>
    %add3A_993 = arith.addi %add3A_990, %add3A_992 : vector<16xi32>
    %eq3A_994 = arith.cmpi eq, %add3A_993, %broadcast_in_dim3A_298 : vector<16xi32>
    %add3A_995 = arith.constant 256 : i32
    %add3A_996 = arith.addi %mul3A_302, %add3A_995 : i32
    %get3A_997 = arith.index_cast %add3A_996 : i32 to index
    %get3A_998 = tpu.vector_load %arg9[%get3A_997] {strides = array<i32>} : memref<8192xf32, #tpu.memory_space<vmem>>, vector<16xf32>,
    %get3A_999 = vector.shape_cast %get3A_998 : vector<16xf32> to vector<16xf32>
    %add3A_1000 = arith.constant 256 : i32
    %add3A_1001 = arith.addi %mul3A_302, %add3A_1000 : i32
    %get3A_1002 = arith.index_cast %add3A_1001 : i32 to index
    %get3A_1003 = tpu.vector_load %arg10[%get3A_1002] {strides = array<i32>} : memref<8192xf32, #tpu.memory_space<vmem>>, vector<16xf32>,
    %get3A_1004 = vector.shape_cast %get3A_1003 : vector<16xf32> to vector<16xf32>
    %jit3A_1005 = arith.constant 1.000000e+00 : f32
    %jit3A_1006 = arith.constant 0.000000e+00 : f32
    %broadcast_in_dim3A_1007 = vector.broadcast %jit3A_1005 : f32 to vector<16xf32>
    %broadcast_in_dim3A_1008 = vector.broadcast %jit3A_1006 : f32 to vector<16xf32>
    %select_n3A_1009 = arith.select %eq3A_994, %broadcast_in_dim3A_1007, %broadcast_in_dim3A_1008 : vector<16xi1>, vector<16xf32>
    %add3A_1010 = arith.addf %get3A_999, %select_n3A_1009 : vector<16xf32>
    %mul3A_1011 = arith.constant 9.990000e-01 : f32
    %mul3A_1012 = vector.broadcast %mul3A_1011 : f32 to vector<16xf32>
    %mul3A_1013 = arith.mulf %add3A_1010, %mul3A_1012 : vector<16xf32>
    %add3A_1014 = arith.constant 256 : i32
    %add3A_1015 = arith.addi %mul3A_302, %add3A_1014 : i32
    %swap3A_1016 = arith.index_cast %add3A_1015 : i32 to index
    %swap3A_1017 = tpu.vector_load %arg9[%swap3A_1016] {strides = array<i32>} : memref<8192xf32, #tpu.memory_space<vmem>>, vector<16xf32>,
    %swap3A_1018 = vector.shape_cast %swap3A_1017 : vector<16xf32> to vector<16xf32>
    %swap3A_1019 = vector.shape_cast %mul3A_1013 : vector<16xf32> to vector<16xf32>
    tpu.vector_store %arg9[%swap3A_1016], %swap3A_1019 {strides = array<i32>} : memref<8192xf32, #tpu.memory_space<vmem>>, vector<16xf32>,
    %add3A_1020 = arith.constant 1.000000e+00 : f32
    %add3A_1021 = vector.broadcast %add3A_1020 : f32 to vector<16xf32>
    %add3A_1022 = arith.addf %get3A_1004, %add3A_1021 : vector<16xf32>
    %jit3A_1023 = arith.constant 0.000000e+00 : f32
    %broadcast_in_dim3A_1024 = vector.broadcast %jit3A_1023 : f32 to vector<16xf32>
    %select_n3A_1025 = arith.select %eq3A_994, %broadcast_in_dim3A_1024, %add3A_1022 : vector<16xi1>, vector<16xf32>
    %add3A_1026 = arith.constant 256 : i32
    %add3A_1027 = arith.addi %mul3A_302, %add3A_1026 : i32
    %swap3A_1028 = arith.index_cast %add3A_1027 : i32 to index
    %swap3A_1029 = tpu.vector_load %arg10[%swap3A_1028] {strides = array<i32>} : memref<8192xf32, #tpu.memory_space<vmem>>, vector<16xf32>,
    %swap3A_1030 = vector.shape_cast %swap3A_1029 : vector<16xf32> to vector<16xf32>
    %swap3A_1031 = vector.shape_cast %select_n3A_1025 : vector<16xf32> to vector<16xf32>
    tpu.vector_store %arg10[%swap3A_1028], %swap3A_1031 {strides = array<i32>} : memref<8192xf32, #tpu.memory_space<vmem>>, vector<16xf32>,
    %add3A_1032 = vector.broadcast %mul3A_302 : i32 to vector<16xi32>
    %add3A_1033 = arith.addi %iota3A, %add3A_1032 : vector<16xi32>
    %add3A_1034 = arith.constant 272 : i32
    %add3A_1035 = vector.broadcast %add3A_1034 : i32 to vector<16xi32>
    %add3A_1036 = arith.addi %add3A_1033, %add3A_1035 : vector<16xi32>
    %eq3A_1037 = arith.cmpi eq, %add3A_1036, %broadcast_in_dim3A_298 : vector<16xi32>
    %add3A_1038 = arith.constant 272 : i32
    %add3A_1039 = arith.addi %mul3A_302, %add3A_1038 : i32
    %get3A_1040 = arith.index_cast %add3A_1039 : i32 to index
    %get3A_1041 = tpu.vector_load %arg9[%get3A_1040] {strides = array<i32>} : memref<8192xf32, #tpu.memory_space<vmem>>, vector<16xf32>,
    %get3A_1042 = vector.shape_cast %get3A_1041 : vector<16xf32> to vector<16xf32>
    %add3A_1043 = arith.constant 272 : i32
    %add3A_1044 = arith.addi %mul3A_302, %add3A_1043 : i32
    %get3A_1045 = arith.index_cast %add3A_1044 : i32 to index
    %get3A_1046 = tpu.vector_load %arg10[%get3A_1045] {strides = array<i32>} : memref<8192xf32, #tpu.memory_space<vmem>>, vector<16xf32>,
    %get3A_1047 = vector.shape_cast %get3A_1046 : vector<16xf32> to vector<16xf32>
    %jit3A_1048 = arith.constant 1.000000e+00 : f32
    %jit3A_1049 = arith.constant 0.000000e+00 : f32
    %broadcast_in_dim3A_1050 = vector.broadcast %jit3A_1048 : f32 to vector<16xf32>
    %broadcast_in_dim3A_1051 = vector.broadcast %jit3A_1049 : f32 to vector<16xf32>
    %select_n3A_1052 = arith.select %eq3A_1037, %broadcast_in_dim3A_1050, %broadcast_in_dim3A_1051 : vector<16xi1>, vector<16xf32>
    %add3A_1053 = arith.addf %get3A_1042, %select_n3A_1052 : vector<16xf32>
    %mul3A_1054 = arith.constant 9.990000e-01 : f32
    %mul3A_1055 = vector.broadcast %mul3A_1054 : f32 to vector<16xf32>
    %mul3A_1056 = arith.mulf %add3A_1053, %mul3A_1055 : vector<16xf32>
    %add3A_1057 = arith.constant 272 : i32
    %add3A_1058 = arith.addi %mul3A_302, %add3A_1057 : i32
    %swap3A_1059 = arith.index_cast %add3A_1058 : i32 to index
    %swap3A_1060 = tpu.vector_load %arg9[%swap3A_1059] {strides = array<i32>} : memref<8192xf32, #tpu.memory_space<vmem>>, vector<16xf32>,
    %swap3A_1061 = vector.shape_cast %swap3A_1060 : vector<16xf32> to vector<16xf32>
    %swap3A_1062 = vector.shape_cast %mul3A_1056 : vector<16xf32> to vector<16xf32>
    tpu.vector_store %arg9[%swap3A_1059], %swap3A_1062 {strides = array<i32>} : memref<8192xf32, #tpu.memory_space<vmem>>, vector<16xf32>,
    %add3A_1063 = arith.constant 1.000000e+00 : f32
    %add3A_1064 = vector.broadcast %add3A_1063 : f32 to vector<16xf32>
    %add3A_1065 = arith.addf %get3A_1047, %add3A_1064 : vector<16xf32>
    %jit3A_1066 = arith.constant 0.000000e+00 : f32
    %broadcast_in_dim3A_1067 = vector.broadcast %jit3A_1066 : f32 to vector<16xf32>
    %select_n3A_1068 = arith.select %eq3A_1037, %broadcast_in_dim3A_1067, %add3A_1065 : vector<16xi1>, vector<16xf32>
    %add3A_1069 = arith.constant 272 : i32
    %add3A_1070 = arith.addi %mul3A_302, %add3A_1069 : i32
    %swap3A_1071 = arith.index_cast %add3A_1070 : i32 to index
    %swap3A_1072 = tpu.vector_load %arg10[%swap3A_1071] {strides = array<i32>} : memref<8192xf32, #tpu.memory_space<vmem>>, vector<16xf32>,
    %swap3A_1073 = vector.shape_cast %swap3A_1072 : vector<16xf32> to vector<16xf32>
    %swap3A_1074 = vector.shape_cast %select_n3A_1068 : vector<16xf32> to vector<16xf32>
    tpu.vector_store %arg10[%swap3A_1071], %swap3A_1074 {strides = array<i32>} : memref<8192xf32, #tpu.memory_space<vmem>>, vector<16xf32>,
    %add3A_1075 = vector.broadcast %mul3A_302 : i32 to vector<16xi32>
    %add3A_1076 = arith.addi %iota3A, %add3A_1075 : vector<16xi32>
    %add3A_1077 = arith.constant 288 : i32
    %add3A_1078 = vector.broadcast %add3A_1077 : i32 to vector<16xi32>
    %add3A_1079 = arith.addi %add3A_1076, %add3A_1078 : vector<16xi32>
    %eq3A_1080 = arith.cmpi eq, %add3A_1079, %broadcast_in_dim3A_298 : vector<16xi32>
    %add3A_1081 = arith.constant 288 : i32
    %add3A_1082 = arith.addi %mul3A_302, %add3A_1081 : i32
    %get3A_1083 = arith.index_cast %add3A_1082 : i32 to index
    %get3A_1084 = tpu.vector_load %arg9[%get3A_1083] {strides = array<i32>} : memref<8192xf32, #tpu.memory_space<vmem>>, vector<16xf32>,
    %get3A_1085 = vector.shape_cast %get3A_1084 : vector<16xf32> to vector<16xf32>
    %add3A_1086 = arith.constant 288 : i32
    %add3A_1087 = arith.addi %mul3A_302, %add3A_1086 : i32
    %get3A_1088 = arith.index_cast %add3A_1087 : i32 to index
    %get3A_1089 = tpu.vector_load %arg10[%get3A_1088] {strides = array<i32>} : memref<8192xf32, #tpu.memory_space<vmem>>, vector<16xf32>,
    %get3A_1090 = vector.shape_cast %get3A_1089 : vector<16xf32> to vector<16xf32>
    %jit3A_1091 = arith.constant 1.000000e+00 : f32
    %jit3A_1092 = arith.constant 0.000000e+00 : f32
    %broadcast_in_dim3A_1093 = vector.broadcast %jit3A_1091 : f32 to vector<16xf32>
    %broadcast_in_dim3A_1094 = vector.broadcast %jit3A_1092 : f32 to vector<16xf32>
    %select_n3A_1095 = arith.select %eq3A_1080, %broadcast_in_dim3A_1093, %broadcast_in_dim3A_1094 : vector<16xi1>, vector<16xf32>
    %add3A_1096 = arith.addf %get3A_1085, %select_n3A_1095 : vector<16xf32>
    %mul3A_1097 = arith.constant 9.990000e-01 : f32
    %mul3A_1098 = vector.broadcast %mul3A_1097 : f32 to vector<16xf32>
    %mul3A_1099 = arith.mulf %add3A_1096, %mul3A_1098 : vector<16xf32>
    %add3A_1100 = arith.constant 288 : i32
    %add3A_1101 = arith.addi %mul3A_302, %add3A_1100 : i32
    %swap3A_1102 = arith.index_cast %add3A_1101 : i32 to index
    %swap3A_1103 = tpu.vector_load %arg9[%swap3A_1102] {strides = array<i32>} : memref<8192xf32, #tpu.memory_space<vmem>>, vector<16xf32>,
    %swap3A_1104 = vector.shape_cast %swap3A_1103 : vector<16xf32> to vector<16xf32>
    %swap3A_1105 = vector.shape_cast %mul3A_1099 : vector<16xf32> to vector<16xf32>
    tpu.vector_store %arg9[%swap3A_1102], %swap3A_1105 {strides = array<i32>} : memref<8192xf32, #tpu.memory_space<vmem>>, vector<16xf32>,
    %add3A_1106 = arith.constant 1.000000e+00 : f32
    %add3A_1107 = vector.broadcast %add3A_1106 : f32 to vector<16xf32>
    %add3A_1108 = arith.addf %get3A_1090, %add3A_1107 : vector<16xf32>
    %jit3A_1109 = arith.constant 0.000000e+00 : f32
    %broadcast_in_dim3A_1110 = vector.broadcast %jit3A_1109 : f32 to vector<16xf32>
    %select_n3A_1111 = arith.select %eq3A_1080, %broadcast_in_dim3A_1110, %add3A_1108 : vector<16xi1>, vector<16xf32>
    %add3A_1112 = arith.constant 288 : i32
    %add3A_1113 = arith.addi %mul3A_302, %add3A_1112 : i32
    %swap3A_1114 = arith.index_cast %add3A_1113 : i32 to index
    %swap3A_1115 = tpu.vector_load %arg10[%swap3A_1114] {strides = array<i32>} : memref<8192xf32, #tpu.memory_space<vmem>>, vector<16xf32>,
    %swap3A_1116 = vector.shape_cast %swap3A_1115 : vector<16xf32> to vector<16xf32>
    %swap3A_1117 = vector.shape_cast %select_n3A_1111 : vector<16xf32> to vector<16xf32>
    tpu.vector_store %arg10[%swap3A_1114], %swap3A_1117 {strides = array<i32>} : memref<8192xf32, #tpu.memory_space<vmem>>, vector<16xf32>,
    %add3A_1118 = vector.broadcast %mul3A_302 : i32 to vector<16xi32>
    %add3A_1119 = arith.addi %iota3A, %add3A_1118 : vector<16xi32>
    %add3A_1120 = arith.constant 304 : i32
    %add3A_1121 = vector.broadcast %add3A_1120 : i32 to vector<16xi32>
    %add3A_1122 = arith.addi %add3A_1119, %add3A_1121 : vector<16xi32>
    %eq3A_1123 = arith.cmpi eq, %add3A_1122, %broadcast_in_dim3A_298 : vector<16xi32>
    %add3A_1124 = arith.constant 304 : i32
    %add3A_1125 = arith.addi %mul3A_302, %add3A_1124 : i32
    %get3A_1126 = arith.index_cast %add3A_1125 : i32 to index
    %get3A_1127 = tpu.vector_load %arg9[%get3A_1126] {strides = array<i32>} : memref<8192xf32, #tpu.memory_space<vmem>>, vector<16xf32>,
    %get3A_1128 = vector.shape_cast %get3A_1127 : vector<16xf32> to vector<16xf32>
    %add3A_1129 = arith.constant 304 : i32
    %add3A_1130 = arith.addi %mul3A_302, %add3A_1129 : i32
    %get3A_1131 = arith.index_cast %add3A_1130 : i32 to index
    %get3A_1132 = tpu.vector_load %arg10[%get3A_1131] {strides = array<i32>} : memref<8192xf32, #tpu.memory_space<vmem>>, vector<16xf32>,
    %get3A_1133 = vector.shape_cast %get3A_1132 : vector<16xf32> to vector<16xf32>
    %jit3A_1134 = arith.constant 1.000000e+00 : f32
    %jit3A_1135 = arith.constant 0.000000e+00 : f32
    %broadcast_in_dim3A_1136 = vector.broadcast %jit3A_1134 : f32 to vector<16xf32>
    %broadcast_in_dim3A_1137 = vector.broadcast %jit3A_1135 : f32 to vector<16xf32>
    %select_n3A_1138 = arith.select %eq3A_1123, %broadcast_in_dim3A_1136, %broadcast_in_dim3A_1137 : vector<16xi1>, vector<16xf32>
    %add3A_1139 = arith.addf %get3A_1128, %select_n3A_1138 : vector<16xf32>
    %mul3A_1140 = arith.constant 9.990000e-01 : f32
    %mul3A_1141 = vector.broadcast %mul3A_1140 : f32 to vector<16xf32>
    %mul3A_1142 = arith.mulf %add3A_1139, %mul3A_1141 : vector<16xf32>
    %add3A_1143 = arith.constant 304 : i32
    %add3A_1144 = arith.addi %mul3A_302, %add3A_1143 : i32
    %swap3A_1145 = arith.index_cast %add3A_1144 : i32 to index
    %swap3A_1146 = tpu.vector_load %arg9[%swap3A_1145] {strides = array<i32>} : memref<8192xf32, #tpu.memory_space<vmem>>, vector<16xf32>,
    %swap3A_1147 = vector.shape_cast %swap3A_1146 : vector<16xf32> to vector<16xf32>
    %swap3A_1148 = vector.shape_cast %mul3A_1142 : vector<16xf32> to vector<16xf32>
    tpu.vector_store %arg9[%swap3A_1145], %swap3A_1148 {strides = array<i32>} : memref<8192xf32, #tpu.memory_space<vmem>>, vector<16xf32>,
    %add3A_1149 = arith.constant 1.000000e+00 : f32
    %add3A_1150 = vector.broadcast %add3A_1149 : f32 to vector<16xf32>
    %add3A_1151 = arith.addf %get3A_1133, %add3A_1150 : vector<16xf32>
    %jit3A_1152 = arith.constant 0.000000e+00 : f32
    %broadcast_in_dim3A_1153 = vector.broadcast %jit3A_1152 : f32 to vector<16xf32>
    %select_n3A_1154 = arith.select %eq3A_1123, %broadcast_in_dim3A_1153, %add3A_1151 : vector<16xi1>, vector<16xf32>
    %add3A_1155 = arith.constant 304 : i32
    %add3A_1156 = arith.addi %mul3A_302, %add3A_1155 : i32
    %swap3A_1157 = arith.index_cast %add3A_1156 : i32 to index
    %swap3A_1158 = tpu.vector_load %arg10[%swap3A_1157] {strides = array<i32>} : memref<8192xf32, #tpu.memory_space<vmem>>, vector<16xf32>,
    %swap3A_1159 = vector.shape_cast %swap3A_1158 : vector<16xf32> to vector<16xf32>
    %swap3A_1160 = vector.shape_cast %select_n3A_1154 : vector<16xf32> to vector<16xf32>
    tpu.vector_store %arg10[%swap3A_1157], %swap3A_1160 {strides = array<i32>} : memref<8192xf32, #tpu.memory_space<vmem>>, vector<16xf32>,
    %add3A_1161 = vector.broadcast %mul3A_302 : i32 to vector<16xi32>
    %add3A_1162 = arith.addi %iota3A, %add3A_1161 : vector<16xi32>
    %add3A_1163 = arith.constant 320 : i32
    %add3A_1164 = vector.broadcast %add3A_1163 : i32 to vector<16xi32>
    %add3A_1165 = arith.addi %add3A_1162, %add3A_1164 : vector<16xi32>
    %eq3A_1166 = arith.cmpi eq, %add3A_1165, %broadcast_in_dim3A_298 : vector<16xi32>
    %add3A_1167 = arith.constant 320 : i32
    %add3A_1168 = arith.addi %mul3A_302, %add3A_1167 : i32
    %get3A_1169 = arith.index_cast %add3A_1168 : i32 to index
    %get3A_1170 = tpu.vector_load %arg9[%get3A_1169] {strides = array<i32>} : memref<8192xf32, #tpu.memory_space<vmem>>, vector<16xf32>,
    %get3A_1171 = vector.shape_cast %get3A_1170 : vector<16xf32> to vector<16xf32>
    %add3A_1172 = arith.constant 320 : i32
    %add3A_1173 = arith.addi %mul3A_302, %add3A_1172 : i32
    %get3A_1174 = arith.index_cast %add3A_1173 : i32 to index
    %get3A_1175 = tpu.vector_load %arg10[%get3A_1174] {strides = array<i32>} : memref<8192xf32, #tpu.memory_space<vmem>>, vector<16xf32>,
    %get3A_1176 = vector.shape_cast %get3A_1175 : vector<16xf32> to vector<16xf32>
    %jit3A_1177 = arith.constant 1.000000e+00 : f32
    %jit3A_1178 = arith.constant 0.000000e+00 : f32
    %broadcast_in_dim3A_1179 = vector.broadcast %jit3A_1177 : f32 to vector<16xf32>
    %broadcast_in_dim3A_1180 = vector.broadcast %jit3A_1178 : f32 to vector<16xf32>
    %select_n3A_1181 = arith.select %eq3A_1166, %broadcast_in_dim3A_1179, %broadcast_in_dim3A_1180 : vector<16xi1>, vector<16xf32>
    %add3A_1182 = arith.addf %get3A_1171, %select_n3A_1181 : vector<16xf32>
    %mul3A_1183 = arith.constant 9.990000e-01 : f32
    %mul3A_1184 = vector.broadcast %mul3A_1183 : f32 to vector<16xf32>
    %mul3A_1185 = arith.mulf %add3A_1182, %mul3A_1184 : vector<16xf32>
    %add3A_1186 = arith.constant 320 : i32
    %add3A_1187 = arith.addi %mul3A_302, %add3A_1186 : i32
    %swap3A_1188 = arith.index_cast %add3A_1187 : i32 to index
    %swap3A_1189 = tpu.vector_load %arg9[%swap3A_1188] {strides = array<i32>} : memref<8192xf32, #tpu.memory_space<vmem>>, vector<16xf32>,
    %swap3A_1190 = vector.shape_cast %swap3A_1189 : vector<16xf32> to vector<16xf32>
    %swap3A_1191 = vector.shape_cast %mul3A_1185 : vector<16xf32> to vector<16xf32>
    tpu.vector_store %arg9[%swap3A_1188], %swap3A_1191 {strides = array<i32>} : memref<8192xf32, #tpu.memory_space<vmem>>, vector<16xf32>,
    %add3A_1192 = arith.constant 1.000000e+00 : f32
    %add3A_1193 = vector.broadcast %add3A_1192 : f32 to vector<16xf32>
    %add3A_1194 = arith.addf %get3A_1176, %add3A_1193 : vector<16xf32>
    %jit3A_1195 = arith.constant 0.000000e+00 : f32
    %broadcast_in_dim3A_1196 = vector.broadcast %jit3A_1195 : f32 to vector<16xf32>
    %select_n3A_1197 = arith.select %eq3A_1166, %broadcast_in_dim3A_1196, %add3A_1194 : vector<16xi1>, vector<16xf32>
    %add3A_1198 = arith.constant 320 : i32
    %add3A_1199 = arith.addi %mul3A_302, %add3A_1198 : i32
    %swap3A_1200 = arith.index_cast %add3A_1199 : i32 to index
    %swap3A_1201 = tpu.vector_load %arg10[%swap3A_1200] {strides = array<i32>} : memref<8192xf32, #tpu.memory_space<vmem>>, vector<16xf32>,
    %swap3A_1202 = vector.shape_cast %swap3A_1201 : vector<16xf32> to vector<16xf32>
    %swap3A_1203 = vector.shape_cast %select_n3A_1197 : vector<16xf32> to vector<16xf32>
    tpu.vector_store %arg10[%swap3A_1200], %swap3A_1203 {strides = array<i32>} : memref<8192xf32, #tpu.memory_space<vmem>>, vector<16xf32>,
    %add3A_1204 = vector.broadcast %mul3A_302 : i32 to vector<16xi32>
    %add3A_1205 = arith.addi %iota3A, %add3A_1204 : vector<16xi32>
    %add3A_1206 = arith.constant 336 : i32
    %add3A_1207 = vector.broadcast %add3A_1206 : i32 to vector<16xi32>
    %add3A_1208 = arith.addi %add3A_1205, %add3A_1207 : vector<16xi32>
    %eq3A_1209 = arith.cmpi eq, %add3A_1208, %broadcast_in_dim3A_298 : vector<16xi32>
    %add3A_1210 = arith.constant 336 : i32
    %add3A_1211 = arith.addi %mul3A_302, %add3A_1210 : i32
    %get3A_1212 = arith.index_cast %add3A_1211 : i32 to index
    %get3A_1213 = tpu.vector_load %arg9[%get3A_1212] {strides = array<i32>} : memref<8192xf32, #tpu.memory_space<vmem>>, vector<16xf32>,
    %get3A_1214 = vector.shape_cast %get3A_1213 : vector<16xf32> to vector<16xf32>
    %add3A_1215 = arith.constant 336 : i32
    %add3A_1216 = arith.addi %mul3A_302, %add3A_1215 : i32
    %get3A_1217 = arith.index_cast %add3A_1216 : i32 to index
    %get3A_1218 = tpu.vector_load %arg10[%get3A_1217] {strides = array<i32>} : memref<8192xf32, #tpu.memory_space<vmem>>, vector<16xf32>,
    %get3A_1219 = vector.shape_cast %get3A_1218 : vector<16xf32> to vector<16xf32>
    %jit3A_1220 = arith.constant 1.000000e+00 : f32
    %jit3A_1221 = arith.constant 0.000000e+00 : f32
    %broadcast_in_dim3A_1222 = vector.broadcast %jit3A_1220 : f32 to vector<16xf32>
    %broadcast_in_dim3A_1223 = vector.broadcast %jit3A_1221 : f32 to vector<16xf32>
    %select_n3A_1224 = arith.select %eq3A_1209, %broadcast_in_dim3A_1222, %broadcast_in_dim3A_1223 : vector<16xi1>, vector<16xf32>
    %add3A_1225 = arith.addf %get3A_1214, %select_n3A_1224 : vector<16xf32>
    %mul3A_1226 = arith.constant 9.990000e-01 : f32
    %mul3A_1227 = vector.broadcast %mul3A_1226 : f32 to vector<16xf32>
    %mul3A_1228 = arith.mulf %add3A_1225, %mul3A_1227 : vector<16xf32>
    %add3A_1229 = arith.constant 336 : i32
    %add3A_1230 = arith.addi %mul3A_302, %add3A_1229 : i32
    %swap3A_1231 = arith.index_cast %add3A_1230 : i32 to index
    %swap3A_1232 = tpu.vector_load %arg9[%swap3A_1231] {strides = array<i32>} : memref<8192xf32, #tpu.memory_space<vmem>>, vector<16xf32>,
    %swap3A_1233 = vector.shape_cast %swap3A_1232 : vector<16xf32> to vector<16xf32>
    %swap3A_1234 = vector.shape_cast %mul3A_1228 : vector<16xf32> to vector<16xf32>
    tpu.vector_store %arg9[%swap3A_1231], %swap3A_1234 {strides = array<i32>} : memref<8192xf32, #tpu.memory_space<vmem>>, vector<16xf32>,
    %add3A_1235 = arith.constant 1.000000e+00 : f32
    %add3A_1236 = vector.broadcast %add3A_1235 : f32 to vector<16xf32>
    %add3A_1237 = arith.addf %get3A_1219, %add3A_1236 : vector<16xf32>
    %jit3A_1238 = arith.constant 0.000000e+00 : f32
    %broadcast_in_dim3A_1239 = vector.broadcast %jit3A_1238 : f32 to vector<16xf32>
    %select_n3A_1240 = arith.select %eq3A_1209, %broadcast_in_dim3A_1239, %add3A_1237 : vector<16xi1>, vector<16xf32>
    %add3A_1241 = arith.constant 336 : i32
    %add3A_1242 = arith.addi %mul3A_302, %add3A_1241 : i32
    %swap3A_1243 = arith.index_cast %add3A_1242 : i32 to index
    %swap3A_1244 = tpu.vector_load %arg10[%swap3A_1243] {strides = array<i32>} : memref<8192xf32, #tpu.memory_space<vmem>>, vector<16xf32>,
    %swap3A_1245 = vector.shape_cast %swap3A_1244 : vector<16xf32> to vector<16xf32>
    %swap3A_1246 = vector.shape_cast %select_n3A_1240 : vector<16xf32> to vector<16xf32>
    tpu.vector_store %arg10[%swap3A_1243], %swap3A_1246 {strides = array<i32>} : memref<8192xf32, #tpu.memory_space<vmem>>, vector<16xf32>,
    %add3A_1247 = vector.broadcast %mul3A_302 : i32 to vector<16xi32>
    %add3A_1248 = arith.addi %iota3A, %add3A_1247 : vector<16xi32>
    %add3A_1249 = arith.constant 352 : i32
    %add3A_1250 = vector.broadcast %add3A_1249 : i32 to vector<16xi32>
    %add3A_1251 = arith.addi %add3A_1248, %add3A_1250 : vector<16xi32>
    %eq3A_1252 = arith.cmpi eq, %add3A_1251, %broadcast_in_dim3A_298 : vector<16xi32>
    %add3A_1253 = arith.constant 352 : i32
    %add3A_1254 = arith.addi %mul3A_302, %add3A_1253 : i32
    %get3A_1255 = arith.index_cast %add3A_1254 : i32 to index
    %get3A_1256 = tpu.vector_load %arg9[%get3A_1255] {strides = array<i32>} : memref<8192xf32, #tpu.memory_space<vmem>>, vector<16xf32>,
    %get3A_1257 = vector.shape_cast %get3A_1256 : vector<16xf32> to vector<16xf32>
    %add3A_1258 = arith.constant 352 : i32
    %add3A_1259 = arith.addi %mul3A_302, %add3A_1258 : i32
    %get3A_1260 = arith.index_cast %add3A_1259 : i32 to index
    %get3A_1261 = tpu.vector_load %arg10[%get3A_1260] {strides = array<i32>} : memref<8192xf32, #tpu.memory_space<vmem>>, vector<16xf32>,
    %get3A_1262 = vector.shape_cast %get3A_1261 : vector<16xf32> to vector<16xf32>
    %jit3A_1263 = arith.constant 1.000000e+00 : f32
    %jit3A_1264 = arith.constant 0.000000e+00 : f32
    %broadcast_in_dim3A_1265 = vector.broadcast %jit3A_1263 : f32 to vector<16xf32>
    %broadcast_in_dim3A_1266 = vector.broadcast %jit3A_1264 : f32 to vector<16xf32>
    %select_n3A_1267 = arith.select %eq3A_1252, %broadcast_in_dim3A_1265, %broadcast_in_dim3A_1266 : vector<16xi1>, vector<16xf32>
    %add3A_1268 = arith.addf %get3A_1257, %select_n3A_1267 : vector<16xf32>
    %mul3A_1269 = arith.constant 9.990000e-01 : f32
    %mul3A_1270 = vector.broadcast %mul3A_1269 : f32 to vector<16xf32>
    %mul3A_1271 = arith.mulf %add3A_1268, %mul3A_1270 : vector<16xf32>
    %add3A_1272 = arith.constant 352 : i32
    %add3A_1273 = arith.addi %mul3A_302, %add3A_1272 : i32
    %swap3A_1274 = arith.index_cast %add3A_1273 : i32 to index
    %swap3A_1275 = tpu.vector_load %arg9[%swap3A_1274] {strides = array<i32>} : memref<8192xf32, #tpu.memory_space<vmem>>, vector<16xf32>,
    %swap3A_1276 = vector.shape_cast %swap3A_1275 : vector<16xf32> to vector<16xf32>
    %swap3A_1277 = vector.shape_cast %mul3A_1271 : vector<16xf32> to vector<16xf32>
    tpu.vector_store %arg9[%swap3A_1274], %swap3A_1277 {strides = array<i32>} : memref<8192xf32, #tpu.memory_space<vmem>>, vector<16xf32>,
    %add3A_1278 = arith.constant 1.000000e+00 : f32
    %add3A_1279 = vector.broadcast %add3A_1278 : f32 to vector<16xf32>
    %add3A_1280 = arith.addf %get3A_1262, %add3A_1279 : vector<16xf32>
    %jit3A_1281 = arith.constant 0.000000e+00 : f32
    %broadcast_in_dim3A_1282 = vector.broadcast %jit3A_1281 : f32 to vector<16xf32>
    %select_n3A_1283 = arith.select %eq3A_1252, %broadcast_in_dim3A_1282, %add3A_1280 : vector<16xi1>, vector<16xf32>
    %add3A_1284 = arith.constant 352 : i32
    %add3A_1285 = arith.addi %mul3A_302, %add3A_1284 : i32
    %swap3A_1286 = arith.index_cast %add3A_1285 : i32 to index
    %swap3A_1287 = tpu.vector_load %arg10[%swap3A_1286] {strides = array<i32>} : memref<8192xf32, #tpu.memory_space<vmem>>, vector<16xf32>,
    %swap3A_1288 = vector.shape_cast %swap3A_1287 : vector<16xf32> to vector<16xf32>
    %swap3A_1289 = vector.shape_cast %select_n3A_1283 : vector<16xf32> to vector<16xf32>
    tpu.vector_store %arg10[%swap3A_1286], %swap3A_1289 {strides = array<i32>} : memref<8192xf32, #tpu.memory_space<vmem>>, vector<16xf32>,
    %add3A_1290 = vector.broadcast %mul3A_302 : i32 to vector<16xi32>
    %add3A_1291 = arith.addi %iota3A, %add3A_1290 : vector<16xi32>
    %add3A_1292 = arith.constant 368 : i32
    %add3A_1293 = vector.broadcast %add3A_1292 : i32 to vector<16xi32>
    %add3A_1294 = arith.addi %add3A_1291, %add3A_1293 : vector<16xi32>
    %eq3A_1295 = arith.cmpi eq, %add3A_1294, %broadcast_in_dim3A_298 : vector<16xi32>
    %add3A_1296 = arith.constant 368 : i32
    %add3A_1297 = arith.addi %mul3A_302, %add3A_1296 : i32
    %get3A_1298 = arith.index_cast %add3A_1297 : i32 to index
    %get3A_1299 = tpu.vector_load %arg9[%get3A_1298] {strides = array<i32>} : memref<8192xf32, #tpu.memory_space<vmem>>, vector<16xf32>,
    %get3A_1300 = vector.shape_cast %get3A_1299 : vector<16xf32> to vector<16xf32>
    %add3A_1301 = arith.constant 368 : i32
    %add3A_1302 = arith.addi %mul3A_302, %add3A_1301 : i32
    %get3A_1303 = arith.index_cast %add3A_1302 : i32 to index
    %get3A_1304 = tpu.vector_load %arg10[%get3A_1303] {strides = array<i32>} : memref<8192xf32, #tpu.memory_space<vmem>>, vector<16xf32>,
    %get3A_1305 = vector.shape_cast %get3A_1304 : vector<16xf32> to vector<16xf32>
    %jit3A_1306 = arith.constant 1.000000e+00 : f32
    %jit3A_1307 = arith.constant 0.000000e+00 : f32
    %broadcast_in_dim3A_1308 = vector.broadcast %jit3A_1306 : f32 to vector<16xf32>
    %broadcast_in_dim3A_1309 = vector.broadcast %jit3A_1307 : f32 to vector<16xf32>
    %select_n3A_1310 = arith.select %eq3A_1295, %broadcast_in_dim3A_1308, %broadcast_in_dim3A_1309 : vector<16xi1>, vector<16xf32>
    %add3A_1311 = arith.addf %get3A_1300, %select_n3A_1310 : vector<16xf32>
    %mul3A_1312 = arith.constant 9.990000e-01 : f32
    %mul3A_1313 = vector.broadcast %mul3A_1312 : f32 to vector<16xf32>
    %mul3A_1314 = arith.mulf %add3A_1311, %mul3A_1313 : vector<16xf32>
    %add3A_1315 = arith.constant 368 : i32
    %add3A_1316 = arith.addi %mul3A_302, %add3A_1315 : i32
    %swap3A_1317 = arith.index_cast %add3A_1316 : i32 to index
    %swap3A_1318 = tpu.vector_load %arg9[%swap3A_1317] {strides = array<i32>} : memref<8192xf32, #tpu.memory_space<vmem>>, vector<16xf32>,
    %swap3A_1319 = vector.shape_cast %swap3A_1318 : vector<16xf32> to vector<16xf32>
    %swap3A_1320 = vector.shape_cast %mul3A_1314 : vector<16xf32> to vector<16xf32>
    tpu.vector_store %arg9[%swap3A_1317], %swap3A_1320 {strides = array<i32>} : memref<8192xf32, #tpu.memory_space<vmem>>, vector<16xf32>,
    %add3A_1321 = arith.constant 1.000000e+00 : f32
    %add3A_1322 = vector.broadcast %add3A_1321 : f32 to vector<16xf32>
    %add3A_1323 = arith.addf %get3A_1305, %add3A_1322 : vector<16xf32>
    %jit3A_1324 = arith.constant 0.000000e+00 : f32
    %broadcast_in_dim3A_1325 = vector.broadcast %jit3A_1324 : f32 to vector<16xf32>
    %select_n3A_1326 = arith.select %eq3A_1295, %broadcast_in_dim3A_1325, %add3A_1323 : vector<16xi1>, vector<16xf32>
    %add3A_1327 = arith.constant 368 : i32
    %add3A_1328 = arith.addi %mul3A_302, %add3A_1327 : i32
    %swap3A_1329 = arith.index_cast %add3A_1328 : i32 to index
    %swap3A_1330 = tpu.vector_load %arg10[%swap3A_1329] {strides = array<i32>} : memref<8192xf32, #tpu.memory_space<vmem>>, vector<16xf32>,
    %swap3A_1331 = vector.shape_cast %swap3A_1330 : vector<16xf32> to vector<16xf32>
    %swap3A_1332 = vector.shape_cast %select_n3A_1326 : vector<16xf32> to vector<16xf32>
    tpu.vector_store %arg10[%swap3A_1329], %swap3A_1332 {strides = array<i32>} : memref<8192xf32, #tpu.memory_space<vmem>>, vector<16xf32>,
    %add3A_1333 = vector.broadcast %mul3A_302 : i32 to vector<16xi32>
    %add3A_1334 = arith.addi %iota3A, %add3A_1333 : vector<16xi32>
    %add3A_1335 = arith.constant 384 : i32
    %add3A_1336 = vector.broadcast %add3A_1335 : i32 to vector<16xi32>
    %add3A_1337 = arith.addi %add3A_1334, %add3A_1336 : vector<16xi32>
    %eq3A_1338 = arith.cmpi eq, %add3A_1337, %broadcast_in_dim3A_298 : vector<16xi32>
    %add3A_1339 = arith.constant 384 : i32
    %add3A_1340 = arith.addi %mul3A_302, %add3A_1339 : i32
    %get3A_1341 = arith.index_cast %add3A_1340 : i32 to index
    %get3A_1342 = tpu.vector_load %arg9[%get3A_1341] {strides = array<i32>} : memref<8192xf32, #tpu.memory_space<vmem>>, vector<16xf32>,
    %get3A_1343 = vector.shape_cast %get3A_1342 : vector<16xf32> to vector<16xf32>
    %add3A_1344 = arith.constant 384 : i32
    %add3A_1345 = arith.addi %mul3A_302, %add3A_1344 : i32
    %get3A_1346 = arith.index_cast %add3A_1345 : i32 to index
    %get3A_1347 = tpu.vector_load %arg10[%get3A_1346] {strides = array<i32>} : memref<8192xf32, #tpu.memory_space<vmem>>, vector<16xf32>,
    %get3A_1348 = vector.shape_cast %get3A_1347 : vector<16xf32> to vector<16xf32>
    %jit3A_1349 = arith.constant 1.000000e+00 : f32
    %jit3A_1350 = arith.constant 0.000000e+00 : f32
    %broadcast_in_dim3A_1351 = vector.broadcast %jit3A_1349 : f32 to vector<16xf32>
    %broadcast_in_dim3A_1352 = vector.broadcast %jit3A_1350 : f32 to vector<16xf32>
    %select_n3A_1353 = arith.select %eq3A_1338, %broadcast_in_dim3A_1351, %broadcast_in_dim3A_1352 : vector<16xi1>, vector<16xf32>
    %add3A_1354 = arith.addf %get3A_1343, %select_n3A_1353 : vector<16xf32>
    %mul3A_1355 = arith.constant 9.990000e-01 : f32
    %mul3A_1356 = vector.broadcast %mul3A_1355 : f32 to vector<16xf32>
    %mul3A_1357 = arith.mulf %add3A_1354, %mul3A_1356 : vector<16xf32>
    %add3A_1358 = arith.constant 384 : i32
    %add3A_1359 = arith.addi %mul3A_302, %add3A_1358 : i32
    %swap3A_1360 = arith.index_cast %add3A_1359 : i32 to index
    %swap3A_1361 = tpu.vector_load %arg9[%swap3A_1360] {strides = array<i32>} : memref<8192xf32, #tpu.memory_space<vmem>>, vector<16xf32>,
    %swap3A_1362 = vector.shape_cast %swap3A_1361 : vector<16xf32> to vector<16xf32>
    %swap3A_1363 = vector.shape_cast %mul3A_1357 : vector<16xf32> to vector<16xf32>
    tpu.vector_store %arg9[%swap3A_1360], %swap3A_1363 {strides = array<i32>} : memref<8192xf32, #tpu.memory_space<vmem>>, vector<16xf32>,
    %add3A_1364 = arith.constant 1.000000e+00 : f32
    %add3A_1365 = vector.broadcast %add3A_1364 : f32 to vector<16xf32>
    %add3A_1366 = arith.addf %get3A_1348, %add3A_1365 : vector<16xf32>
    %jit3A_1367 = arith.constant 0.000000e+00 : f32
    %broadcast_in_dim3A_1368 = vector.broadcast %jit3A_1367 : f32 to vector<16xf32>
    %select_n3A_1369 = arith.select %eq3A_1338, %broadcast_in_dim3A_1368, %add3A_1366 : vector<16xi1>, vector<16xf32>
    %add3A_1370 = arith.constant 384 : i32
    %add3A_1371 = arith.addi %mul3A_302, %add3A_1370 : i32
    %swap3A_1372 = arith.index_cast %add3A_1371 : i32 to index
    %swap3A_1373 = tpu.vector_load %arg10[%swap3A_1372] {strides = array<i32>} : memref<8192xf32, #tpu.memory_space<vmem>>, vector<16xf32>,
    %swap3A_1374 = vector.shape_cast %swap3A_1373 : vector<16xf32> to vector<16xf32>
    %swap3A_1375 = vector.shape_cast %select_n3A_1369 : vector<16xf32> to vector<16xf32>
    tpu.vector_store %arg10[%swap3A_1372], %swap3A_1375 {strides = array<i32>} : memref<8192xf32, #tpu.memory_space<vmem>>, vector<16xf32>,
    %add3A_1376 = vector.broadcast %mul3A_302 : i32 to vector<16xi32>
    %add3A_1377 = arith.addi %iota3A, %add3A_1376 : vector<16xi32>
    %add3A_1378 = arith.constant 400 : i32
    %add3A_1379 = vector.broadcast %add3A_1378 : i32 to vector<16xi32>
    %add3A_1380 = arith.addi %add3A_1377, %add3A_1379 : vector<16xi32>
    %eq3A_1381 = arith.cmpi eq, %add3A_1380, %broadcast_in_dim3A_298 : vector<16xi32>
    %add3A_1382 = arith.constant 400 : i32
    %add3A_1383 = arith.addi %mul3A_302, %add3A_1382 : i32
    %get3A_1384 = arith.index_cast %add3A_1383 : i32 to index
    %get3A_1385 = tpu.vector_load %arg9[%get3A_1384] {strides = array<i32>} : memref<8192xf32, #tpu.memory_space<vmem>>, vector<16xf32>,
    %get3A_1386 = vector.shape_cast %get3A_1385 : vector<16xf32> to vector<16xf32>
    %add3A_1387 = arith.constant 400 : i32
    %add3A_1388 = arith.addi %mul3A_302, %add3A_1387 : i32
    %get3A_1389 = arith.index_cast %add3A_1388 : i32 to index
    %get3A_1390 = tpu.vector_load %arg10[%get3A_1389] {strides = array<i32>} : memref<8192xf32, #tpu.memory_space<vmem>>, vector<16xf32>,
    %get3A_1391 = vector.shape_cast %get3A_1390 : vector<16xf32> to vector<16xf32>
    %jit3A_1392 = arith.constant 1.000000e+00 : f32
    %jit3A_1393 = arith.constant 0.000000e+00 : f32
    %broadcast_in_dim3A_1394 = vector.broadcast %jit3A_1392 : f32 to vector<16xf32>
    %broadcast_in_dim3A_1395 = vector.broadcast %jit3A_1393 : f32 to vector<16xf32>
    %select_n3A_1396 = arith.select %eq3A_1381, %broadcast_in_dim3A_1394, %broadcast_in_dim3A_1395 : vector<16xi1>, vector<16xf32>
    %add3A_1397 = arith.addf %get3A_1386, %select_n3A_1396 : vector<16xf32>
    %mul3A_1398 = arith.constant 9.990000e-01 : f32
    %mul3A_1399 = vector.broadcast %mul3A_1398 : f32 to vector<16xf32>
    %mul3A_1400 = arith.mulf %add3A_1397, %mul3A_1399 : vector<16xf32>
    %add3A_1401 = arith.constant 400 : i32
    %add3A_1402 = arith.addi %mul3A_302, %add3A_1401 : i32
    %swap3A_1403 = arith.index_cast %add3A_1402 : i32 to index
    %swap3A_1404 = tpu.vector_load %arg9[%swap3A_1403] {strides = array<i32>} : memref<8192xf32, #tpu.memory_space<vmem>>, vector<16xf32>,
    %swap3A_1405 = vector.shape_cast %swap3A_1404 : vector<16xf32> to vector<16xf32>
    %swap3A_1406 = vector.shape_cast %mul3A_1400 : vector<16xf32> to vector<16xf32>
    tpu.vector_store %arg9[%swap3A_1403], %swap3A_1406 {strides = array<i32>} : memref<8192xf32, #tpu.memory_space<vmem>>, vector<16xf32>,
    %add3A_1407 = arith.constant 1.000000e+00 : f32
    %add3A_1408 = vector.broadcast %add3A_1407 : f32 to vector<16xf32>
    %add3A_1409 = arith.addf %get3A_1391, %add3A_1408 : vector<16xf32>
    %jit3A_1410 = arith.constant 0.000000e+00 : f32
    %broadcast_in_dim3A_1411 = vector.broadcast %jit3A_1410 : f32 to vector<16xf32>
    %select_n3A_1412 = arith.select %eq3A_1381, %broadcast_in_dim3A_1411, %add3A_1409 : vector<16xi1>, vector<16xf32>
    %add3A_1413 = arith.constant 400 : i32
    %add3A_1414 = arith.addi %mul3A_302, %add3A_1413 : i32
    %swap3A_1415 = arith.index_cast %add3A_1414 : i32 to index
    %swap3A_1416 = tpu.vector_load %arg10[%swap3A_1415] {strides = array<i32>} : memref<8192xf32, #tpu.memory_space<vmem>>, vector<16xf32>,
    %swap3A_1417 = vector.shape_cast %swap3A_1416 : vector<16xf32> to vector<16xf32>
    %swap3A_1418 = vector.shape_cast %select_n3A_1412 : vector<16xf32> to vector<16xf32>
    tpu.vector_store %arg10[%swap3A_1415], %swap3A_1418 {strides = array<i32>} : memref<8192xf32, #tpu.memory_space<vmem>>, vector<16xf32>,
    %add3A_1419 = vector.broadcast %mul3A_302 : i32 to vector<16xi32>
    %add3A_1420 = arith.addi %iota3A, %add3A_1419 : vector<16xi32>
    %add3A_1421 = arith.constant 416 : i32
    %add3A_1422 = vector.broadcast %add3A_1421 : i32 to vector<16xi32>
    %add3A_1423 = arith.addi %add3A_1420, %add3A_1422 : vector<16xi32>
    %eq3A_1424 = arith.cmpi eq, %add3A_1423, %broadcast_in_dim3A_298 : vector<16xi32>
    %add3A_1425 = arith.constant 416 : i32
    %add3A_1426 = arith.addi %mul3A_302, %add3A_1425 : i32
    %get3A_1427 = arith.index_cast %add3A_1426 : i32 to index
    %get3A_1428 = tpu.vector_load %arg9[%get3A_1427] {strides = array<i32>} : memref<8192xf32, #tpu.memory_space<vmem>>, vector<16xf32>,
    %get3A_1429 = vector.shape_cast %get3A_1428 : vector<16xf32> to vector<16xf32>
    %add3A_1430 = arith.constant 416 : i32
    %add3A_1431 = arith.addi %mul3A_302, %add3A_1430 : i32
    %get3A_1432 = arith.index_cast %add3A_1431 : i32 to index
    %get3A_1433 = tpu.vector_load %arg10[%get3A_1432] {strides = array<i32>} : memref<8192xf32, #tpu.memory_space<vmem>>, vector<16xf32>,
    %get3A_1434 = vector.shape_cast %get3A_1433 : vector<16xf32> to vector<16xf32>
    %jit3A_1435 = arith.constant 1.000000e+00 : f32
    %jit3A_1436 = arith.constant 0.000000e+00 : f32
    %broadcast_in_dim3A_1437 = vector.broadcast %jit3A_1435 : f32 to vector<16xf32>
    %broadcast_in_dim3A_1438 = vector.broadcast %jit3A_1436 : f32 to vector<16xf32>
    %select_n3A_1439 = arith.select %eq3A_1424, %broadcast_in_dim3A_1437, %broadcast_in_dim3A_1438 : vector<16xi1>, vector<16xf32>
    %add3A_1440 = arith.addf %get3A_1429, %select_n3A_1439 : vector<16xf32>
    %mul3A_1441 = arith.constant 9.990000e-01 : f32
    %mul3A_1442 = vector.broadcast %mul3A_1441 : f32 to vector<16xf32>
    %mul3A_1443 = arith.mulf %add3A_1440, %mul3A_1442 : vector<16xf32>
    %add3A_1444 = arith.constant 416 : i32
    %add3A_1445 = arith.addi %mul3A_302, %add3A_1444 : i32
    %swap3A_1446 = arith.index_cast %add3A_1445 : i32 to index
    %swap3A_1447 = tpu.vector_load %arg9[%swap3A_1446] {strides = array<i32>} : memref<8192xf32, #tpu.memory_space<vmem>>, vector<16xf32>,
    %swap3A_1448 = vector.shape_cast %swap3A_1447 : vector<16xf32> to vector<16xf32>
    %swap3A_1449 = vector.shape_cast %mul3A_1443 : vector<16xf32> to vector<16xf32>
    tpu.vector_store %arg9[%swap3A_1446], %swap3A_1449 {strides = array<i32>} : memref<8192xf32, #tpu.memory_space<vmem>>, vector<16xf32>,
    %add3A_1450 = arith.constant 1.000000e+00 : f32
    %add3A_1451 = vector.broadcast %add3A_1450 : f32 to vector<16xf32>
    %add3A_1452 = arith.addf %get3A_1434, %add3A_1451 : vector<16xf32>
    %jit3A_1453 = arith.constant 0.000000e+00 : f32
    %broadcast_in_dim3A_1454 = vector.broadcast %jit3A_1453 : f32 to vector<16xf32>
    %select_n3A_1455 = arith.select %eq3A_1424, %broadcast_in_dim3A_1454, %add3A_1452 : vector<16xi1>, vector<16xf32>
    %add3A_1456 = arith.constant 416 : i32
    %add3A_1457 = arith.addi %mul3A_302, %add3A_1456 : i32
    %swap3A_1458 = arith.index_cast %add3A_1457 : i32 to index
    %swap3A_1459 = tpu.vector_load %arg10[%swap3A_1458] {strides = array<i32>} : memref<8192xf32, #tpu.memory_space<vmem>>, vector<16xf32>,
    %swap3A_1460 = vector.shape_cast %swap3A_1459 : vector<16xf32> to vector<16xf32>
    %swap3A_1461 = vector.shape_cast %select_n3A_1455 : vector<16xf32> to vector<16xf32>
    tpu.vector_store %arg10[%swap3A_1458], %swap3A_1461 {strides = array<i32>} : memref<8192xf32, #tpu.memory_space<vmem>>, vector<16xf32>,
    %add3A_1462 = vector.broadcast %mul3A_302 : i32 to vector<16xi32>
    %add3A_1463 = arith.addi %iota3A, %add3A_1462 : vector<16xi32>
    %add3A_1464 = arith.constant 432 : i32
    %add3A_1465 = vector.broadcast %add3A_1464 : i32 to vector<16xi32>
    %add3A_1466 = arith.addi %add3A_1463, %add3A_1465 : vector<16xi32>
    %eq3A_1467 = arith.cmpi eq, %add3A_1466, %broadcast_in_dim3A_298 : vector<16xi32>
    %add3A_1468 = arith.constant 432 : i32
    %add3A_1469 = arith.addi %mul3A_302, %add3A_1468 : i32
    %get3A_1470 = arith.index_cast %add3A_1469 : i32 to index
    %get3A_1471 = tpu.vector_load %arg9[%get3A_1470] {strides = array<i32>} : memref<8192xf32, #tpu.memory_space<vmem>>, vector<16xf32>,
    %get3A_1472 = vector.shape_cast %get3A_1471 : vector<16xf32> to vector<16xf32>
    %add3A_1473 = arith.constant 432 : i32
    %add3A_1474 = arith.addi %mul3A_302, %add3A_1473 : i32
    %get3A_1475 = arith.index_cast %add3A_1474 : i32 to index
    %get3A_1476 = tpu.vector_load %arg10[%get3A_1475] {strides = array<i32>} : memref<8192xf32, #tpu.memory_space<vmem>>, vector<16xf32>,
    %get3A_1477 = vector.shape_cast %get3A_1476 : vector<16xf32> to vector<16xf32>
    %jit3A_1478 = arith.constant 1.000000e+00 : f32
    %jit3A_1479 = arith.constant 0.000000e+00 : f32
    %broadcast_in_dim3A_1480 = vector.broadcast %jit3A_1478 : f32 to vector<16xf32>
    %broadcast_in_dim3A_1481 = vector.broadcast %jit3A_1479 : f32 to vector<16xf32>
    %select_n3A_1482 = arith.select %eq3A_1467, %broadcast_in_dim3A_1480, %broadcast_in_dim3A_1481 : vector<16xi1>, vector<16xf32>
    %add3A_1483 = arith.addf %get3A_1472, %select_n3A_1482 : vector<16xf32>
    %mul3A_1484 = arith.constant 9.990000e-01 : f32
    %mul3A_1485 = vector.broadcast %mul3A_1484 : f32 to vector<16xf32>
    %mul3A_1486 = arith.mulf %add3A_1483, %mul3A_1485 : vector<16xf32>
    %add3A_1487 = arith.constant 432 : i32
    %add3A_1488 = arith.addi %mul3A_302, %add3A_1487 : i32
    %swap3A_1489 = arith.index_cast %add3A_1488 : i32 to index
    %swap3A_1490 = tpu.vector_load %arg9[%swap3A_1489] {strides = array<i32>} : memref<8192xf32, #tpu.memory_space<vmem>>, vector<16xf32>,
    %swap3A_1491 = vector.shape_cast %swap3A_1490 : vector<16xf32> to vector<16xf32>
    %swap3A_1492 = vector.shape_cast %mul3A_1486 : vector<16xf32> to vector<16xf32>
    tpu.vector_store %arg9[%swap3A_1489], %swap3A_1492 {strides = array<i32>} : memref<8192xf32, #tpu.memory_space<vmem>>, vector<16xf32>,
    %add3A_1493 = arith.constant 1.000000e+00 : f32
    %add3A_1494 = vector.broadcast %add3A_1493 : f32 to vector<16xf32>
    %add3A_1495 = arith.addf %get3A_1477, %add3A_1494 : vector<16xf32>
    %jit3A_1496 = arith.constant 0.000000e+00 : f32
    %broadcast_in_dim3A_1497 = vector.broadcast %jit3A_1496 : f32 to vector<16xf32>
    %select_n3A_1498 = arith.select %eq3A_1467, %broadcast_in_dim3A_1497, %add3A_1495 : vector<16xi1>, vector<16xf32>
    %add3A_1499 = arith.constant 432 : i32
    %add3A_1500 = arith.addi %mul3A_302, %add3A_1499 : i32
    %swap3A_1501 = arith.index_cast %add3A_1500 : i32 to index
    %swap3A_1502 = tpu.vector_load %arg10[%swap3A_1501] {strides = array<i32>} : memref<8192xf32, #tpu.memory_space<vmem>>, vector<16xf32>,
    %swap3A_1503 = vector.shape_cast %swap3A_1502 : vector<16xf32> to vector<16xf32>
    %swap3A_1504 = vector.shape_cast %select_n3A_1498 : vector<16xf32> to vector<16xf32>
    tpu.vector_store %arg10[%swap3A_1501], %swap3A_1504 {strides = array<i32>} : memref<8192xf32, #tpu.memory_space<vmem>>, vector<16xf32>,
    %add3A_1505 = vector.broadcast %mul3A_302 : i32 to vector<16xi32>
    %add3A_1506 = arith.addi %iota3A, %add3A_1505 : vector<16xi32>
    %add3A_1507 = arith.constant 448 : i32
    %add3A_1508 = vector.broadcast %add3A_1507 : i32 to vector<16xi32>
    %add3A_1509 = arith.addi %add3A_1506, %add3A_1508 : vector<16xi32>
    %eq3A_1510 = arith.cmpi eq, %add3A_1509, %broadcast_in_dim3A_298 : vector<16xi32>
    %add3A_1511 = arith.constant 448 : i32
    %add3A_1512 = arith.addi %mul3A_302, %add3A_1511 : i32
    %get3A_1513 = arith.index_cast %add3A_1512 : i32 to index
    %get3A_1514 = tpu.vector_load %arg9[%get3A_1513] {strides = array<i32>} : memref<8192xf32, #tpu.memory_space<vmem>>, vector<16xf32>,
    %get3A_1515 = vector.shape_cast %get3A_1514 : vector<16xf32> to vector<16xf32>
    %add3A_1516 = arith.constant 448 : i32
    %add3A_1517 = arith.addi %mul3A_302, %add3A_1516 : i32
    %get3A_1518 = arith.index_cast %add3A_1517 : i32 to index
    %get3A_1519 = tpu.vector_load %arg10[%get3A_1518] {strides = array<i32>} : memref<8192xf32, #tpu.memory_space<vmem>>, vector<16xf32>,
    %get3A_1520 = vector.shape_cast %get3A_1519 : vector<16xf32> to vector<16xf32>
    %jit3A_1521 = arith.constant 1.000000e+00 : f32
    %jit3A_1522 = arith.constant 0.000000e+00 : f32
    %broadcast_in_dim3A_1523 = vector.broadcast %jit3A_1521 : f32 to vector<16xf32>
    %broadcast_in_dim3A_1524 = vector.broadcast %jit3A_1522 : f32 to vector<16xf32>
    %select_n3A_1525 = arith.select %eq3A_1510, %broadcast_in_dim3A_1523, %broadcast_in_dim3A_1524 : vector<16xi1>, vector<16xf32>
    %add3A_1526 = arith.addf %get3A_1515, %select_n3A_1525 : vector<16xf32>
    %mul3A_1527 = arith.constant 9.990000e-01 : f32
    %mul3A_1528 = vector.broadcast %mul3A_1527 : f32 to vector<16xf32>
    %mul3A_1529 = arith.mulf %add3A_1526, %mul3A_1528 : vector<16xf32>
    %add3A_1530 = arith.constant 448 : i32
    %add3A_1531 = arith.addi %mul3A_302, %add3A_1530 : i32
    %swap3A_1532 = arith.index_cast %add3A_1531 : i32 to index
    %swap3A_1533 = tpu.vector_load %arg9[%swap3A_1532] {strides = array<i32>} : memref<8192xf32, #tpu.memory_space<vmem>>, vector<16xf32>,
    %swap3A_1534 = vector.shape_cast %swap3A_1533 : vector<16xf32> to vector<16xf32>
    %swap3A_1535 = vector.shape_cast %mul3A_1529 : vector<16xf32> to vector<16xf32>
    tpu.vector_store %arg9[%swap3A_1532], %swap3A_1535 {strides = array<i32>} : memref<8192xf32, #tpu.memory_space<vmem>>, vector<16xf32>,
    %add3A_1536 = arith.constant 1.000000e+00 : f32
    %add3A_1537 = vector.broadcast %add3A_1536 : f32 to vector<16xf32>
    %add3A_1538 = arith.addf %get3A_1520, %add3A_1537 : vector<16xf32>
    %jit3A_1539 = arith.constant 0.000000e+00 : f32
    %broadcast_in_dim3A_1540 = vector.broadcast %jit3A_1539 : f32 to vector<16xf32>
    %select_n3A_1541 = arith.select %eq3A_1510, %broadcast_in_dim3A_1540, %add3A_1538 : vector<16xi1>, vector<16xf32>
    %add3A_1542 = arith.constant 448 : i32
    %add3A_1543 = arith.addi %mul3A_302, %add3A_1542 : i32
    %swap3A_1544 = arith.index_cast %add3A_1543 : i32 to index
    %swap3A_1545 = tpu.vector_load %arg10[%swap3A_1544] {strides = array<i32>} : memref<8192xf32, #tpu.memory_space<vmem>>, vector<16xf32>,
    %swap3A_1546 = vector.shape_cast %swap3A_1545 : vector<16xf32> to vector<16xf32>
    %swap3A_1547 = vector.shape_cast %select_n3A_1541 : vector<16xf32> to vector<16xf32>
    tpu.vector_store %arg10[%swap3A_1544], %swap3A_1547 {strides = array<i32>} : memref<8192xf32, #tpu.memory_space<vmem>>, vector<16xf32>,
    %add3A_1548 = vector.broadcast %mul3A_302 : i32 to vector<16xi32>
    %add3A_1549 = arith.addi %iota3A, %add3A_1548 : vector<16xi32>
    %add3A_1550 = arith.constant 464 : i32
    %add3A_1551 = vector.broadcast %add3A_1550 : i32 to vector<16xi32>
    %add3A_1552 = arith.addi %add3A_1549, %add3A_1551 : vector<16xi32>
    %eq3A_1553 = arith.cmpi eq, %add3A_1552, %broadcast_in_dim3A_298 : vector<16xi32>
    %add3A_1554 = arith.constant 464 : i32
    %add3A_1555 = arith.addi %mul3A_302, %add3A_1554 : i32
    %get3A_1556 = arith.index_cast %add3A_1555 : i32 to index
    %get3A_1557 = tpu.vector_load %arg9[%get3A_1556] {strides = array<i32>} : memref<8192xf32, #tpu.memory_space<vmem>>, vector<16xf32>,
    %get3A_1558 = vector.shape_cast %get3A_1557 : vector<16xf32> to vector<16xf32>
    %add3A_1559 = arith.constant 464 : i32
    %add3A_1560 = arith.addi %mul3A_302, %add3A_1559 : i32
    %get3A_1561 = arith.index_cast %add3A_1560 : i32 to index
    %get3A_1562 = tpu.vector_load %arg10[%get3A_1561] {strides = array<i32>} : memref<8192xf32, #tpu.memory_space<vmem>>, vector<16xf32>,
    %get3A_1563 = vector.shape_cast %get3A_1562 : vector<16xf32> to vector<16xf32>
    %jit3A_1564 = arith.constant 1.000000e+00 : f32
    %jit3A_1565 = arith.constant 0.000000e+00 : f32
    %broadcast_in_dim3A_1566 = vector.broadcast %jit3A_1564 : f32 to vector<16xf32>
    %broadcast_in_dim3A_1567 = vector.broadcast %jit3A_1565 : f32 to vector<16xf32>
    %select_n3A_1568 = arith.select %eq3A_1553, %broadcast_in_dim3A_1566, %broadcast_in_dim3A_1567 : vector<16xi1>, vector<16xf32>
    %add3A_1569 = arith.addf %get3A_1558, %select_n3A_1568 : vector<16xf32>
    %mul3A_1570 = arith.constant 9.990000e-01 : f32
    %mul3A_1571 = vector.broadcast %mul3A_1570 : f32 to vector<16xf32>
    %mul3A_1572 = arith.mulf %add3A_1569, %mul3A_1571 : vector<16xf32>
    %add3A_1573 = arith.constant 464 : i32
    %add3A_1574 = arith.addi %mul3A_302, %add3A_1573 : i32
    %swap3A_1575 = arith.index_cast %add3A_1574 : i32 to index
    %swap3A_1576 = tpu.vector_load %arg9[%swap3A_1575] {strides = array<i32>} : memref<8192xf32, #tpu.memory_space<vmem>>, vector<16xf32>,
    %swap3A_1577 = vector.shape_cast %swap3A_1576 : vector<16xf32> to vector<16xf32>
    %swap3A_1578 = vector.shape_cast %mul3A_1572 : vector<16xf32> to vector<16xf32>
    tpu.vector_store %arg9[%swap3A_1575], %swap3A_1578 {strides = array<i32>} : memref<8192xf32, #tpu.memory_space<vmem>>, vector<16xf32>,
    %add3A_1579 = arith.constant 1.000000e+00 : f32
    %add3A_1580 = vector.broadcast %add3A_1579 : f32 to vector<16xf32>
    %add3A_1581 = arith.addf %get3A_1563, %add3A_1580 : vector<16xf32>
    %jit3A_1582 = arith.constant 0.000000e+00 : f32
    %broadcast_in_dim3A_1583 = vector.broadcast %jit3A_1582 : f32 to vector<16xf32>
    %select_n3A_1584 = arith.select %eq3A_1553, %broadcast_in_dim3A_1583, %add3A_1581 : vector<16xi1>, vector<16xf32>
    %add3A_1585 = arith.constant 464 : i32
    %add3A_1586 = arith.addi %mul3A_302, %add3A_1585 : i32
    %swap3A_1587 = arith.index_cast %add3A_1586 : i32 to index
    %swap3A_1588 = tpu.vector_load %arg10[%swap3A_1587] {strides = array<i32>} : memref<8192xf32, #tpu.memory_space<vmem>>, vector<16xf32>,
    %swap3A_1589 = vector.shape_cast %swap3A_1588 : vector<16xf32> to vector<16xf32>
    %swap3A_1590 = vector.shape_cast %select_n3A_1584 : vector<16xf32> to vector<16xf32>
    tpu.vector_store %arg10[%swap3A_1587], %swap3A_1590 {strides = array<i32>} : memref<8192xf32, #tpu.memory_space<vmem>>, vector<16xf32>,
    %add3A_1591 = vector.broadcast %mul3A_302 : i32 to vector<16xi32>
    %add3A_1592 = arith.addi %iota3A, %add3A_1591 : vector<16xi32>
    %add3A_1593 = arith.constant 480 : i32
    %add3A_1594 = vector.broadcast %add3A_1593 : i32 to vector<16xi32>
    %add3A_1595 = arith.addi %add3A_1592, %add3A_1594 : vector<16xi32>
    %eq3A_1596 = arith.cmpi eq, %add3A_1595, %broadcast_in_dim3A_298 : vector<16xi32>
    %add3A_1597 = arith.constant 480 : i32
    %add3A_1598 = arith.addi %mul3A_302, %add3A_1597 : i32
    %get3A_1599 = arith.index_cast %add3A_1598 : i32 to index
    %get3A_1600 = tpu.vector_load %arg9[%get3A_1599] {strides = array<i32>} : memref<8192xf32, #tpu.memory_space<vmem>>, vector<16xf32>,
    %get3A_1601 = vector.shape_cast %get3A_1600 : vector<16xf32> to vector<16xf32>
    %add3A_1602 = arith.constant 480 : i32
    %add3A_1603 = arith.addi %mul3A_302, %add3A_1602 : i32
    %get3A_1604 = arith.index_cast %add3A_1603 : i32 to index
    %get3A_1605 = tpu.vector_load %arg10[%get3A_1604] {strides = array<i32>} : memref<8192xf32, #tpu.memory_space<vmem>>, vector<16xf32>,
    %get3A_1606 = vector.shape_cast %get3A_1605 : vector<16xf32> to vector<16xf32>
    %jit3A_1607 = arith.constant 1.000000e+00 : f32
    %jit3A_1608 = arith.constant 0.000000e+00 : f32
    %broadcast_in_dim3A_1609 = vector.broadcast %jit3A_1607 : f32 to vector<16xf32>
    %broadcast_in_dim3A_1610 = vector.broadcast %jit3A_1608 : f32 to vector<16xf32>
    %select_n3A_1611 = arith.select %eq3A_1596, %broadcast_in_dim3A_1609, %broadcast_in_dim3A_1610 : vector<16xi1>, vector<16xf32>
    %add3A_1612 = arith.addf %get3A_1601, %select_n3A_1611 : vector<16xf32>
    %mul3A_1613 = arith.constant 9.990000e-01 : f32
    %mul3A_1614 = vector.broadcast %mul3A_1613 : f32 to vector<16xf32>
    %mul3A_1615 = arith.mulf %add3A_1612, %mul3A_1614 : vector<16xf32>
    %add3A_1616 = arith.constant 480 : i32
    %add3A_1617 = arith.addi %mul3A_302, %add3A_1616 : i32
    %swap3A_1618 = arith.index_cast %add3A_1617 : i32 to index
    %swap3A_1619 = tpu.vector_load %arg9[%swap3A_1618] {strides = array<i32>} : memref<8192xf32, #tpu.memory_space<vmem>>, vector<16xf32>,
    %swap3A_1620 = vector.shape_cast %swap3A_1619 : vector<16xf32> to vector<16xf32>
    %swap3A_1621 = vector.shape_cast %mul3A_1615 : vector<16xf32> to vector<16xf32>
    tpu.vector_store %arg9[%swap3A_1618], %swap3A_1621 {strides = array<i32>} : memref<8192xf32, #tpu.memory_space<vmem>>, vector<16xf32>,
    %add3A_1622 = arith.constant 1.000000e+00 : f32
    %add3A_1623 = vector.broadcast %add3A_1622 : f32 to vector<16xf32>
    %add3A_1624 = arith.addf %get3A_1606, %add3A_1623 : vector<16xf32>
    %jit3A_1625 = arith.constant 0.000000e+00 : f32
    %broadcast_in_dim3A_1626 = vector.broadcast %jit3A_1625 : f32 to vector<16xf32>
    %select_n3A_1627 = arith.select %eq3A_1596, %broadcast_in_dim3A_1626, %add3A_1624 : vector<16xi1>, vector<16xf32>
    %add3A_1628 = arith.constant 480 : i32
    %add3A_1629 = arith.addi %mul3A_302, %add3A_1628 : i32
    %swap3A_1630 = arith.index_cast %add3A_1629 : i32 to index
    %swap3A_1631 = tpu.vector_load %arg10[%swap3A_1630] {strides = array<i32>} : memref<8192xf32, #tpu.memory_space<vmem>>, vector<16xf32>,
    %swap3A_1632 = vector.shape_cast %swap3A_1631 : vector<16xf32> to vector<16xf32>
    %swap3A_1633 = vector.shape_cast %select_n3A_1627 : vector<16xf32> to vector<16xf32>
    tpu.vector_store %arg10[%swap3A_1630], %swap3A_1633 {strides = array<i32>} : memref<8192xf32, #tpu.memory_space<vmem>>, vector<16xf32>,
    %add3A_1634 = vector.broadcast %mul3A_302 : i32 to vector<16xi32>
    %add3A_1635 = arith.addi %iota3A, %add3A_1634 : vector<16xi32>
    %add3A_1636 = arith.constant 496 : i32
    %add3A_1637 = vector.broadcast %add3A_1636 : i32 to vector<16xi32>
    %add3A_1638 = arith.addi %add3A_1635, %add3A_1637 : vector<16xi32>
    %eq3A_1639 = arith.cmpi eq, %add3A_1638, %broadcast_in_dim3A_298 : vector<16xi32>
    %add3A_1640 = arith.constant 496 : i32
    %add3A_1641 = arith.addi %mul3A_302, %add3A_1640 : i32
    %get3A_1642 = arith.index_cast %add3A_1641 : i32 to index
    %get3A_1643 = tpu.vector_load %arg9[%get3A_1642] {strides = array<i32>} : memref<8192xf32, #tpu.memory_space<vmem>>, vector<16xf32>,
    %get3A_1644 = vector.shape_cast %get3A_1643 : vector<16xf32> to vector<16xf32>
    %add3A_1645 = arith.constant 496 : i32
    %add3A_1646 = arith.addi %mul3A_302, %add3A_1645 : i32
    %get3A_1647 = arith.index_cast %add3A_1646 : i32 to index
    %get3A_1648 = tpu.vector_load %arg10[%get3A_1647] {strides = array<i32>} : memref<8192xf32, #tpu.memory_space<vmem>>, vector<16xf32>,
    %get3A_1649 = vector.shape_cast %get3A_1648 : vector<16xf32> to vector<16xf32>
    %jit3A_1650 = arith.constant 1.000000e+00 : f32
    %jit3A_1651 = arith.constant 0.000000e+00 : f32
    %broadcast_in_dim3A_1652 = vector.broadcast %jit3A_1650 : f32 to vector<16xf32>
    %broadcast_in_dim3A_1653 = vector.broadcast %jit3A_1651 : f32 to vector<16xf32>
    %select_n3A_1654 = arith.select %eq3A_1639, %broadcast_in_dim3A_1652, %broadcast_in_dim3A_1653 : vector<16xi1>, vector<16xf32>
    %add3A_1655 = arith.addf %get3A_1644, %select_n3A_1654 : vector<16xf32>
    %mul3A_1656 = arith.constant 9.990000e-01 : f32
    %mul3A_1657 = vector.broadcast %mul3A_1656 : f32 to vector<16xf32>
    %mul3A_1658 = arith.mulf %add3A_1655, %mul3A_1657 : vector<16xf32>
    %add3A_1659 = arith.constant 496 : i32
    %add3A_1660 = arith.addi %mul3A_302, %add3A_1659 : i32
    %swap3A_1661 = arith.index_cast %add3A_1660 : i32 to index
    %swap3A_1662 = tpu.vector_load %arg9[%swap3A_1661] {strides = array<i32>} : memref<8192xf32, #tpu.memory_space<vmem>>, vector<16xf32>,
    %swap3A_1663 = vector.shape_cast %swap3A_1662 : vector<16xf32> to vector<16xf32>
    %swap3A_1664 = vector.shape_cast %mul3A_1658 : vector<16xf32> to vector<16xf32>
    tpu.vector_store %arg9[%swap3A_1661], %swap3A_1664 {strides = array<i32>} : memref<8192xf32, #tpu.memory_space<vmem>>, vector<16xf32>,
    %add3A_1665 = arith.constant 1.000000e+00 : f32
    %add3A_1666 = vector.broadcast %add3A_1665 : f32 to vector<16xf32>
    %add3A_1667 = arith.addf %get3A_1649, %add3A_1666 : vector<16xf32>
    %jit3A_1668 = arith.constant 0.000000e+00 : f32
    %broadcast_in_dim3A_1669 = vector.broadcast %jit3A_1668 : f32 to vector<16xf32>
    %select_n3A_1670 = arith.select %eq3A_1639, %broadcast_in_dim3A_1669, %add3A_1667 : vector<16xi1>, vector<16xf32>
    %add3A_1671 = arith.constant 496 : i32
    %add3A_1672 = arith.addi %mul3A_302, %add3A_1671 : i32
    %swap3A_1673 = arith.index_cast %add3A_1672 : i32 to index
    %swap3A_1674 = tpu.vector_load %arg10[%swap3A_1673] {strides = array<i32>} : memref<8192xf32, #tpu.memory_space<vmem>>, vector<16xf32>,
    %swap3A_1675 = vector.shape_cast %swap3A_1674 : vector<16xf32> to vector<16xf32>
    %swap3A_1676 = vector.shape_cast %select_n3A_1670 : vector<16xf32> to vector<16xf32>
    tpu.vector_store %arg10[%swap3A_1673], %swap3A_1676 {strides = array<i32>} : memref<8192xf32, #tpu.memory_space<vmem>>, vector<16xf32>,
    "tpu.region"() ({
      %run_scoped3A = tpu.sem_alloc : memref<!tpu.dma_semaphore, #tpu.memory_space<semaphore_mem>>
      %dma_start3A = tpu.memref_slice %arg9[%mul3A_302] : memref<8192xf32, #tpu.memory_space<vmem>> -> memref<512xf32, #tpu.memory_space<vmem>>
      %dma_start3A_1677 = tpu.memref_slice %arg7[%mul3A_302] : memref<8192xf32, #tpu.memory_space<hbm>> -> memref<512xf32, #tpu.memory_space<hbm>>
      %dma_start3A_1678 = tpu.memref_slice %arg7[%mul3A_302] : memref<8192xf32, #tpu.memory_space<hbm>> -> memref<512xf32, #tpu.memory_space<hbm>>
      %dma_start3A_1679 = tpu.memref_slice %arg9[%mul3A_302] : memref<8192xf32, #tpu.memory_space<vmem>> -> memref<512xf32, #tpu.memory_space<vmem>>
      tpu.enqueue_dma source(%dma_start3A_1679 : memref<512xf32, #tpu.memory_space<vmem>>) target(%dma_start3A_1678 : memref<512xf32, #tpu.memory_space<hbm>>) target_semaphore(%run_scoped3A : memref<!tpu.dma_semaphore, #tpu.memory_space<semaphore_mem>>)
      %dma_wait3A = tpu.memref_slice %arg9[%mul3A_302] : memref<8192xf32, #tpu.memory_space<vmem>> -> memref<512xf32, #tpu.memory_space<vmem>>
      %dma_wait3A_1680 = tpu.memref_slice %arg7[%mul3A_302] : memref<8192xf32, #tpu.memory_space<hbm>> -> memref<512xf32, #tpu.memory_space<hbm>>
      %dma_wait3A_1681 = tpu.memref_slice %arg7[%mul3A_302] : memref<8192xf32, #tpu.memory_space<hbm>> -> memref<512xf32, #tpu.memory_space<hbm>>
      %dma_wait3A_1682 = tpu.memref_slice %arg9[%mul3A_302] : memref<8192xf32, #tpu.memory_space<vmem>> -> memref<512xf32, #tpu.memory_space<vmem>>
      tpu.wait_dma2 semaphore(%run_scoped3A : memref<!tpu.dma_semaphore, #tpu.memory_space<semaphore_mem>>) src(%dma_wait3A_1682 : memref<512xf32, #tpu.memory_space<vmem>>) dst(%dma_wait3A_1681 : memref<512xf32, #tpu.memory_space<hbm>>)
      tpu.yield
    }) : () -> ()
    "tpu.region"() ({
      %run_scoped3A = tpu.sem_alloc : memref<!tpu.dma_semaphore, #tpu.memory_space<semaphore_mem>>
      %dma_start3A = tpu.memref_slice %arg10[%mul3A_302] : memref<8192xf32, #tpu.memory_space<vmem>> -> memref<512xf32, #tpu.memory_space<vmem>>
      %dma_start3A_1677 = tpu.memref_slice %arg8[%mul3A_302] : memref<8192xf32, #tpu.memory_space<hbm>> -> memref<512xf32, #tpu.memory_space<hbm>>
      %dma_start3A_1678 = tpu.memref_slice %arg8[%mul3A_302] : memref<8192xf32, #tpu.memory_space<hbm>> -> memref<512xf32, #tpu.memory_space<hbm>>
      %dma_start3A_1679 = tpu.memref_slice %arg10[%mul3A_302] : memref<8192xf32, #tpu.memory_space<vmem>> -> memref<512xf32, #tpu.memory_space<vmem>>
      tpu.enqueue_dma source(%dma_start3A_1679 : memref<512xf32, #tpu.memory_space<vmem>>) target(%dma_start3A_1678 : memref<512xf32, #tpu.memory_space<hbm>>) target_semaphore(%run_scoped3A : memref<!tpu.dma_semaphore, #tpu.memory_space<semaphore_mem>>)
      %dma_wait3A = tpu.memref_slice %arg10[%mul3A_302] : memref<8192xf32, #tpu.memory_space<vmem>> -> memref<512xf32, #tpu.memory_space<vmem>>
      %dma_wait3A_1680 = tpu.memref_slice %arg8[%mul3A_302] : memref<8192xf32, #tpu.memory_space<hbm>> -> memref<512xf32, #tpu.memory_space<hbm>>
      %dma_wait3A_1681 = tpu.memref_slice %arg8[%mul3A_302] : memref<8192xf32, #tpu.memory_space<hbm>> -> memref<512xf32, #tpu.memory_space<hbm>>
      %dma_wait3A_1682 = tpu.memref_slice %arg10[%mul3A_302] : memref<8192xf32, #tpu.memory_space<vmem>> -> memref<512xf32, #tpu.memory_space<vmem>>
      tpu.wait_dma2 semaphore(%run_scoped3A : memref<!tpu.dma_semaphore, #tpu.memory_space<semaphore_mem>>) src(%dma_wait3A_1682 : memref<512xf32, #tpu.memory_space<vmem>>) dst(%dma_wait3A_1681 : memref<512xf32, #tpu.memory_space<hbm>>)
      tpu.yield
    }) : () -> ()
    return
  }
}

module attributes {stable_mosaic.version = 14 : i64} {
  func.func @_stream_body(%arg0: i32, %arg1: memref<2048x768xf32, #tpu.memory_space<vmem>>, %arg2: memref<2048x768xf32, #tpu.memory_space<vmem>>, %arg3: memref<2048x768xf32, #tpu.memory_space<vmem>>, %arg4: memref<16xf32, #tpu.memory_space<smem>>, %arg5: memref<16xi32, #tpu.memory_space<smem>>, %arg6: memref<1x768xf32, #tpu.memory_space<vmem>>, %arg7: memref<1x768xf32, #tpu.memory_space<vmem>>, %arg8: memref<1x768xf32, #tpu.memory_space<vmem>>) attributes {dimension_semantics = [#tpu.dimension_semantics<arbitrary>], iteration_bounds = array<i64: 6>, scalar_prefetch = 0 : i64, scratch_operands = 2 : i64, tpu.core_type = #tpu.core_type<tc>, window_params = [{transform_indices = @transform_0, window_bounds = array<i64: 2048, 768>}, {transform_indices = @transform_1, window_bounds = array<i64: 2048, 768>}, {transform_indices = @transform_2, window_bounds = array<i64: 2048, 768>}, {transform_indices = @transform_3, window_bounds = array<i64: 16>}, {transform_indices = @transform_4, window_bounds = array<i64: 16>}, {pipeline_mode = #tpu.pipeline_mode<synchronous>, transform_indices = @transform_5, window_bounds = array<i64: 1, 768>}]} {
    %eq3A = arith.constant 0 : i32
    %eq3A_0 = arith.cmpi eq, %arg0, %eq3A : i32
    %convert_element_type3A = arith.extui %eq3A_0 : i1 to i32
    %cond3A = arith.constant 0 : i32
    %cond3A_1 = arith.cmpi ne, %convert_element_type3A, %cond3A : i32
    scf.if %cond3A_1 {
      %get3A = arith.constant 0 : index
      %get3A_21 = arith.constant 0 : index
      %get3A_22 = vector.load %arg1[%get3A, %get3A_21] : memref<2048x768xf32, #tpu.memory_space<vmem>>, vector<2048x768xf32>
      %reduce_sum3A = arith.constant dense<0.000000e+00> : vector<768xf32>
      %reduce_sum3A_23 = vector.multi_reduction <add>, %get3A_22, %reduce_sum3A [0] : vector<2048x768xf32> to vector<768xf32>
      %broadcast_in_dim3A = vector.shape_cast %reduce_sum3A_23 : vector<768xf32> to vector<1x768xf32>
      %swap3A = arith.constant 0 : index
      %swap3A_24 = arith.constant 0 : index
      %swap3A_25 = vector.load %arg7[%swap3A, %swap3A_24] : memref<1x768xf32, #tpu.memory_space<vmem>>, vector<1x768xf32>
      tpu.vector_store %arg7[%swap3A, %swap3A_24], %broadcast_in_dim3A {strides = array<i32>} : memref<1x768xf32, #tpu.memory_space<vmem>>, vector<1x768xf32>,
    } else {
    }
    %gt3A = arith.constant 0 : i32
    %gt3A_2 = arith.cmpi sgt, %arg0, %gt3A : i32
    %lt3A = arith.constant 2 : i32
    %lt3A_3 = arith.cmpi slt, %arg0, %lt3A : i32
    %and3A = arith.andi %gt3A_2, %lt3A_3 : i1
    %convert_element_type3A_4 = arith.extui %and3A : i1 to i32
    %cond3A_5 = arith.constant 0 : i32
    %cond3A_6 = arith.cmpi ne, %convert_element_type3A_4, %cond3A_5 : i32
    scf.if %cond3A_6 {
      %get3A = arith.constant 0 : index
      %get3A_21 = arith.constant 0 : index
      %get3A_22 = vector.load %arg7[%get3A, %get3A_21] : memref<1x768xf32, #tpu.memory_space<vmem>>, vector<1x768xf32>
      %get3A_23 = arith.constant 0 : index
      %get3A_24 = arith.constant 0 : index
      %get3A_25 = vector.load %arg1[%get3A_23, %get3A_24] : memref<2048x768xf32, #tpu.memory_space<vmem>>, vector<2048x768xf32>
      %reduce_sum3A = arith.constant dense<0.000000e+00> : vector<768xf32>
      %reduce_sum3A_26 = vector.multi_reduction <add>, %get3A_25, %reduce_sum3A [0] : vector<2048x768xf32> to vector<768xf32>
      %broadcast_in_dim3A = vector.shape_cast %reduce_sum3A_26 : vector<768xf32> to vector<1x768xf32>
      %add3A = arith.addf %get3A_22, %broadcast_in_dim3A : vector<1x768xf32>
      %swap3A = arith.constant 0 : index
      %swap3A_27 = arith.constant 0 : index
      %swap3A_28 = vector.load %arg7[%swap3A, %swap3A_27] : memref<1x768xf32, #tpu.memory_space<vmem>>, vector<1x768xf32>
      tpu.vector_store %arg7[%swap3A, %swap3A_27], %add3A {strides = array<i32>} : memref<1x768xf32, #tpu.memory_space<vmem>>, vector<1x768xf32>,
    } else {
    }
    %eq3A_7 = arith.constant 2 : i32
    %eq3A_8 = arith.cmpi eq, %arg0, %eq3A_7 : i32
    %convert_element_type3A_9 = arith.extui %eq3A_8 : i1 to i32
    %cond3A_10 = arith.constant 0 : i32
    %cond3A_11 = arith.cmpi ne, %convert_element_type3A_9, %cond3A_10 : i32
    scf.if %cond3A_11 {
      %get3A = arith.constant 0 : index
      %get3A_21 = arith.constant 0 : index
      %get3A_22 = vector.load %arg7[%get3A, %get3A_21] : memref<1x768xf32, #tpu.memory_space<vmem>>, vector<1x768xf32>
      %div3A = arith.constant 4.096000e+03 : f32
      %div3A_23 = vector.broadcast %div3A : f32 to vector<1x768xf32>
      %div3A_24 = arith.divf %get3A_22, %div3A_23 : vector<1x768xf32>
      %mul3A = arith.mulf %div3A_24, %div3A_24 : vector<1x768xf32>
      %reduce_sum3A = vector.shape_cast %mul3A : vector<1x768xf32> to vector<1x1x768xf32>
      %reduce_sum3A_25 = arith.constant dense<0.000000e+00> : vector<1xf32>
      %reduce_sum3A_26 = vector.multi_reduction <add>, %reduce_sum3A, %reduce_sum3A_25 [1, 2] : vector<1x1x768xf32> to vector<1xf32>
      %reduce_sum3A_27 = vector.shape_cast %reduce_sum3A_26 : vector<1xf32> to vector<1x1x1xf32>
      %reduce_sum3A_28 = vector.extract %reduce_sum3A_27[0, 0, 0] : f32 from vector<1x1x1xf32>
      %sqrt3A = math.sqrt %reduce_sum3A_28 : f32
      %add3A = arith.constant 9.99999997E-7 : f32
      %add3A_29 = arith.addf %sqrt3A, %add3A : f32
      %div3A_30 = vector.broadcast %add3A_29 : f32 to vector<1x768xf32>
      %div3A_31 = arith.divf %div3A_24, %div3A_30 : vector<1x768xf32>
      %swap3A = arith.constant 0 : index
      %swap3A_32 = arith.constant 0 : index
      %swap3A_33 = vector.load %arg8[%swap3A, %swap3A_32] : memref<1x768xf32, #tpu.memory_space<vmem>>, vector<1x768xf32>
      tpu.vector_store %arg8[%swap3A, %swap3A_32], %div3A_31 {strides = array<i32>} : memref<1x768xf32, #tpu.memory_space<vmem>>, vector<1x768xf32>,
    } else {
    }
    %ge3A = arith.constant 2 : i32
    %ge3A_12 = arith.cmpi sge, %arg0, %ge3A : i32
    %convert_element_type3A_13 = arith.extui %ge3A_12 : i1 to i32
    %cond3A_14 = arith.constant 0 : i32
    %cond3A_15 = arith.cmpi ne, %convert_element_type3A_13, %cond3A_14 : i32
    scf.if %cond3A_15 {
      %sub3A = arith.constant 2 : i32
      %sub3A_21 = arith.subi %arg0, %sub3A : i32
      %get3A = arith.constant 0 : index
      %get3A_22 = arith.constant 0 : index
      %get3A_23 = vector.load %arg2[%get3A, %get3A_22] : memref<2048x768xf32, #tpu.memory_space<vmem>>, vector<2048x768xf32>
      %swap3A = arith.constant 0 : index
      %swap3A_24 = arith.constant 0 : index
      %swap3A_25 = vector.load %arg3[%swap3A, %swap3A_24] : memref<2048x768xf32, #tpu.memory_space<vmem>>, vector<2048x768xf32>
      tpu.vector_store %arg3[%swap3A, %swap3A_24], %get3A_23 {strides = array<i32>} : memref<2048x768xf32, #tpu.memory_space<vmem>>, vector<2048x768xf32>,
      %get3A_26 = arith.constant 0 : index
      %get3A_27 = arith.constant 0 : index
      %get3A_28 = vector.load %arg8[%get3A_26, %get3A_27] : memref<1x768xf32, #tpu.memory_space<vmem>>, vector<1x768xf32>
      %reshape3A = vector.shape_cast %get3A_28 : vector<1x768xf32> to vector<768x1xf32>
      %dot_general3A = arith.constant dense<0.000000e+00> : vector<2048x1xf32>
      %dot_general3A_29 = tpu.matmul %get3A_23, %reshape3A, %dot_general3A {dimension_numbers = #tpu.dot_dimension_numbers<[1], [0], [0], [1], [0, 0, 1, 1], [], []>, transpose_lhs_hint = false} : vector<2048x768xf32>, vector<768x1xf32>, vector<2048x1xf32> -> vector<2048x1xf32>
      %mul3A = arith.mulf %get3A_23, %get3A_23 : vector<2048x768xf32>
      %reduce_sum3A = arith.constant dense<0.000000e+00> : vector<2048xf32>
      %reduce_sum3A_30 = vector.multi_reduction <add>, %mul3A, %reduce_sum3A [1] : vector<2048x768xf32> to vector<2048xf32>
      %broadcast_in_dim3A = vector.shape_cast %reduce_sum3A_30 : vector<2048xf32> to vector<2048x1xf32>
      %max3A = arith.constant 1.000000e-24 : f32
      %max3A_31 = vector.broadcast %max3A : f32 to vector<2048x1xf32>
      %max3A_32 = arith.maximumf %broadcast_in_dim3A, %max3A_31 : vector<2048x1xf32>
      %rsqrt3A = math.rsqrt %max3A_32 : vector<2048x1xf32>
      %mul3A_33 = arith.mulf %dot_general3A_29, %rsqrt3A : vector<2048x1xf32>
      %reduce_max3A = vector.shape_cast %mul3A_33 : vector<2048x1xf32> to vector<1x2048x1xf32>
      %reduce_max3A_34 = arith.constant dense<0xFF800000> : vector<1xf32>
      %reduce_max3A_35 = vector.multi_reduction <maximumf>, %reduce_max3A, %reduce_max3A_34 [1, 2] : vector<1x2048x1xf32> to vector<1xf32>
      %reduce_max3A_36 = vector.shape_cast %reduce_max3A_35 : vector<1xf32> to vector<1x1x1xf32>
      %reduce_max3A_37 = vector.extract %reduce_max3A_36[0, 0, 0] : f32 from vector<1x1x1xf32>
      %iota3A = tpu.iota {dimensions = array<i32: 0>} : vector<2048x1xi32>
      %eq3A_38 = vector.broadcast %reduce_max3A_37 : f32 to vector<2048x1xf32>
      %eq3A_39 = arith.cmpf oeq, %mul3A_33, %eq3A_38 : vector<2048x1xf32>
      %jit3A = arith.constant 8192 : i32
      %broadcast_in_dim3A_40 = vector.broadcast %jit3A : i32 to vector<2048x1xi32>
      %select_n3A = arith.select %eq3A_39, %iota3A, %broadcast_in_dim3A_40 : vector<2048x1xi1>, vector<2048x1xi32>
      %reduce_min3A = vector.shape_cast %select_n3A : vector<2048x1xi32> to vector<1x2048x1xi32>
      %reduce_min3A_41 = arith.constant dense<2147483647> : vector<1xi32>
      %reduce_min3A_42 = vector.multi_reduction <minsi>, %reduce_min3A, %reduce_min3A_41 [1, 2] : vector<1x2048x1xi32> to vector<1xi32>
      %reduce_min3A_43 = vector.shape_cast %reduce_min3A_42 : vector<1xi32> to vector<1x1x1xi32>
      %reduce_min3A_44 = vector.extract %reduce_min3A_43[0, 0, 0] : i32 from vector<1x1x1xi32>
      %mul3A_45 = arith.constant 2048 : i32
      %mul3A_46 = arith.muli %sub3A_21, %mul3A_45 : i32
      %add3A = arith.addi %reduce_min3A_44, %mul3A_46 : i32
      %swap3A_47 = arith.index_cast %sub3A_21 : i32 to index
      %swap3A_48 = memref.load %arg4[%swap3A_47] : memref<16xf32, #tpu.memory_space<smem>>
      memref.store %reduce_max3A_37, %arg4[%swap3A_47] : memref<16xf32, #tpu.memory_space<smem>>
      %swap3A_49 = arith.index_cast %sub3A_21 : i32 to index
      %swap3A_50 = memref.load %arg5[%swap3A_49] : memref<16xi32, #tpu.memory_space<smem>>
      memref.store %add3A, %arg5[%swap3A_49] : memref<16xi32, #tpu.memory_space<smem>>
    } else {
    }
    %eq3A_16 = arith.constant 5 : i32
    %eq3A_17 = arith.cmpi eq, %arg0, %eq3A_16 : i32
    %convert_element_type3A_18 = arith.extui %eq3A_17 : i1 to i32
    %cond3A_19 = arith.constant 0 : i32
    %cond3A_20 = arith.cmpi ne, %convert_element_type3A_18, %cond3A_19 : i32
    scf.if %cond3A_20 {
      %get3A = arith.constant 0 : index
      %get3A_21 = arith.constant 0 : index
      %get3A_22 = vector.load %arg7[%get3A, %get3A_21] : memref<1x768xf32, #tpu.memory_space<vmem>>, vector<1x768xf32>
      %div3A = arith.constant 4.096000e+03 : f32
      %div3A_23 = vector.broadcast %div3A : f32 to vector<1x768xf32>
      %div3A_24 = arith.divf %get3A_22, %div3A_23 : vector<1x768xf32>
      %swap3A = arith.constant 0 : index
      %swap3A_25 = arith.constant 0 : index
      %swap3A_26 = vector.load %arg6[%swap3A, %swap3A_25] : memref<1x768xf32, #tpu.memory_space<vmem>>, vector<1x768xf32>
      tpu.vector_store %arg6[%swap3A, %swap3A_25], %div3A_24 {strides = array<i32>} : memref<1x768xf32, #tpu.memory_space<vmem>>, vector<1x768xf32>,
    } else {
    }
    return
  }
  func.func @transform_0(%arg0: i32) -> (i32, i32) {
    %min3A = arith.constant 1 : i32
    %min3A_0 = arith.minsi %arg0, %min3A : i32
    %c0_i32 = arith.constant 0 : i32
    %c0_i32_1 = arith.constant 0 : i32
    return %min3A_0, %c0_i32 : i32, i32
  }
  func.func @transform_1(%arg0: i32) -> (i32, i32) {
    %sub3A = arith.constant 2 : i32
    %sub3A_0 = arith.subi %arg0, %sub3A : i32
    %max3A = arith.constant 0 : i32
    %max3A_1 = arith.maxsi %sub3A_0, %max3A : i32
    %c0_i32 = arith.constant 0 : i32
    %c0_i32_2 = arith.constant 0 : i32
    return %max3A_1, %c0_i32 : i32, i32
  }
  func.func @transform_2(%arg0: i32) -> (i32, i32) {
    %sub3A = arith.constant 2 : i32
    %sub3A_0 = arith.subi %arg0, %sub3A : i32
    %max3A = arith.constant 0 : i32
    %max3A_1 = arith.maxsi %sub3A_0, %max3A : i32
    %c0_i32 = arith.constant 0 : i32
    %c0_i32_2 = arith.constant 0 : i32
    return %max3A_1, %c0_i32 : i32, i32
  }
  func.func @transform_3(%arg0: i32) -> i32 {
    %c0_i32 = arith.constant 0 : i32
    %c0_i32_0 = arith.constant 0 : i32
    return %c0_i32 : i32
  }
  func.func @transform_4(%arg0: i32) -> i32 {
    %c0_i32 = arith.constant 0 : i32
    %c0_i32_0 = arith.constant 0 : i32
    return %c0_i32 : i32
  }
  func.func @transform_5(%arg0: i32) -> (i32, i32) {
    %c0_i32 = arith.constant 0 : i32
    %c0_i32_0 = arith.constant 0 : i32
    %c0_i32_1 = arith.constant 0 : i32
    return %c0_i32, %c0_i32_0 : i32, i32
  }
}

module attributes {stable_mosaic.version = 14 : i64} {
  func.func @_fixup_body(%arg0: i32, %arg1: memref<16xi32, #tpu.memory_space<smem>>, %arg2: memref<8x768xf32, #tpu.memory_space<vmem>>, %arg3: memref<1x768xf32, #tpu.memory_space<vmem>>, %arg4: memref<8x768xf32, #tpu.memory_space<vmem>>) attributes {dimension_semantics = [#tpu.dimension_semantics<arbitrary>], iteration_bounds = array<i64: 1>, scalar_prefetch = 1 : i64, scratch_operands = 0 : i64, tpu.core_type = #tpu.core_type<tc>, window_params = [{transform_indices = @transform_0, window_bounds = array<i64: 8, 768>}, {pipeline_mode = #tpu.pipeline_mode<synchronous>, transform_indices = @transform_1, window_bounds = array<i64: 1, 768>}, {transform_indices = @transform_2, window_bounds = array<i64: 8, 768>}]} {
    %get3A = arith.constant 0 : index
    %get3A_0 = memref.load %arg1[%get3A] : memref<16xi32, #tpu.memory_space<smem>>
    %rem3A = arith.constant 8 : i32
    %rem3A_1 = arith.remsi %get3A_0, %rem3A : i32
    %get3A_2 = arith.constant 0 : index
    %get3A_3 = arith.constant 0 : index
    %get3A_4 = vector.load %arg2[%get3A_2, %get3A_3] : memref<8x768xf32, #tpu.memory_space<vmem>>, vector<8x768xf32>
    %swap3A = arith.constant 0 : index
    %swap3A_5 = arith.constant 0 : index
    %swap3A_6 = vector.load %arg4[%swap3A, %swap3A_5] : memref<8x768xf32, #tpu.memory_space<vmem>>, vector<8x768xf32>
    tpu.vector_store %arg4[%swap3A, %swap3A_5], %get3A_4 {strides = array<i32>} : memref<8x768xf32, #tpu.memory_space<vmem>>, vector<8x768xf32>,
    %get3A_7 = arith.index_cast %rem3A_1 : i32 to index
    %get3A_8 = arith.constant 0 : index
    %get3A_9 = vector.load %arg2[%get3A_7, %get3A_8] : memref<8x768xf32, #tpu.memory_space<vmem>>, vector<1x768xf32>
    %mul3A = arith.constant 0.949999988 : f32
    %mul3A_10 = vector.broadcast %mul3A : f32 to vector<1x768xf32>
    %mul3A_11 = arith.mulf %mul3A_10, %get3A_9 : vector<1x768xf32>
    %get3A_12 = arith.constant 0 : index
    %get3A_13 = arith.constant 0 : index
    %get3A_14 = vector.load %arg3[%get3A_12, %get3A_13] : memref<1x768xf32, #tpu.memory_space<vmem>>, vector<1x768xf32>
    %mul3A_15 = arith.constant 5.000000e-02 : f32
    %mul3A_16 = vector.broadcast %mul3A_15 : f32 to vector<1x768xf32>
    %mul3A_17 = arith.mulf %mul3A_16, %get3A_14 : vector<1x768xf32>
    %add3A = arith.addf %mul3A_11, %mul3A_17 : vector<1x768xf32>
    %swap3A_18 = arith.index_cast %rem3A_1 : i32 to index
    %swap3A_19 = arith.constant 0 : index
    %swap3A_20 = vector.load %arg4[%swap3A_18, %swap3A_19] : memref<8x768xf32, #tpu.memory_space<vmem>>, vector<1x768xf32>
    tpu.vector_store %arg4[%swap3A_18, %swap3A_19], %add3A {strides = array<i32>} : memref<8x768xf32, #tpu.memory_space<vmem>>, vector<1x768xf32>,
    return
  }
  func.func @transform_0(%arg0: i32, %arg1: memref<16xi32, #tpu.memory_space<smem>>) -> (i32, i32) {
    %get3A = arith.constant 0 : index
    %get3A_0 = memref.load %arg1[%get3A] : memref<16xi32, #tpu.memory_space<smem>>
    %jit3A = arith.constant 8 : i32
    %div3A = arith.divsi %get3A_0, %jit3A : i32
    %sign3A = arith.constant 0 : i32
    %sign3A_1 = arith.cmpi sgt, %get3A_0, %sign3A : i32
    %sign3A_2 = arith.extui %sign3A_1 : i1 to i32
    %sign3A_3 = arith.constant 0 : i32
    %sign3A_4 = arith.cmpi slt, %get3A_0, %sign3A_3 : i32
    %sign3A_5 = arith.extui %sign3A_4 : i1 to i32
    %sign3A_6 = arith.subi %sign3A_2, %sign3A_5 : i32
    %sign3A_7 = arith.constant 0 : i32
    %sign3A_8 = arith.cmpi sgt, %jit3A, %sign3A_7 : i32
    %sign3A_9 = arith.extui %sign3A_8 : i1 to i32
    %sign3A_10 = arith.constant 0 : i32
    %sign3A_11 = arith.cmpi slt, %jit3A, %sign3A_10 : i32
    %sign3A_12 = arith.extui %sign3A_11 : i1 to i32
    %sign3A_13 = arith.subi %sign3A_9, %sign3A_12 : i32
    %ne3A = arith.cmpi ne, %sign3A_6, %sign3A_13 : i32
    %rem3A = arith.remsi %get3A_0, %jit3A : i32
    %ne3A_14 = arith.constant 0 : i32
    %ne3A_15 = arith.cmpi ne, %rem3A, %ne3A_14 : i32
    %and3A = arith.andi %ne3A, %ne3A_15 : i1
    %sub3A = arith.constant 1 : i32
    %sub3A_16 = arith.subi %div3A, %sub3A : i32
    %select_n3A = arith.select %and3A, %sub3A_16, %div3A : i32
    %c0_i32 = arith.constant 0 : i32
    %c0_i32_17 = arith.constant 0 : i32
    return %select_n3A, %c0_i32 : i32, i32
  }
  func.func @transform_1(%arg0: i32, %arg1: memref<16xi32, #tpu.memory_space<smem>>) -> (i32, i32) {
    %c0_i32 = arith.constant 0 : i32
    %c0_i32_0 = arith.constant 0 : i32
    %c0_i32_1 = arith.constant 0 : i32
    return %c0_i32, %c0_i32_0 : i32, i32
  }
  func.func @transform_2(%arg0: i32, %arg1: memref<16xi32, #tpu.memory_space<smem>>) -> (i32, i32) {
    %get3A = arith.constant 0 : index
    %get3A_0 = memref.load %arg1[%get3A] : memref<16xi32, #tpu.memory_space<smem>>
    %jit3A = arith.constant 8 : i32
    %div3A = arith.divsi %get3A_0, %jit3A : i32
    %sign3A = arith.constant 0 : i32
    %sign3A_1 = arith.cmpi sgt, %get3A_0, %sign3A : i32
    %sign3A_2 = arith.extui %sign3A_1 : i1 to i32
    %sign3A_3 = arith.constant 0 : i32
    %sign3A_4 = arith.cmpi slt, %get3A_0, %sign3A_3 : i32
    %sign3A_5 = arith.extui %sign3A_4 : i1 to i32
    %sign3A_6 = arith.subi %sign3A_2, %sign3A_5 : i32
    %sign3A_7 = arith.constant 0 : i32
    %sign3A_8 = arith.cmpi sgt, %jit3A, %sign3A_7 : i32
    %sign3A_9 = arith.extui %sign3A_8 : i1 to i32
    %sign3A_10 = arith.constant 0 : i32
    %sign3A_11 = arith.cmpi slt, %jit3A, %sign3A_10 : i32
    %sign3A_12 = arith.extui %sign3A_11 : i1 to i32
    %sign3A_13 = arith.subi %sign3A_9, %sign3A_12 : i32
    %ne3A = arith.cmpi ne, %sign3A_6, %sign3A_13 : i32
    %rem3A = arith.remsi %get3A_0, %jit3A : i32
    %ne3A_14 = arith.constant 0 : i32
    %ne3A_15 = arith.cmpi ne, %rem3A, %ne3A_14 : i32
    %and3A = arith.andi %ne3A, %ne3A_15 : i1
    %sub3A = arith.constant 1 : i32
    %sub3A_16 = arith.subi %div3A, %sub3A : i32
    %select_n3A = arith.select %and3A, %sub3A_16, %div3A : i32
    %c0_i32 = arith.constant 0 : i32
    %c0_i32_17 = arith.constant 0 : i32
    return %select_n3A, %c0_i32 : i32, i32
  }
}

</mosaic_0001>

<sc_bundles>
// kernel: kernel.5.cloned.1.call-start
scs
__scs_entry_jumppad:
0x0: {  	(pc) =	sbr.rel $0x88, $3  }
0x1: {  	(tag) =	ssettag $0x0;
	lr =	simm.s32 $0x1  }
0x2: {  	[smem:$0x3F9D] =	sst lr;
	_ =	strace $0xD0000000  }
0x3: {  	_ = 	snop  }
0x4: {  	_ = 	snop  }
0x5: {  	_ = 	snop  }
0x6: {  	_ = 	snop  }
0x7: {  	_ = 	snop  }
__scs_overlays_trampoline_lowered:
0x8: {  	[smem:$0x3FAC] =	sst s0  }
0x9: {  	[smem:$0x3FAD] =	sst s1  }
0xa: {  	[smem:$0x3FAE] =	sst s2  }
0xb: {  	[smem:$0x3FAF] =	sst s3  }
0xc: {  	[smem:$0x3FB0] =	sst s4  }
0xd: {  	[smem:$0x3FB1] =	sst s5  }
0xe: {  	[smem:$0x3FB2] =	sst s6  }
0xf: {  	[smem:$0x3FB3] =	sst s7  }
0x10: {  	[smem:$0x3FB4] =	sst s8  }
0x11: {  	[smem:$0x3FB5] =	sst s9;
	s0 =	simm.s32 @!p0 $0x0  }
0x12: {  	s1 =	sld [smem:$0x3F9B];
	s0 =	simm.s32 @p0 $0x1  }
0x13: {  	[smem:$0x3FB6] =	sst s0;
	s0 =	simm.s32 @!p1 $0x0  }
0x14: {  	s2 =	sld [smem:$0x3F9A];
	s0 =	simm.s32 @p1 $0x1  }
0x15: {  	[smem:$0x3FB7] =	sst s0;
	s0 =	simm.s32 @!p2 $0x0  }
0x16: {  	s3 =	sld [smem:$0x3FDB];
	s0 =	simm.s32 @p2 $0x1  }
0x17: {  	s4 =	simm.s32 $0x1BF5;
	[smem:$0x3FB9] =	sst s0  }
0x18: {  	s0 =	sld [smem:$0x3F9C];
	_ =	swait.ge [sflag:s4], $0x0  }
0x19: {  	s7 =	sld [smem:$0x3F9D]  }
0x1a: {  	s8 =	sadd.s32 $0xFFFFE003, lr  }
0x1b: {  	s9 =	sadd.s32 $0xFFFFFEF7, lr;
	s5 =	simm.s32 $0xFFFFFFFF;
	p2 =	slt.u32 s8, $0xFFFFF086  }
0x1c: {  	p1 =	slt.u32 s9, $0xF7A;
	s5 =	simm.s32 @!p2 $0x0  }
0x1d: {  	s5 =	simm.s32 @p1 $0x1;
	p0 =	seq.s32 s7, s2  }
0x1e: {  	s7 =	smul.u32 @!p0 $0xF7A, s2;
	p2 =	seq.s32 @!p0 s5, $0x0  }
0x1f: {  	s9 =	smul.u32 $0xF7A, s1;
	s8 =	simm.s32 @!p0 $0x1BF5;
	p2 =	por !p2, p0  }
0x20: {  	[sflag:s8] =	ssyncset.s32 @!p0 $0xFFFFF086;
	s6 =	sadd.s32 @!p0 s3, s7;
	s7 =	simm.s32 @!p0 $0x108  }
0x21: {  	s3 =	sadd.s32 s3, s9;
	s6 =	sadd.s32 @!p0 $0x88, s6;
	s7 =	simm.s32 @p2 $0x1082  }
0x22: {  	[simem:s7], [sflag:s8] =	dma.local @!p0 [hbm:s6], $0xF7A  }
0x23: {  	s9 =	sor.u32 $0xD0000000, s2;
	s6 =	simm.s32 $0x108;
	_ =	swait.ge @!p0 [sflag:s8], $0x0  }
0x24: {  	s3 =	sadd.s32 $0x88, s3;
	s6 =	simm.s32 @!p1 $0x1082;
	[sflag:s4] =	ssyncset.s32 $0xFFFFF086  }
0x25: {  	[simem:s6], [sflag:s4] =	dma.local [hbm:s3], $0xF7A  }
0x26: {  	[smem:$0x3F9D] =	sst s1;
	(tag) =	ssettag s2;
	_ =	strace s9  }
0x27: {  	s1 =	sld [smem:$0x3FAD]  }
0x28: {  	s2 =	sld [smem:$0x3FAE]  }
0x29: {  	s4 =	sld [smem:$0x3FB0]  }
0x2a: {  	p0 =	seq.s32 s5, $0x0;
	s5 =	sld [smem:$0x3FB1]  }
0x2b: {  	s6 =	sld [smem:$0x3FB2]  }
0x2c: {  	s7 =	sld [smem:$0x3FB3]  }
0x2d: {  	s3 =	simm.s32 $0x108;
	s8 =	sld [smem:$0x3FB4]  }
0x2e: {  	s3 =	simm.s32 @!p0 $0x1082;
	s9 =	sld [smem:$0x3FB5]  }
0x2f: {  	lr =	sadd.s32 s0, s3;
	s0 =	sld [smem:$0x3FAC]  }
0x30: {  	s3 =	sld [smem:$0x3FAF]  }
0x31: {  	[smem:$0x3FB8] =	sst s10  }
0x32: {  	s10 =	sld [smem:$0x3FB6];
	_ =	sdelay $0x3  }
0x33: {  	p0 =	seq.s32 s10, $0x1;
	s10 =	sld [smem:$0x3FB8];
	_ =	sdelay $0x3  }
0x34: {  	[smem:$0x3FB8] =	sst s10  }
0x35: {  	s10 =	sld [smem:$0x3FB7];
	_ =	sdelay $0x3  }
0x36: {  	p1 =	seq.s32 s10, $0x1;
	s10 =	sld [smem:$0x3FB8];
	_ =	sdelay $0x3  }
0x37: {  	[smem:$0x3FB8] =	sst s10  }
0x38: {  	s10 =	sld [smem:$0x3FB9]  }
0x39: {  	_ = 	snop;
	(pc) =	sbr.ind lr, $3  }
0x3a: {  	_ = 	snop  }
0x3b: {  	_ = 	snop  }
0x3c: {  	p2 =	seq.s32 s10, $0x1;
	s10 =	sld [smem:$0x3FB8]  }
0x3d: {  	_ =	shalt  }
0x3e: {  	_ =	shalt  }
0x3f: {  	_ =	shalt  }
0x40: {  	_ =	shalt  }
0x41: {  	_ =	shalt  }
0x42: {  	_ =	shalt  }
0x43: {  	_ =	shalt  }
0x44: {  	_ =	shalt  }
0x45: {  	_ =	shalt  }
0x46: {  	_ =	shalt  }
0x47: {  	_ =	shalt  }
0x48: {  	_ =	shalt  }
0x49: {  	_ =	shalt  }
0x4a: {  	_ =	shalt  }
0x4b: {  	_ =	shalt  }
0x4c: {  	_ =	shalt  }
0x4d: {  	_ =	shalt  }
0x4e: {  	_ =	shalt  }
0x4f: {  	_ =	shalt  }
0x50: {  	_ =	shalt  }
0x51: {  	_ =	shalt  }
0x52: {  	_ =	shalt  }
0x53: {  	_ =	shalt  }
0x54: {  	_ =	shalt  }
0x55: {  	_ =	shalt  }
0x56: {  	_ =	shalt  }
0x57: {  	_ =	shalt  }
0x58: {  	_ =	shalt  }
0x59: {  	_ =	shalt  }
0x5a: {  	_ =	shalt  }
0x5b: {  	_ =	shalt  }
0x5c: {  	_ =	shalt  }
0x5d: {  	_ =	shalt  }
0x5e: {  	_ =	shalt  }
0x5f: {  	_ =	shalt  }
0x60: {  	_ =	shalt  }
0x61: {  	_ =	shalt  }
0x62: {  	_ =	shalt  }
0x63: {  	_ =	shalt  }
0x64: {  	_ =	shalt  }
0x65: {  	_ =	shalt  }
0x66: {  	_ =	shalt  }
0x67: {  	_ =	shalt  }
0x68: {  	_ =	shalt  }
0x69: {  	_ =	shalt  }
0x6a: {  	_ =	shalt  }
0x6b: {  	_ =	shalt  }
0x6c: {  	_ =	shalt  }
0x6d: {  	_ =	shalt  }
0x6e: {  	_ =	shalt  }
0x6f: {  	_ =	shalt  }
0x70: {  	_ =	shalt  }
0x71: {  	_ =	shalt  }
0x72: {  	_ =	shalt  }
0x73: {  	_ =	shalt  }
0x74: {  	_ =	shalt  }
0x75: {  	_ =	shalt  }
0x76: {  	_ =	shalt  }
0x77: {  	_ =	shalt  }
0x78: {  	_ =	shalt  }
0x79: {  	_ =	shalt  }
0x7a: {  	_ =	shalt  }
0x7b: {  	_ =	shalt  }
0x7c: {  	_ =	shalt  }
0x7d: {  	_ =	shalt  }
0x7e: {  	_ =	shalt  }
0x7f: {  	_ =	shalt  }
0x80: {  	_ =	shalt  }
0x81: {  	_ =	shalt  }
0x82: {  	_ =	shalt  }
0x83: {  	_ =	shalt  }
0x84: {  	_ =	shalt  }
0x85: {  	_ =	shalt  }
0x86: {  	_ =	shalt  }
0x87: {  	_ =	shalt  }
.Lfunc_end0:
.L_simem_size_0:
called_computation_lowered:
.L_overlay_start_0:
0x88: {  	s0 =	sld [smem:$0x3FD9]  }
0x89: {  	s1 =	sld [smem:$0x3FFE];
	_ =	sdelay $0x3  }
0x8a: {  	s0 =	sadd.s32 s1, s0  }
0x8b: {  	[smem:$0x3FC4] =	sst s0  }
0x8c: {  	_ = 	snop  }
0x8d: {  	s0 =	sld [smem:$0x3FD0];
	_ =	sdelay $0x1  }
0x8e: {  	s13 =	sld [smem:$0x3FC8]  }
0x8f: {  	s3 =	simm.s32 $0xA;
	s4 =	simm.s32 $0x10;
	s2 =	sld [smem:$0x3FC7]  }
0x90: {  	[smem:s4], [sflag:s3] =	dma.local [hbm:s0], $0x1  }
0x91: {  	_ =	swait.eq [sflag:s3], $0x1  }
0x92: {  	[sflag:s3] =	ssyncset.done $0x0  }
0x93: {  	s14 =	sld [smem:$0x11];
	[sflag:s3] =	ssyncadd.s32 $0xFFFFFFFF  }
0x94: {  	s15 =	sld [smem:$0x12];
	(tm) =	ssettm $0x1  }
0x95: {  	s16 =	sld [smem:$0x3FFB];
	_ =	sdelay $0x3  }
0x96: {  	_ =	strace s16  }
0x97: {  	s4 =	sld [smem:$0x3FFC];
	_ =	sdelay $0x3  }
0x98: {  	_ =	strace s4  }
0x99: {  	s4 =	sld [smem:$0x3FFD];
	_ =	sdelay $0x3  }
0x9a: {  	_ =	strace s4  }
0x9b: {  	_ =	strace $0x8FFFFFFF  }
0x9c: {  	s17 =	sld [smem:$0x3FDB];
	_ =	sdelay $0x1  }
0x9d: {  	s5 =	simm.s32 $_scs_section_size  }
0x9e: {  	s6 =	simm.s32 $_size__tile_overlayer_lowered;
	s7 =	simm.s32 $_tile_overlayer_lowered  }
0x9f: {  	s20 =	simm.s32 $0x1BFF;
	s19 =	sshll.u32 s7, $0x1;
	s4 =	sadd.s32 s5, s17  }
0xa0: {  	s8 =	simm.s32 $0x0;
	s18 =	sshll.u32 s6, $0x1;
	s6 =	sadd.s32 s19, s4  }
0xa1: {  	[timem:s8], [sflag:s20] =	dma.local [hbm:s6], s18  }
0xa2: {  	_ =	swait.ge [sflag:s20], s18  }
0xa3: {  	s5 =	ssub.s32 $0x0, s18;
	[sflag:s20] =	ssyncset.done $0x0  }
0xa4: {  	[sflag:s20] =	ssyncadd.s32 s5;
	_ =	sdelay $0x1  }
0xa5: {  	s21 =	simm.s32 $0x1B8B  }
0xa6: {  	_ =	swait.ge [sflag:s21], $0x1  }
0xa7: {  	[sflag:s21] =	ssyncset.done $0x0  }
0xa8: {  	s23 =	simm.s32 $0x1B8E;
	s22 =	sld [smem:$0x3FFE];
	[sflag:s21] =	ssyncadd.s32 $0xFFFFFFFF  }
0xa9: {  	s24 =	simm.s32 $execute0_lowered;
	[smem:$0x3FD2] =	sst s23  }
0xaa: {  	s6 =	sshll.u32 s24, $0x1;
	_ =	strace $0x80000046;
	[dreg:$0x1] =	wrdreg $0xFFFFFFFF  }
0xab: {  	s25 =	simm.s32 $_size_execute0_lowered;
	s4 =	sadd.s32 s4, s6;
	[dreg:$0x0] =	wrdreg $0x0  }
0xac: {  	s6 =	sshll.u32 s25, $0x1;
	[dreg:$0x2] =	wrdreg s4  }
0xad: {  	[dreg:$0x3] =	wrdreg s6  }
0xae: {  	[dreg:$0x4] =	wrdreg $0xC0  }
0xaf: {  	_ =	task [dreg:s8], $0x5FFFF  }
0xb0: {  	[dreg:$0x1] =	wrdreg $0xFFFFFFFF  }
0xb1: {  	[dreg:$0x0] =	wrdreg $0x60  }
0xb2: {  	[dreg:$0x2] =	wrdreg s22  }
0xb3: {  	[dreg:$0x3] =	wrdreg s13  }
0xb4: {  	[dreg:$0x4] =	wrdreg s2  }
0xb5: {  	[dreg:$0x5] =	wrdreg s14  }
0xb6: {  	[dreg:$0x6] =	wrdreg s15  }
0xb7: {  	[dreg:$0x7] =	wrdreg $0x9  }
0xb8: {  	_ =	task.clear_ibuf [dreg:s8], $0x8FFFF;
	_ =	strace $0x90000046  }
0xb9: {  	s26 =	simm.s32 $0x9;
	_ =	strace $0x80000048  }
0xba: {  	_ =	swait.ge [sflag:s26], $0x1  }
0xbb: {  	[sflag:s26] =	ssyncadd.s32 $0xFFFFFFFF  }
0xbc: {  	_ =	strace $0x90000048  }
0xbd: {  	_ =	sfence  }
0xbe: {  	s28 =	sld [smem:$0x0];
	_ =	sdelay $0x1  }
0xbf: {  	s29 =	srdreg.scid  }
0xc0: {  	s30 =	sshll.u32 s29, $0xD;
	s31 =	sshrl.u32 s29, $0x2  }
0xc1: {  	s1 =	sand.u32 $0x1, s29;
	s2 =	sand.u32 $0x4000, s30;
	s0 =	sadd.s32 s31, s28  }
0xc2: {  	s1 =	sor.u32 s2, s1;
	s0 =	sshll.u32 s0, $0x11  }
0xc3: {  	s0 =	sor.u32 s0, s1  }
0xc4: {  	s0 =	sadd.s32 $0x8F2B, s0  }
0xc5: {  	[sflag:s0] =	ssyncadd.remote.s32 $0x1  }
0xc6: {  	_ =	sfence.sel $0xFFFF  }
0xc7: {  	[dreg:$0x0] =	wrdreg $0xFFFFFFFF;
	(pc) =	sbr.abs _section_cstart, $3  }
0xc8: {  	[dreg:$0x1] =	wrdreg $0xFFFFFFFF  }
0xc9: {  	_ =	task.clear_ibuf [dreg:s8], $0x2FFFF;
	_ =	strace $0x9FFFFFFF  }
0xca: {  	(tm) =	ssettm $0x7FFFFFFF  }
0xcb: {  	_ =	shalt  }
tec
execute0_lowered:
.L_overlay_start_1:
0x0: {  	(tag) =	ssettag $0x1  }
0x1: {  	s3 =	rddreg [dreg:$0x0]  }
0x2: {  	s5 =	rddreg [dreg:$0x1]  }
0x3: {  	s6 =	rddreg [dreg:$0x2]  }
0x4: {  	s2 =	rddreg [dreg:$0x3]  }
0x5: {  	s1 =	rddreg [dreg:$0x4];
	s4 =	simm.s32 $0x0  }
0x6: {  	[smem:$0x7FF] =	sst s4  }
0x7: {  	s0 =	rddreg [dreg:$0x5];
	s28 =	simm.s32 $0x1;
	_ =	strace $0x80000047  }
0x8: {  	[tilespmem:s4], [sflag:$0x1] =	stream.linear.gather [hbm4b:s5+s4], $0x2000, $0x38;
	[tilespmem:$0x4100] =	vst v63  }
0x9: {  	_ =	swait.ge [sflag:s28], $0x2000  }
0xa: {  	[sflag:s28] =	ssyncset.done $0x0  }
0xb: {  	s7 =	simm.s32 $0x2000;
	[sflag:s28] =	ssyncadd.s32 $0xFFFFE000  }
0xc: {  	[tilespmem:s7], [sflag:$0x1] =	stream.linear.gather [hbm4b:s6+s4], $0x2000, $0x38;
	[tilespmem:$0x4100] =	vst v63  }
0xd: {  	_ =	swait.ge [sflag:s28], $0x2000  }
0xe: {  	[sflag:s28] =	ssyncset.done $0x0  }
0xf: {  	s8 =	simm.s32 $0x4000;
	s29 =	sadd.s32 $0x1200, s3;
	[sflag:s28] =	ssyncadd.s32 $0xFFFFE000  }
0x10: {  	[tilespmem:s8], [sflag:$0x1] =	stream.linear.gather [hbm4b:s29+s4], $0x80, $0x38;
	[tilespmem:$0x4100] =	vst v63  }
0x11: {  	_ =	swait.ge [sflag:s28], $0x80  }
0x12: {  	[sflag:s28] =	ssyncset.done $0x0  }
0x13: {  	s31 =	simm.s32 $0x4080;
	s30 =	sadd.s32 $0x1400, s3;
	[sflag:s28] =	ssyncadd.s32 $0xFFFFFF80  }
0x14: {  	[tilespmem:s31], [sflag:$0x1] =	stream.linear.gather [hbm4b:s30+s4], $0x80, $0x38;
	[tilespmem:$0x4100] =	vst v63  }
0x15: {  	_ =	swait.ge [sflag:s28], $0x80  }
0x16: {  	[sflag:s28] =	ssyncset.done $0x0  }
0x17: {  	[sflag:s28] =	ssyncadd.s32 $0xFFFFFF80  }
0x18: {  	v4 =	vld [tilespmem:s7+$0x0];
	_ =	sdelay $0x1  }
0x19: {  	v3 =	vld [tilespmem:s4+$0x0];
	_ =	sdelay $0x1  }
0x1a: {  	v0 =	vimm.f32 $+Inf;
	s5 =	simm.s32 $0x10;
	s6 =	simm.s32 $0x0  }
0x1b: {  	v2 =	vimm.s32 $0x40000000;
	v1 =	vlaneseq.u32;
	s8 =	simm.s32 $0x2010;
	s7 =	sadd.s32 $0x1600, s3;
	s3 =	stileid.u32;
	v4 =	vmul.f32 $-9.999999770e-03, v4  }
.LBB2_1:
0x1c: {  	v5 =	vld [tilespmem:s8+$0x0];
	p0 =	sne.s32 s5, $0x1FF0;
	s9 =	smov.u32 s5;
	s5 =	sadd.s32 $0x10, s5  }
.Ltmp0:
0x1d: {  	s4 =	sadd.s32 $0x10, s4;
	v4 =	vadd.f32 v4, v3;
	(pc) =	sbr.rel @p0 .LBB2_1-.Ltmp0, $4  }
0x1e: {  	v3 =	vld [tilespmem:s4+$0x0]  }
0x1f: {  	v6 =	vor.u32 s6, v1;
	s6 =	smov.u32 s9;
	vm0 =	vlt.f32 v4, v0  }
0x20: {  	v0 =	vsel vm0, v4, v0;
	v2 =	vsel vm0, v6, v2  }
0x21: {  	s8 =	sadd.s32 $0x10, s8;
	v4 =	vmul.f32 $-9.999999770e-03, v5  }
0x22: {  	_ = 	snop  }
0x23: {  	v3 =	vadd.f32 v4, v3;
	_ =	sdelay $0x1  }
0x24: {  	vm0 =	vlt.f32 v3, v0  }
0x25: {  	v48 =	vor.u32 s6, v1;
	v49 =	vsel vm0, v3, v0  }
0x26: {  	v50 =	vsel vm0, v48, v2;
	(v2sf) =	vpush v49, $0x0  }
0x27: {  	(v2sf) =	vpush v50, $0x0  }
0x28: {  	(v2sf) =	vpush v49, $0x1;
	_ =	sdelay $0x2  }
0x29: {  	(v2sf) =	vpush v50, $0x1;
	_ =	sdelay $0x4  }
0x2a: {  	(v2sf) =	vpush v49, $0x2  }
0x2b: {  	(v2sf) =	vpush v50, $0x2;
	_ =	sdelay $0x3  }
0x2c: {  	s8 =	spop (v2sf)  }
0x2d: {  	s6 =	spop (v2sf);
	(v2sf) =	vpush v49, $0x3  }
0x2e: {  	s4 =	spop (v2sf);
	(v2sf) =	vpush v50, $0x3;
	_ =	sdelay $0x2  }
0x2f: {  	p0 =	seq.f32 s4, s8;
	s5 =	spop (v2sf)  }
0x30: {  	p1 =	slt.s32 s5, s6  }
0x31: {  	p2 =	slt.f32 s4, s8;
	(v2sf) =	vpush v49, $0x4;
	p0 =	por !p0, !p1  }
0x32: {  	(v2sf) =	vpush v50, $0x4;
	p0 =	por !p0, !p0  }
0x33: {  	p0 =	por p2, p0  }
0x34: {  	s8 =	smov.u32 @p0 s4;
	s4 =	spop (v2sf)  }
0x35: {  	s6 =	smov.u32 @p0 s5;
	p4 =	seq.f32 s4, s8;
	s5 =	spop (v2sf)  }
0x36: {  	p5 =	slt.s32 s5, s6  }
0x37: {  	(v2sf) =	vpush v49, $0x5;
	p6 =	slt.f32 s4, s8;
	p0 =	por !p4, !p5  }
0x38: {  	(v2sf) =	vpush v50, $0x5;
	p0 =	por !p0, !p0  }
0x39: {  	p0 =	por p6, p0  }
0x3a: {  	s8 =	smov.u32 @p0 s4;
	s4 =	spop (v2sf)  }
0x3b: {  	s6 =	smov.u32 @p0 s5;
	p1 =	seq.f32 s4, s8;
	s5 =	spop (v2sf)  }
0x3c: {  	p2 =	slt.s32 s5, s6  }
0x3d: {  	(v2sf) =	vpush v49, $0x6;
	p3 =	slt.f32 s4, s8;
	p0 =	por !p1, !p2  }
0x3e: {  	(v2sf) =	vpush v50, $0x6;
	p0 =	por !p0, !p0  }
0x3f: {  	p0 =	por p3, p0  }
0x40: {  	s8 =	smov.u32 @p0 s4;
	s4 =	spop (v2sf)  }
0x41: {  	s6 =	smov.u32 @p0 s5;
	p4 =	seq.f32 s4, s8;
	s5 =	spop (v2sf)  }
0x42: {  	p5 =	slt.s32 s5, s6  }
0x43: {  	(v2sf) =	vpush v49, $0x7;
	p6 =	slt.f32 s4, s8;
	p0 =	por !p4, !p5  }
0x44: {  	(v2sf) =	vpush v50, $0x7;
	p0 =	por !p0, !p0  }
0x45: {  	p0 =	por p6, p0  }
0x46: {  	s8 =	smov.u32 @p0 s4;
	s4 =	spop (v2sf)  }
0x47: {  	s6 =	smov.u32 @p0 s5;
	p1 =	seq.f32 s4, s8;
	s5 =	spop (v2sf)  }
0x48: {  	p2 =	slt.s32 s5, s6  }
0x49: {  	(v2sf) =	vpush v49, $0x8;
	p3 =	slt.f32 s4, s8;
	p0 =	por !p1, !p2  }
0x4a: {  	(v2sf) =	vpush v50, $0x8;
	p0 =	por !p0, !p0  }
0x4b: {  	p0 =	por p3, p0  }
0x4c: {  	s8 =	smov.u32 @p0 s4;
	s4 =	spop (v2sf)  }
0x4d: {  	s6 =	smov.u32 @p0 s5;
	p4 =	seq.f32 s4, s8;
	s5 =	spop (v2sf)  }
0x4e: {  	p5 =	slt.s32 s5, s6  }
0x4f: {  	(v2sf) =	vpush v49, $0x9;
	p6 =	slt.f32 s4, s8;
	p0 =	por !p4, !p5  }
0x50: {  	(v2sf) =	vpush v50, $0x9;
	p0 =	por !p0, !p0  }
0x51: {  	p0 =	por p6, p0  }
0x52: {  	s8 =	smov.u32 @p0 s4;
	s4 =	spop (v2sf)  }
0x53: {  	s6 =	smov.u32 @p0 s5;
	p1 =	seq.f32 s4, s8;
	s5 =	spop (v2sf)  }
0x54: {  	p2 =	slt.s32 s5, s6  }
0x55: {  	(v2sf) =	vpush v49, $0xA;
	p3 =	slt.f32 s4, s8;
	p0 =	por !p1, !p2  }
0x56: {  	(v2sf) =	vpush v50, $0xA;
	p0 =	por !p0, !p0  }
0x57: {  	p0 =	por p3, p0  }
0x58: {  	s8 =	smov.u32 @p0 s4;
	s4 =	spop (v2sf)  }
0x59: {  	s6 =	smov.u32 @p0 s5;
	p4 =	seq.f32 s4, s8;
	s5 =	spop (v2sf)  }
0x5a: {  	p5 =	slt.s32 s5, s6  }
0x5b: {  	(v2sf) =	vpush v49, $0xB;
	p6 =	slt.f32 s4, s8;
	p0 =	por !p4, !p5  }
0x5c: {  	(v2sf) =	vpush v50, $0xB;
	p0 =	por !p0, !p0  }
0x5d: {  	p0 =	por p6, p0  }
0x5e: {  	s8 =	smov.u32 @p0 s4;
	s4 =	spop (v2sf)  }
0x5f: {  	s6 =	smov.u32 @p0 s5;
	p1 =	seq.f32 s4, s8;
	s5 =	spop (v2sf)  }
0x60: {  	p2 =	slt.s32 s5, s6  }
0x61: {  	(v2sf) =	vpush v49, $0xC;
	p3 =	slt.f32 s4, s8;
	p0 =	por !p1, !p2  }
0x62: {  	(v2sf) =	vpush v50, $0xC;
	p0 =	por !p0, !p0  }
0x63: {  	p0 =	por p3, p0  }
0x64: {  	s8 =	smov.u32 @p0 s4;
	s4 =	spop (v2sf)  }
0x65: {  	s6 =	smov.u32 @p0 s5;
	p4 =	seq.f32 s4, s8;
	s5 =	spop (v2sf)  }
0x66: {  	p5 =	slt.s32 s5, s6  }
0x67: {  	(v2sf) =	vpush v49, $0xD;
	p6 =	slt.f32 s4, s8;
	p0 =	por !p4, !p5  }
0x68: {  	(v2sf) =	vpush v50, $0xD;
	p0 =	por !p0, !p0  }
0x69: {  	p0 =	por p6, p0  }
0x6a: {  	v51 =	vld [tilespmem:$0x4000];
	s8 =	smov.u32 @p0 s4;
	s4 =	spop (v2sf)  }
0x6b: {  	v52 =	vld [tilespmem:$0x4080];
	(v2sf) =	vpush v49, $0xE;
	s6 =	smov.u32 @p0 s5;
	p1 =	seq.f32 s4, s8;
	s5 =	spop (v2sf)  }
0x6c: {  	(v2sf) =	vpush v50, $0xE;
	p2 =	slt.s32 s5, s6  }
0x6d: {  	(v2sf) =	vpush v49, $0xF;
	p3 =	slt.f32 s4, s8;
	p0 =	por !p1, !p2  }
0x6e: {  	(v2sf) =	vpush v50, $0xF;
	p0 =	por !p0, !p0  }
0x6f: {  	(v2sf) =	vpush v51, $0x0;
	p0 =	por p3, p0  }
0x70: {  	(v2sf) =	vpush v52, $0x0;
	s8 =	smov.u32 @p0 s4;
	s4 =	spop (v2sf)  }
0x71: {  	(v2sf) =	vpush v51, $0x1;
	s6 =	smov.u32 @p0 s5;
	p4 =	seq.f32 s4, s8;
	s5 =	spop (v2sf)  }
0x72: {  	p5 =	slt.s32 s5, s6  }
0x73: {  	(v2sf) =	vpush v52, $0x1;
	p6 =	slt.f32 s4, s8;
	p0 =	por !p4, !p5  }
0x74: {  	(v2sf) =	vpush v51, $0x2;
	p0 =	por !p0, !p0  }
0x75: {  	p0 =	por p6, p0  }
0x76: {  	s8 =	smov.u32 @p0 s4;
	s4 =	spop (v2sf);
	(v2sf) =	vpush v52, $0x2  }
0x77: {  	s6 =	smov.u32 @p0 s5;
	s5 =	spop (v2sf);
	(v2sf) =	vpush v51, $0x3  }
0x78: {  	p1 =	seq.f32 s4, s8  }
0x79: {  	p2 =	slt.s32 s5, s6  }
0x7a: {  	p3 =	slt.f32 s4, s8;
	s9 =	spop (v2sf);
	p0 =	por !p1, !p2  }
0x7b: {  	(v2sf) =	vpush v52, $0x3;
	s10 =	spop (v2sf);
	p0 =	por !p0, !p0  }
0x7c: {  	s11 =	spop (v2sf);
	p0 =	por p3, p0  }
0x7d: {  	s12 =	spop (v2sf);
	s8 =	smov.u32 @p0 s4  }
0x7e: {  	s6 =	smov.u32 @p0 s5;
	s13 =	spop (v2sf);
	p4 =	seq.f32 s9, s8  }
0x7f: {  	p5 =	slt.s32 s10, s6;
	s5 =	spop (v2sf)  }
0x80: {  	p6 =	slt.f32 s9, s8;
	s4 =	spop (v2sf);
	p0 =	por !p4, !p5  }
0x81: {  	p1 =	sgt.f32 s4, s13;
	p0 =	por !p0, !p0  }
0x82: {  	v53 =	vlaneseq.u32;
	s25 =	sshll.u32 s3, $0x9;
	s14 =	spop (v2sf);
	p4 =	por p6, p0  }
0x83: {  	v54 =	vor.u32 $0x10, v53;
	v55 =	vor.u32 $0x20, v53;
	v56 =	vor.u32 s25, v53;
	s13 =	smov.u32 @p1 s4;
	s8 =	smov.u32 @p4 s9;
	s9 =	spop (v2sf)  }
0x84: {  	v57 =	vor.u32 $0x30, v53;
	v58 =	vor.u32 $0x40, v53;
	v59 =	vor.u32 $0x50, v53;
	s6 =	smov.u32 @p4 s10;
	p0 =	slt.f32 s11, s8;
	p2 =	sgt.f32 s9, s13  }
0x85: {  	v60 =	vor.u32 $0x60, v53;
	v61 =	vor.u32 $0x70, v53;
	v62 =	vor.u32 $0x80, v53;
	p3 =	seq.f32 s11, s8;
	p4 =	slt.s32 s12, s6;
	s8 =	spop (v2sf)  }
0x86: {  	v63 =	vor.u32 $0x90, v53;
	v8 =	vor.u32 $0xA0, v53;
	v9 =	vor.u32 $0xB0, v53;
	s13 =	smov.u32 @p2 s9;
	s9 =	smov.u32 s6;
	s10 =	spop (v2sf)  }
0x87: {  	v10 =	vor.u32 $0xC0, v53;
	v11 =	vor.u32 $0xD0, v53;
	v12 =	vor.u32 $0xE0, v53;
	s9 =	smov.u32 @p4 s12;
	p4 =	sgt.f32 s10, s13  }
0x88: {  	v13 =	vor.u32 $0xF0, v53;
	v14 =	vor.u32 $0x100, v53;
	v33 =	vor.u32 $0x110, v53;
	s5 =	smov.u32 @p1 s14  }
0x89: {  	v34 =	vor.u32 $0x120, v53;
	v35 =	vor.u32 $0x130, v53;
	v36 =	vor.u32 $0x140, v53;
	s5 =	smov.u32 @p2 s8;
	s13 =	smov.u32 @p4 s10  }
0x8a: {  	v37 =	vor.u32 $0x150, v53;
	v38 =	vor.u32 $0x160, v53;
	v39 =	vor.u32 $0x170, v53;
	s6 =	smov.u32 @p3 s9;
	s8 =	spop (v2sf);
	p1 =	slt.f32 s13, $3.000000120e-01  }
0x8b: {  	v40 =	vor.u32 $0x180, v53;
	v41 =	vor.u32 $0x190, v53;
	v42 =	vor.u32 $0x1A0, v53;
	s6 =	smov.u32 @p0 s12;
	s5 =	smov.u32 @p4 s8  }
0x8c: {  	v43 =	vor.u32 $0x1B0, v53;
	v44 =	vor.u32 $0x1C0, v53;
	v45 =	vor.u32 $0x1D0, v53;
	s5 =	smov.u32 @p1 s6  }
0x8d: {  	v1 =	vor.u32 $0x1F0, v53;
	v26 =	vor.u32 s25, v54;
	v32 =	vmov s5  }
0x8e: {  	s26 =	simm.s32 $0x0;
	s28 =	simm.s32 $0x4080;
	s29 =	simm.s32 $0x1;
	v27 =	vor.u32 s25, v55;
	v28 =	vor.u32 s25, v57;
	v29 =	vor.u32 s25, v58;
	[tilespmem:$0x4080] =	vst v32  }
0x8f: {  	v30 =	vor.u32 s25, v59;
	v31 =	vor.u32 s25, v60;
	v25 =	vor.u32 s25, v61;
	[hbm4b:s7+s26] =	stream.linear.scatter [tilespmem:s28], [sflag:$0x1], $0x80, $0x38;
	[tilespmem:$0x4100] =	vst v63  }
0x90: {  	v24 =	vor.u32 s25, v62;
	v23 =	vor.u32 s25, v63;
	v22 =	vor.u32 s25, v8;
	_ =	swait.ge [sflag:s29], $0x80  }
0x91: {  	v21 =	vor.u32 s25, v9;
	v20 =	vor.u32 s25, v10;
	v19 =	vor.u32 s25, v11;
	[sflag:s29] =	ssyncset.done $0x0  }
0x92: {  	v18 =	vor.u32 s25, v12;
	v17 =	vor.u32 s25, v13;
	v16 =	vor.u32 s25, v14;
	[sflag:s29] =	ssyncadd.s32 $0xFFFFFF80  }
0x93: {  	v15 =	vor.u32 s25, v33;
	v14 =	vor.u32 s25, v34;
	v13 =	vor.u32 s25, v35;
	v32 =	vld [tilespmem:s25+$0x0]  }
0x94: {  	v12 =	vor.u32 s25, v36;
	v11 =	vor.u32 s25, v37;
	v10 =	vor.u32 s25, v38;
	v33 =	vld [tilespmem:s25+$0x2000]  }
0x95: {  	v9 =	vor.u32 s25, v39;
	v8 =	vor.u32 s25, v40;
	v7 =	vor.u32 s25, v41;
	v34 =	vld [tilespmem:s25+$0x10]  }
0x96: {  	v6 =	vor.u32 s25, v42;
	v5 =	vor.u32 s25, v43;
	v4 =	vor.u32 s25, v44;
	v36 =	vld [tilespmem:s25+$0x2010]  }
0x97: {  	v35 =	vor.u32 $0x1E0, v53;
	v0 =	vimm.f32 $0.0e+00;
	v3 =	vor.u32 s25, v45;
	v47 =	vld [tilespmem:s25+$0x2020]  }
0x98: {  	v2 =	vor.u32 s25, v35;
	vm10 =	veq.s32 v56, s5;
	vm1 =	veq.s32 v26, s5;
	v49 =	vld [tilespmem:s25+$0x2030]  }
0x99: {  	vm2 =	veq.s32 v27, s5;
	vm11 =	veq.s32 v28, s5;
	vm12 =	veq.s32 v29, s5;
	v60 =	vld [tilespmem:s25+$0x2050]  }
0x9a: {  	vm13 =	veq.s32 v30, s5;
	vm14 =	veq.s32 v31, s5;
	v38 =	vld [tilespmem:s25+$0x30];
	v33 =	vadd.f32 $1.000000000e+00, v33  }
0x9b: {  	v46 =	vsel vm10, $0x3F800000, v0;
	v48 =	vsel vm1, $0x3F800000, v0;
	v37 =	vld [tilespmem:s25+$0x20];
	v50 =	vadd.f32 $1.000000000e+00, v36  }
0x9c: {  	v51 =	vsel vm2, $0x3F800000, v0;
	v26 =	vadd.f32 $1.000000000e+00, v47;
	v33 =	vsel vm10, $0x0, v33  }
0x9d: {  	v56 =	vsel vm11, $0x3F800000, v0;
	v57 =	vld [tilespmem:s25+$0x50];
	v27 =	vadd.f32 $1.000000000e+00, v49;
	v55 =	vsel vm1, $0x0, v50;
	[tilespmem:s25+$0x2000] =	vst v33  }
0x9e: {  	v62 =	vld [tilespmem:s25+$0x60];
	v32 =	vadd.f32 v46, v32;
	v45 =	vadd.f32 $1.000000000e+00, v60;
	v26 =	vsel vm2, $0x0, v26;
	[tilespmem:s25+$0x2010] =	vst v55  }
0x9f: {  	v39 =	vld [tilespmem:s25+$0x40];
	v34 =	vadd.f32 v48, v34;
	v59 =	vadd.f32 v38, v56;
	v38 =	vsel vm11, $0x0, v27;
	[tilespmem:s25+$0x2020] =	vst v26  }
0xa0: {  	v43 =	vld [tilespmem:s25+$0x2070];
	v53 =	vadd.f32 v37, v51;
	v32 =	vmul.f32 $9.990000120e-01, v32;
	v49 =	vsel vm13, $0x0, v45;
	[tilespmem:s25+$0x2030] =	vst v38  }
0xa1: {  	vm15 =	veq.s32 v25, s5;
	v40 =	vsel vm13, $0x3F800000, v0;
	v54 =	vld [tilespmem:s25+$0x2040];
	v52 =	vmul.f32 $9.990000120e-01, v34;
	[tilespmem:s25+$0x2050] =	vst v49  }
0xa2: {  	v41 =	vld [tilespmem:s25+$0x70];
	v28 =	vadd.f32 v57, v40;
	v46 =	vsel vm14, $0x3F800000, v0;
	v58 =	vmul.f32 $9.990000120e-01, v53;
	[tilespmem:s25+$0x0] =	vst v32  }
0xa3: {  	vm4 =	veq.s32 v24, s5;
	v37 =	vld [tilespmem:s25+$0x2060];
	v29 =	vadd.f32 v62, v46;
	v63 =	vmul.f32 $9.990000120e-01, v59;
	[tilespmem:s25+$0x10] =	vst v52  }
0xa4: {  	vm5 =	veq.s32 v23, s5;
	vm6 =	veq.s32 v22, s5;
	v47 =	vld [tilespmem:s25+$0x80];
	v28 =	vmul.f32 $9.990000120e-01, v28;
	[tilespmem:s25+$0x20] =	vst v58  }
0xa5: {  	v61 =	vsel vm12, $0x3F800000, v0;
	v48 =	vld [tilespmem:s25+$0x2080];
	v57 =	vadd.f32 $1.000000000e+00, v43;
	v53 =	vmul.f32 $9.990000120e-01, v29;
	[tilespmem:s25+$0x30] =	vst v63  }
0xa6: {  	v51 =	vsel vm15, $0x3F800000, v0;
	v36 =	vld [tilespmem:s25+$0x20B0];
	v33 =	vadd.f32 v39, v61;
	v39 =	vadd.f32 $1.000000000e+00, v54;
	[tilespmem:s25+$0x50] =	vst v28  }
0xa7: {  	vm7 =	veq.s32 v21, s5;
	v62 =	vld [tilespmem:s25+$0x20A0];
	v54 =	vadd.f32 v41, v51;
	v63 =	vsel vm15, $0x0, v57;
	[tilespmem:s25+$0x60] =	vst v53  }
0xa8: {  	vm8 =	veq.s32 v20, s5;
	v59 =	vld [tilespmem:s25+$0xA0];
	v42 =	vmul.f32 $9.990000120e-01, v33;
	v44 =	vsel vm12, $0x0, v39;
	[tilespmem:s25+$0x2070] =	vst v63  }
0xa9: {  	vm9 =	veq.s32 v19, s5;
	v45 =	vld [tilespmem:s25+$0x20E0];
	v50 =	vadd.f32 $1.000000000e+00, v37;
	v60 =	vmul.f32 $9.990000120e-01, v54;
	[tilespmem:s25+$0x2040] =	vst v44  }
0xaa: {  	v40 =	vsel vm7, $0x3F800000, v0;
	v55 =	vld [tilespmem:s25+$0x2090];
	v58 =	vsel vm4, $0x3F800000, v0;
	v25 =	vadd.f32 $1.000000000e+00, v48;
	[tilespmem:s25+$0x40] =	vst v42  }
0xab: {  	v34 =	vld [tilespmem:s25+$0xB0];
	v61 =	vadd.f32 v47, v58;
	v22 =	vadd.f32 $1.000000000e+00, v36;
	v56 =	vsel vm14, $0x0, v50;
	[tilespmem:s25+$0x70] =	vst v60  }
0xac: {  	v46 =	vsel vm9, $0x3F800000, v0;
	vm10 =	veq.s32 v18, s5;
	v51 =	vld [tilespmem:s25+$0x2100];
	v25 =	vsel vm4, $0x0, v25;
	[tilespmem:s25+$0x2060] =	vst v56  }
0xad: {  	v52 =	vld [tilespmem:s25+$0x90];
	v23 =	vadd.f32 $1.000000000e+00, v62;
	v35 =	vmul.f32 $9.990000120e-01, v61;
	v22 =	vsel vm7, $0x0, v22;
	[tilespmem:s25+$0x2080] =	vst v25  }
0xae: {  	vm11 =	veq.s32 v17, s5;
	v57 =	vld [tilespmem:s25+$0x2120];
	v37 =	vsel vm6, $0x3F800000, v0;
	v19 =	vadd.f32 $1.000000000e+00, v45;
	[tilespmem:s25+$0x20B0] =	vst v22  }
0xaf: {  	v32 =	vld [tilespmem:s25+$0x2170];
	v26 =	vadd.f32 v59, v37;
	v24 =	vadd.f32 $1.000000000e+00, v55;
	v23 =	vsel vm6, $0x0, v23;
	[tilespmem:s25+$0x80] =	vst v35  }
0xb0: {  	vm13 =	veq.s32 v15, s5;
	v41 =	vld [tilespmem:s25+$0xD0];
	v25 =	vadd.f32 v34, v40;
	[tilespmem:s25+$0x20A0] =	vst v23;
	v19 =	vsel vm10, $0x0, v19  }
0xb1: {  	v39 =	vld [tilespmem:s25+$0x20C0];
	v17 =	vadd.f32 $1.000000000e+00, v51;
	v26 =	vmul.f32 $9.990000120e-01, v26;
	v24 =	vsel vm5, $0x0, v24;
	[tilespmem:s25+$0x20E0] =	vst v19  }
0xb2: {  	v33 =	vsel vm5, $0x3F800000, v0;
	v48 =	vld [tilespmem:s25+$0x20F0];
	vm12 =	veq.s32 v16, s5;
	vm14 =	veq.s32 v14, s5;
	[tilespmem:s25+$0x2090] =	vst v24  }
0xb3: {  	v53 =	vld [tilespmem:s25+$0x110];
	v15 =	vadd.f32 $1.000000000e+00, v57;
	v25 =	vmul.f32 $9.990000120e-01, v25;
	v17 =	vsel vm12, $0x0, v17;
	[tilespmem:s25+$0xA0] =	vst v26  }
0xb4: {  	v54 =	vld [tilespmem:s25+$0x2110];
	vm6 =	veq.s32 v10, s5;
	v27 =	vadd.f32 v52, v33;
	v10 =	vadd.f32 $1.000000000e+00, v32;
	[tilespmem:s25+$0x2100] =	vst v17  }
0xb5: {  	v63 =	vld [tilespmem:s25+$0x2140];
	vm7 =	veq.s32 v9, s5;
	v23 =	vadd.f32 v41, v46;
	v15 =	vsel vm14, $0x0, v15;
	[tilespmem:s25+$0xB0] =	vst v25  }
0xb6: {  	v29 =	vld [tilespmem:s25+$0x2160];
	v21 =	vadd.f32 $1.000000000e+00, v39;
	v27 =	vmul.f32 $9.990000120e-01, v27;
	v10 =	vsel vm7, $0x0, v10;
	[tilespmem:s25+$0x2120] =	vst v15  }
0xb7: {  	v1 =	vor.u32 s25, v1;
	v43 =	vsel vm8, $0x3F800000, v0;
	v38 =	vld [tilespmem:s25+$0xC0];
	vm15 =	veq.s32 v13, s5;
	[tilespmem:s25+$0x2170] =	vst v10  }
0xb8: {  	v44 =	vld [tilespmem:s25+$0xE0];
	v18 =	vadd.f32 $1.000000000e+00, v48;
	v23 =	vmul.f32 $9.990000120e-01, v23;
	v21 =	vsel vm8, $0x0, v21;
	[tilespmem:s25+$0x90] =	vst v27  }
0xb9: {  	v58 =	vsel vm13, $0x3F800000, v0;
	v42 =	vld [tilespmem:s25+$0x20D0];
	vm4 =	veq.s32 v12, s5;
	v16 =	vadd.f32 $1.000000000e+00, v54;
	[tilespmem:s25+$0x20C0] =	vst v21  }
0xba: {  	v60 =	vld [tilespmem:s25+$0x2130];
	v19 =	vadd.f32 v53, v58;
	v13 =	vadd.f32 $1.000000000e+00, v63;
	v18 =	vsel vm11, $0x0, v18;
	[tilespmem:s25+$0xD0] =	vst v23  }
0xbb: {  	v47 =	vld [tilespmem:s25+$0xF0];
	vm5 =	veq.s32 v11, s5;
	v11 =	vadd.f32 $1.000000000e+00, v29;
	v16 =	vsel vm13, $0x0, v16;
	[tilespmem:s25+$0x20F0] =	vst v18  }
0xbc: {  	v49 =	vsel vm10, $0x3F800000, v0;
	v56 =	vld [tilespmem:s25+$0x120];
	v24 =	vadd.f32 v38, v43;
	v13 =	vsel vm4, $0x0, v13;
	[tilespmem:s25+$0x2110] =	vst v16  }
0xbd: {  	v31 =	vld [tilespmem:s25+$0x170];
	v55 =	vsel vm12, $0x3F800000, v0;
	v19 =	vmul.f32 $9.990000120e-01, v19;
	v11 =	vsel vm6, $0x0, v11;
	[tilespmem:s25+$0x2140] =	vst v13  }
0xbe: {  	v40 =	vld [tilespmem:s25+$0x1A0];
	v22 =	vadd.f32 v44, v49;
	v20 =	vadd.f32 $1.000000000e+00, v42;
	v24 =	vmul.f32 $9.990000120e-01, v24;
	[tilespmem:s25+$0x2160] =	vst v11  }
0xbf: {  	v61 =	vsel vm14, $0x3F800000, v0;
	v52 =	vsel vm11, $0x3F800000, v0;
	v35 =	vld [tilespmem:s25+$0x2180];
	v14 =	vadd.f32 $1.000000000e+00, v60;
	[tilespmem:s25+$0x110] =	vst v19  }
0xc0: {  	v62 =	vld [tilespmem:s25+$0x140];
	v22 =	vmul.f32 $9.990000120e-01, v22;
	v21 =	vadd.f32 v47, v52;
	v20 =	vsel vm9, $0x0, v20;
	[tilespmem:s25+$0xC0] =	vst v24  }
0xc1: {  	v36 =	vsel vm7, $0x3F800000, v0;
	v41 =	vld [tilespmem:s25+$0x21A0];
	vm10 =	veq.s32 v6, s5;
	v18 =	vadd.f32 v56, v61;
	[tilespmem:s25+$0x20D0] =	vst v20  }
0xc2: {  	v50 =	vld [tilespmem:s25+$0x100];
	v13 =	vadd.f32 v31, v36;
	v14 =	vsel vm15, $0x0, v14;
	[tilespmem:s25+$0xE0] =	vst v22;
	v21 =	vmul.f32 $9.990000120e-01, v21  }
0xc3: {  	v45 =	vsel vm10, $0x3F800000, v0;
	v53 =	vld [tilespmem:s25+$0x21E0];
	v27 =	vsel vm4, $0x3F800000, v0;
	v18 =	vmul.f32 $9.990000120e-01, v18;
	[tilespmem:s25+$0x2130] =	vst v14  }
0xc4: {  	v58 =	vld [tilespmem:s25+$0x21F0];
	v10 =	vadd.f32 v40, v45;
	v9 =	vadd.f32 $1.000000000e+00, v35;
	v13 =	vmul.f32 $9.990000120e-01, v13;
	[tilespmem:s25+$0xF0] =	vst v21  }
0xc5: {  	v28 =	vld [tilespmem:s25+$0x160];
	vm8 =	veq.s32 v8, s5;
	v16 =	vadd.f32 v62, v27;
	vm9 =	veq.s32 v7, s5;
	[tilespmem:s25+$0x120] =	vst v18  }
0xc6: {  	v26 =	vld [tilespmem:s25+$0x2150];
	v7 =	vadd.f32 $1.000000000e+00, v41;
	v10 =	vmul.f32 $9.990000120e-01, v10;
	v9 =	vsel vm8, $0x0, v9;
	[tilespmem:s25+$0x170] =	vst v13  }
0xc7: {  	v59 =	vld [tilespmem:s25+$0x130];
	v33 =	vsel vm6, $0x3F800000, v0;
	vm14 =	veq.s32 v2, s5;
	vm13 =	veq.s32 v3, s5;
	[tilespmem:s25+$0x2180] =	vst v9  }
0xc8: {  	v38 =	vld [tilespmem:s25+$0x2190];
	v3 =	vadd.f32 $1.000000000e+00, v53;
	v16 =	vmul.f32 $9.990000120e-01, v16;
	v7 =	vsel vm10, $0x0, v7;
	[tilespmem:s25+$0x1A0] =	vst v10  }
0xc9: {  	v44 =	vld [tilespmem:s25+$0x21B0];
	v20 =	vadd.f32 v50, v55;
	v24 =	vsel vm15, $0x3F800000, v0;
	v62 =	vadd.f32 $1.000000000e+00, v58;
	[tilespmem:s25+$0x21A0] =	vst v7  }
0xca: {  	v37 =	vld [tilespmem:s25+$0x190];
	v14 =	vadd.f32 v28, v33;
	vm15 =	veq.s32 v1, s5;
	v61 =	vsel vm14, $0x0, v3;
	[tilespmem:s25+$0x140] =	vst v16  }
0xcb: {  	v25 =	vld [tilespmem:s25+$0x150];
	v12 =	vadd.f32 $1.000000000e+00, v26;
	v20 =	vmul.f32 $9.990000120e-01, v20;
	v63 =	vsel vm15, $0x0, v62;
	[tilespmem:s25+$0x21E0] =	vst v61  }
0xcc: {  	v30 =	vsel vm5, $0x3F800000, v0;
	v43 =	vld [tilespmem:s25+$0x1B0];
	vm11 =	veq.s32 v5, s5;
	[tilespmem:s25+$0x21F0] =	vst v63  }
0xcd: {  	v49 =	vld [tilespmem:s25+$0x1D0];
	v8 =	vadd.f32 $1.000000000e+00, v38;
	v14 =	vmul.f32 $9.990000120e-01, v14;
	v12 =	vsel vm5, $0x0, v12;
	[tilespmem:s25+$0x100] =	vst v20  }
0xce: {  	v47 =	vld [tilespmem:s25+$0x21C0];
	v42 =	vsel vm9, $0x3F800000, v0;
	v17 =	vadd.f32 v59, v24;
	v6 =	vadd.f32 $1.000000000e+00, v44;
	[tilespmem:s25+$0x2150] =	vst v12  }
0xcf: {  	v34 =	vld [tilespmem:s25+$0x180];
	v48 =	vsel vm11, $0x3F800000, v0;
	v11 =	vadd.f32 v37, v42;
	v8 =	vsel vm9, $0x0, v8;
	[tilespmem:s25+$0x160] =	vst v14  }
0xd0: {  	v46 =	vld [tilespmem:s25+$0x1C0];
	v15 =	vadd.f32 v25, v30;
	v17 =	vmul.f32 $9.990000120e-01, v17;
	v6 =	vsel vm11, $0x0, v6;
	[tilespmem:s25+$0x2190] =	vst v8  }
0xd1: {  	vm12 =	veq.s32 v4, s5;
	v52 =	vld [tilespmem:s25+$0x1E0];
	v9 =	vadd.f32 v43, v48;
	v11 =	vmul.f32 $9.990000120e-01, v11;
	[tilespmem:s25+$0x21B0] =	vst v6  }
0xd2: {  	v39 =	vsel vm8, $0x3F800000, v0;
	v54 =	vsel vm13, $0x3F800000, v0;
	v50 =	vld [tilespmem:s25+$0x21D0];
	v15 =	vmul.f32 $9.990000120e-01, v15;
	[tilespmem:s25+$0x130] =	vst v17  }
0xd3: {  	v55 =	vld [tilespmem:s25+$0x1F0];
	v7 =	vadd.f32 v49, v54;
	v5 =	vadd.f32 $1.000000000e+00, v47;
	v9 =	vmul.f32 $9.990000120e-01, v9;
	[tilespmem:s25+$0x190] =	vst v11  }
0xd4: {  	v51 =	vsel vm12, $0x3F800000, v0;
	v12 =	vadd.f32 v34, v39;
	[tilespmem:s25+$0x150] =	vst v15  }
0xd5: {  	v8 =	vadd.f32 v46, v51;
	v7 =	vmul.f32 $9.990000120e-01, v7;
	v56 =	vsel vm12, $0x0, v5;
	[tilespmem:s25+$0x1B0] =	vst v9  }
0xd6: {  	v57 =	vsel vm14, $0x3F800000, v0;
	v0 =	vsel vm15, $0x3F800000, v0;
	v12 =	vmul.f32 $9.990000120e-01, v12;
	[tilespmem:s25+$0x21C0] =	vst v56  }
0xd7: {  	v4 =	vadd.f32 $1.000000000e+00, v50;
	v5 =	vadd.f32 v52, v57;
	v8 =	vmul.f32 $9.990000120e-01, v8;
	[tilespmem:s25+$0x1D0] =	vst v7  }
0xd8: {  	v0 =	vadd.f32 v55, v0;
	[tilespmem:s25+$0x180] =	vst v12  }
0xd9: {  	v59 =	vsel vm13, $0x0, v4;
	v60 =	vmul.f32 $9.990000120e-01, v5;
	[tilespmem:s25+$0x1C0] =	vst v8  }
0xda: {  	v0 =	vmul.f32 $9.990000120e-01, v0;
	[tilespmem:s25+$0x21D0] =	vst v59  }
0xdb: {  	s30 =	sshll.u32 s3, $0x6;
	[tilespmem:s25+$0x1E0] =	vst v60  }
0xdc: {  	s2 =	sadd.s32 s2, s30;
	[tilespmem:s25+$0x1F0] =	vst v0  }
0xdd: {  	[hbm4b:s2+s26] =	stream.linear.scatter [tilespmem:s25], [sflag:$0x1], $0x200, $0x38;
	[tilespmem:$0x4100] =	vst v63  }
0xde: {  	_ =	swait.ge [sflag:s29], $0x200  }
0xdf: {  	[sflag:s29] =	ssyncset.done $0x0  }
0xe0: {  	s31 =	sor.u32 $0x2000, s25;
	s1 =	sadd.s32 s1, s30;
	[sflag:s29] =	ssyncadd.s32 $0xFFFFFE00  }
0xe1: {  	[hbm4b:s1+s26] =	stream.linear.scatter [tilespmem:s31], [sflag:$0x1], $0x200, $0x38;
	[tilespmem:$0x4100] =	vst v63  }
0xe2: {  	_ =	swait.ge [sflag:s29], $0x200  }
0xe3: {  	[sflag:s29] =	ssyncset.done $0x0  }
0xe4: {  	[sflag:s29] =	ssyncadd.s32 $0xFFFFFE00  }
0xe5: {  	_ =	sfence.sel $0x180000  }
0xe6: {  	[bflag:$0x0] =	sbarrier.arrive $0xFFFF  }
0xe7: {  	p0 =	sne.s32 s3, $0x0;
	_ =	strace $0x90000047  }
0xe8: {  	s0 =	sadd.s32 @!p0 $0x100000, s0;
	[bflag:$0x2] =	sbarrier.arrive $0xFFFF  }
0xe9: {  	[sflag:s0] =	ssyncadd.tile.s32 @!p0 $0x1;
	_ =	shalt  }
.Lfunc_end2:
_tile_overlayer_lowered:
.L_overlay_start_2:
0xea: {  	(tag) =	ssettag $0x2  }
0xeb: {  	s0 =	rddreg [dreg:$0x0];
	s2 =	stileid.u32  }
0xec: {  	s1 =	rddreg [dreg:$0x1];
	p0 =	sne.s32 s2, $0x0  }
0xed: {  	s3 =	rddreg [dreg:$0x2];
	[bflag:$0x3] =	sbarrier.arrive $0xFFFF;
	s2 =	simm.s32 @!p0 $0x1C01  }
0xee: {  	[timem:s3], [sflag:s2] =	dma.local @!p0 [hbm:s0], s1  }
0xef: {  	s0 =	simm.s32 @!p0 $0x1  }
0xf0: {  	_ =	swait.ge @!p0 [sflag:s0], s1  }
0xf1: {  	s1 =	ssub.s32 @!p0 $0x0, s1;
	[sflag:s0] =	ssyncset.done @!p0 $0x0  }
0xf2: {  	[sflag:s0] =	ssyncadd.s32 @!p0 s1  }
0xf3: {  	[bflag:$0x3] =	sbarrier.arrive $0xFFFF  }
0xf4: {  	_ =	shalt  }

</sc_bundles>
